<compile_context>
chip_gen: v7x
topology: tpu7x:2x2x1
jax: 0.10.2.dev20260603
libtpu: 0.0.44.dev20260713+nightly
codegen_flags: <defaults>
</compile_context>

<pallas_src>
import functools

import jax
import jax.numpy as jnp
from jax import lax
from jax.experimental import pallas as pl
from jax.experimental.pallas import tpu as pltpu
from jax.experimental.pallas import tpu_sc as plsc

NC = 2
NS = 16
NW = NC * NS
CH = 128



def _relmat(x, W):
    N, D = x.shape
    R, _, DP = W.shape
    BN = 1000
    NB = N // BN

    def body(x_ref, w_ref, o_ref):
        o_ref[...] = jnp.dot(x_ref[...], w_ref[0],
                             preferred_element_type=jnp.float32)

    return pl.pallas_call(
        body,
        grid=(R, NB),
        in_specs=[
            pl.BlockSpec((BN, D), lambda r, n: (n, 0)),
            pl.BlockSpec((1, D, DP), lambda r, n: (r, 0, 0)),
        ],
        out_specs=pl.BlockSpec((BN, DP), lambda r, n: (r * NB + n, 0)),
        out_shape=jax.ShapeDtypeStruct((R * N, DP), jnp.float32),
    )(x, W)


def _act_relmat(hp, b, W):
    _, N, DP = hp.shape
    R = W.shape[0]
    BN = 1000
    NB = N // BN
    b2 = b.reshape(1, DP)

    def body(h0_ref, h1_ref, b_ref, w_ref, o_ref):
        h = h0_ref[0] + h1_ref[0] + b_ref[...]
        h = jnp.where(h >= 0, h, 0.01 * h)
        o_ref[...] = jnp.dot(h, w_ref[0], preferred_element_type=jnp.float32)

    return pl.pallas_call(
        body,
        grid=(R, NB),
        in_specs=[
            pl.BlockSpec((1, BN, DP), lambda r, n: (0, n, 0)),
            pl.BlockSpec((1, BN, DP), lambda r, n: (1, n, 0)),
            pl.BlockSpec((1, DP), lambda r, n: (0, 0)),
            pl.BlockSpec((1, DP, DP), lambda r, n: (r, 0, 0)),
        ],
        out_specs=pl.BlockSpec((BN, DP), lambda r, n: (r * NB + n, 0)),
        out_shape=jax.ShapeDtypeStruct((R * N, DP), jnp.float32),
    )(hp, hp, b2, W)


def _act_scores(hp, b, wpm, bv):
    _, N, DP = hp.shape
    BN = 1000
    NB = N // BN
    b2 = b.reshape(1, DP)
    bv2 = bv.reshape(1, 2)

    def body(h0_ref, h1_ref, b_ref, w_ref, bv_ref, o_ref):
        h = h0_ref[0] + h1_ref[0] + b_ref[...]
        h = jnp.where(h >= 0, h, 0.01 * h)
        o_ref[...] = (jnp.dot(h, w_ref[...],
                              preferred_element_type=jnp.float32)
                      + bv_ref[...])

    return pl.pallas_call(
        body,
        grid=(NB,),
        in_specs=[
            pl.BlockSpec((1, BN, DP), lambda n: (0, n, 0)),
            pl.BlockSpec((1, BN, DP), lambda n: (1, n, 0)),
            pl.BlockSpec((1, DP), lambda n: (0, 0)),
            pl.BlockSpec((DP, 2), lambda n: (0, 0)),
            pl.BlockSpec((1, 2), lambda n: (0, 0)),
        ],
        out_specs=pl.BlockSpec((BN, 2), lambda n: (n, 0)),
        out_shape=jax.ShapeDtypeStruct((N, 2), jnp.float32),
    )(hp, hp, b2, wpm, bv2)



def _edge_layer(table, gidx2, dst2, zrows, N, D, cpw, n_pad):
    chz = n_pad // NS
    G = 8
    NG = cpw // G

    mesh = plsc.VectorSubcoreMesh(core_axis_name="c", subcore_axis_name="s",
                                  num_cores=NC, num_subcores=NS)

    @functools.partial(
        pl.kernel,
        out_type=jax.ShapeDtypeStruct((NC, N, D), jnp.float32),
        mesh=mesh,
        scratch_types=[
            pltpu.VMEM((2, G, CH), jnp.int32),
            pltpu.VMEM((2, G, CH), jnp.int32),
            pltpu.VMEM((CH, D), jnp.float32),
            pltpu.VMEM((CH, D), jnp.float32),
            pltpu.VMEM_SHARED((n_pad, D), jnp.float32),
            pltpu.SemaphoreType.DMA,
            pltpu.SemaphoreType.DMA,
            pltpu.SemaphoreType.DMA,
            pltpu.SemaphoreType.DMA,
            pltpu.SemaphoreType.DMA,
            pltpu.SemaphoreType.DMA,
        ],
    )
    def k(table_hbm, gidx_hbm, dst_hbm, z_hbm, out_hbm,
          gslab, dslab, rows0, rows1, h_sh,
          gsem0, gsem1, ssem0, ssem1, lgsem, ldsem):
        c = lax.axis_index("c")
        s = lax.axis_index("s")
        w = c * NS + s
        base = w * cpw
        rows = (rows0, rows1)
        gsem = (gsem0, gsem1)
        ssem = (ssem0, ssem1)

        def gather_start(p, j, b):
            pltpu.async_copy(table_hbm.at[gslab.at[p, j]], rows[b], gsem[b])

        def gather_wait(b):
            pltpu.make_async_copy(table_hbm.at[pl.ds(0, CH)], rows[b],
                                  gsem[b]).wait()

        def scatter_start(p, j, b):
            pltpu.async_copy(rows[b], h_sh.at[dslab.at[p, j]], ssem[b],
                             add=True)

        def scatter_wait(b):
            pltpu.make_async_copy(rows[b], h_sh.at[pl.ds(0, CH)],
                                  ssem[b]).wait()

        def slabs_start(g_next, p_next):
            pltpu.async_copy(gidx_hbm.at[pl.ds(base + g_next * G, G)],
                             gslab.at[p_next], lgsem)
            pltpu.async_copy(dst_hbm.at[pl.ds(base + g_next * G, G)],
                             dslab.at[p_next], ldsem)

        def slabs_wait(p_next):
            pltpu.make_async_copy(gidx_hbm.at[pl.ds(0, G)], gslab.at[p_next],
                                  lgsem).wait()
            pltpu.make_async_copy(dst_hbm.at[pl.ds(0, G)], dslab.at[p_next],
                                  ldsem).wait()

        pltpu.sync_copy(z_hbm.at[pl.ds(s * chz, chz)],
                        h_sh.at[pl.ds(s * chz, chz)])
        plsc.subcore_barrier()

        pltpu.sync_copy(gidx_hbm.at[pl.ds(base, G)], gslab.at[0])
        pltpu.sync_copy(dst_hbm.at[pl.ds(base, G)], dslab.at[0])
        gather_start(0, 0, 0)

        def group(g, carry):
            p = g % 2
            for j in range(G):
                b = j % 2
                gather_wait(b)
                if j < G - 1:
                    if j == 0:
                        @pl.when(g < NG - 1)
                        def _():
                            slabs_start(g + 1, 1 - p)
                    gather_start(p, j + 1, 1 - b)
                else:
                    @pl.when(g < NG - 1)
                    def _():
                        slabs_wait(1 - p)
                        gather_start(1 - p, 0, 1 - b)
                pltpu.sync_copy(rows[b], h_sh.at[dslab.at[p, j]], add=True)
            return carry

        lax.fori_loop(0, NG, group, 0)
        plsc.subcore_barrier()

        full = N // NS
        del full
        last = N - (NS - 1) * chz

        @pl.when(s < NS - 1)
        def _():
            pltpu.sync_copy(h_sh.at[pl.ds(s * chz, chz)],
                            out_hbm.at[c, pl.ds(s * chz, chz)])

        @pl.when(s == NS - 1)
        def _():
            pltpu.sync_copy(h_sh.at[pl.ds((NS - 1) * chz, last)],
                            out_hbm.at[c, pl.ds((NS - 1) * chz, last)])

    return k(table, gidx2, dst2, zrows)


def _pair_probs(s_flat, head3, tail3, ppw, n2):
    it = ppw // 16

    mesh = plsc.VectorSubcoreMesh(core_axis_name="c", subcore_axis_name="s",
                                  num_cores=NC, num_subcores=NS)

    @functools.partial(
        pl.kernel,
        out_type=jax.ShapeDtypeStruct((NW, it, 16), jnp.float32),
        mesh=mesh,
        scratch_types=[
            pltpu.VMEM((n2,), jnp.float32),
            pltpu.VMEM((it, 16), jnp.int32),
            pltpu.VMEM((it, 16), jnp.int32),
            pltpu.VMEM((it, 16), jnp.float32),
        ],
        compiler_params=pltpu.CompilerParams(needs_layout_passes=False),
    )
    def k(s_hbm, head_hbm, tail_hbm, out_hbm, sv, hv, tv, ov):
        c = lax.axis_index("c")
        s = lax.axis_index("s")
        w = c * NS + s
        pltpu.sync_copy(s_hbm, sv)
        pltpu.sync_copy(head_hbm.at[w], hv)
        pltpu.sync_copy(tail_hbm.at[w], tv)

        def body(i, carry):
            ha = hv[i] * 2
            ta = tv[i] * 2 + 1
            a = plsc.load_gather(sv, [ha])
            b = plsc.load_gather(sv, [ta])
            z = a + b
            ov[i] = 1.0 / (1.0 + jnp.exp(-z))
            return carry

        lax.fori_loop(0, it, body, 0)
        pltpu.sync_copy(ov, out_hbm.at[w])

    return k(s_flat, head3, tail3)



def kernel(n_feats, edge_index, edge_type, head_nids, tail_nids,
           W1, b1, W2, b2, Wp, bp):
    N, D = n_feats.shape
    R = W1.shape[0]
    E = edge_type.shape[0]
    P = head_nids.shape[0]

    src = edge_index[0]
    dst = edge_index[1]

    cpw = -(-(-(-E // (NW * CH))) // 8) * 8
    e_pad = NW * CH * cpw
    n_pad = (N // 128 + 1) * 128
    gidx = edge_type * N + src
    gidx3 = jnp.concatenate(
        [gidx, jnp.zeros((e_pad - E,), jnp.int32)]).reshape(NW * cpw, CH)
    dst3 = jnp.concatenate(
        [dst, jnp.full((e_pad - E,), N, jnp.int32)]).reshape(NW * cpw, CH)
    DP = 128
    zrows = jnp.zeros((n_pad, DP), jnp.float32)
    W1p = jnp.pad(W1, ((0, 0), (0, 0), (0, DP - D)))
    W2p = jnp.pad(W2, ((0, 0), (0, DP - D), (0, DP - D)))
    b1p = jnp.pad(b1, (0, DP - D))
    b2p = jnp.pad(b2, (0, DP - D))

    t1 = _relmat(n_feats, W1p)
    hp1 = _edge_layer(t1, gidx3, dst3, zrows, N, DP, cpw, n_pad)

    t2 = _act_relmat(hp1, b1p, W2p)
    hp2 = _edge_layer(t2, gidx3, dst3, zrows, N, DP, cpw, n_pad)

    wpm = jnp.pad(jnp.concatenate([Wp[:D], Wp[D:]], axis=1),
                  ((0, DP - D), (0, 0)))
    bv = jnp.concatenate([bp, jnp.zeros((1,), jnp.float32)])
    s = _act_scores(hp2, b2p, wpm, bv)

    ppw = -(-P // (NW * 16)) * 16
    p_pad = NW * ppw
    head3 = jnp.concatenate(
        [head_nids, jnp.zeros((p_pad - P,), jnp.int32)]).reshape(NW, ppw // 16, 16)
    tail3 = jnp.concatenate(
        [tail_nids, jnp.zeros((p_pad - P,), jnp.int32)]).reshape(NW, ppw // 16, 16)
    probs = _pair_probs(s.reshape(2 * N), head3, tail3, ppw, 2 * N)
    return probs.reshape(p_pad)[:P]

# --- scband reference (transcript-rebuilt; emitter-appended) ---
"""Pipeline reference for scband-gnncoref-model-53085795779365 (READ-ONLY COPY).

The authoritative reference and input builder live on the scoring server;
editing this copy changes nothing except your own understanding.
"""

import jax, jax.numpy as jnp
import numpy as np

N = 10000   # n_nodes
E = 640000  # n_edges
D = 100     # feat dim (fixed by model)
R = 4       # num_rels
P = 100000  # number of coref candidate pairs


def setup_inputs(seed: int = 0) -> dict:
    key = jax.random.key(seed)
    ks = jax.random.split(key, 12)
    n_feats = jax.random.normal(ks[0], (N, D), dtype=jnp.float32)
    edge_index = jax.random.randint(ks[1], (2, E), 0, N, dtype=jnp.int32)
    edge_type = jax.random.randint(ks[2], (E,), 0, R, dtype=jnp.int32)
    head_nids = jax.random.randint(ks[3], (P,), 0, N, dtype=jnp.int32)
    tail_nids = jax.random.randint(ks[4], (P,), 0, N, dtype=jnp.int32)
    # RelGraphConv layer 1 params: per-relation weight [R, D, D] + bias [D]
    W1 = jax.random.normal(ks[5], (R, D, D), dtype=jnp.float32) * 0.05
    b1 = jnp.zeros((D,), dtype=jnp.float32)
    W2 = jax.random.normal(ks[6], (R, D, D), dtype=jnp.float32) * 0.05
    b2 = jnp.zeros((D,), dtype=jnp.float32)
    # prediction layer: Linear(200 -> 1)
    Wp = jax.random.normal(ks[7], (2 * D, 1), dtype=jnp.float32) * 0.05
    bp = jnp.zeros((1,), dtype=jnp.float32)
    return {
        'n_feats': n_feats,
        'edge_index': edge_index,
        'edge_type': edge_type,
        'head_nids': head_nids,
        'tail_nids': tail_nids,
        'W1': W1, 'b1': b1, 'W2': W2, 'b2': b2, 'Wp': Wp, 'bp': bp,
    }


def _rel_graph_conv(x, W, b, src, dst, etype):
    # RelGraphConv (no regularizer, self_loop=False):
    #   m_e = x[src_e] @ W[etype_e];  h_v = sum_{e: dst_e = v} m_e; h = act(h + b)
    # Low-memory formulation: transform all nodes by every relation first,
    # then gather per edge (avoids materializing [E, D, D]).
    xW = jnp.einsum('nd,rde->rne', x, W)        # [R, N, D]
    msgs = xW[etype, src]                       # [E, D] gather
    h = jax.ops.segment_sum(msgs, dst, num_segments=N)  # scatter-add
    h = h + b
    # dropout is identity at inference
    return jax.nn.leaky_relu(h, 0.01)


def reference(n_feats, edge_index, edge_type, head_nids, tail_nids, W1, b1, W2, b2, Wp, bp):
    src = edge_index[0]
    dst = edge_index[1]
    h = _rel_graph_conv(n_feats, W1, b1, src, dst, edge_type)
    h = _rel_graph_conv(h, W2, b2, src, dst, edge_type)
    # gather mention-pair features (index_select over concatenated reference_list)
    heads = h[head_nids]                        # [P, D]
    tails = h[tail_nids]                        # [P, D]
    pairs = jnp.concatenate([heads, tails], axis=-1)  # [P, 2D]
    probs = jax.nn.sigmoid(pairs @ Wp + bp)
    return jnp.squeeze(probs, axis=-1)

if __name__ == "__main__":
    import jax
    _d = setup_inputs()
    print(jax.jit(kernel)(*tuple(_d.values())))

</pallas_src>

<mosaic_0001>
#map = affine_map<(d0, d1) -> (0, 0)>
#map1 = affine_map<(d0, d1) -> (0, 0, 0)>
module attributes {stable_mosaic.version = 14 : i64} {
  func.func @k(%arg0: i32, %arg1: i32, %arg2: memref<40000x128xf32, #tpu.memory_space<hbm>>, %arg3: memref<5120x128xi32, #tpu.memory_space<hbm>>, %arg4: memref<5120x128xi32, #tpu.memory_space<hbm>>, %arg5: memref<10112x128xf32, #tpu.memory_space<hbm>>, %arg6: memref<2x10000x128xf32, #tpu.memory_space<hbm>>, %arg7: memref<2x8x128xi32, #tpu.memory_space<vmem>>, %arg8: memref<2x8x128xi32, #tpu.memory_space<vmem>>, %arg9: memref<128x128xf32, #tpu.memory_space<vmem>>, %arg10: memref<128x128xf32, #tpu.memory_space<vmem>>, %arg11: memref<10112x128xf32, #tpu.memory_space<vmem_shared>>, %arg12: memref<!tpu.dma_semaphore, #tpu.memory_space<semaphore_mem>>, %arg13: memref<!tpu.dma_semaphore, #tpu.memory_space<semaphore_mem>>, %arg14: memref<!tpu.dma_semaphore, #tpu.memory_space<semaphore_mem>>, %arg15: memref<!tpu.dma_semaphore, #tpu.memory_space<semaphore_mem>>, %arg16: memref<!tpu.dma_semaphore, #tpu.memory_space<semaphore_mem>>, %arg17: memref<!tpu.dma_semaphore, #tpu.memory_space<semaphore_mem>>) attributes {dimension_semantics = [#tpu.dimension_semantics<core_parallel>, #tpu.dimension_semantics<subcore_parallel>], iteration_bounds = array<i64: 2, 16>, scalar_prefetch = 0 : i64, scratch_operands = 11 : i64, tpu.core_type = #tpu.core_type<sc_vector_subcore>, window_params = [{transform_indices = #map}, {transform_indices = #map}, {transform_indices = #map}, {transform_indices = #map}, {transform_indices = #map1}]} {
    %mul3A = arith.constant 16 : i32
    %mul3A_0 = arith.muli %arg0, %mul3A : i32
    %add3A = arith.addi %mul3A_0, %arg1 : i32
    %mul3A_1 = arith.constant 160 : i32
    %mul3A_2 = arith.muli %add3A, %mul3A_1 : i32
    %mul3A_3 = arith.constant 632 : i32
    %mul3A_4 = arith.muli %arg1, %mul3A_3 : i32
    %mul3A_5 = arith.constant 632 : i32
    %mul3A_6 = arith.muli %arg1, %mul3A_5 : i32
    "tpu.region"() ({
      %run_scoped3A_27 = tpu.sem_alloc : memref<!tpu.dma_semaphore, #tpu.memory_space<semaphore_mem>>
      %dma_start3A_28 = arith.constant 0 : i32
      %dma_start3A_29 = tpu.memref_slice %arg11[%mul3A_6, %dma_start3A_28] : memref<10112x128xf32, #tpu.memory_space<vmem_shared>> -> memref<632x128xf32, #tpu.memory_space<vmem_shared>>
      %dma_start3A_30 = arith.constant 0 : i32
      %dma_start3A_31 = tpu.memref_slice %arg5[%mul3A_4, %dma_start3A_30] : memref<10112x128xf32, #tpu.memory_space<hbm>> -> memref<632x128xf32, #tpu.memory_space<hbm>>
      tpu.enqueue_dma source(%dma_start3A_31 : memref<632x128xf32, #tpu.memory_space<hbm>>) target(%dma_start3A_29 : memref<632x128xf32, #tpu.memory_space<vmem_shared>>) target_semaphore(%run_scoped3A_27 : memref<!tpu.dma_semaphore, #tpu.memory_space<semaphore_mem>>)
      %dma_wait3A = arith.constant 0 : i32
      %dma_wait3A_32 = tpu.memref_slice %arg11[%mul3A_6, %dma_wait3A] : memref<10112x128xf32, #tpu.memory_space<vmem_shared>> -> memref<632x128xf32, #tpu.memory_space<vmem_shared>>
      %dma_wait3A_33 = arith.constant 0 : i32
      %dma_wait3A_34 = tpu.memref_slice %arg5[%mul3A_4, %dma_wait3A_33] : memref<10112x128xf32, #tpu.memory_space<hbm>> -> memref<632x128xf32, #tpu.memory_space<hbm>>
      tpu.wait_dma2 semaphore(%run_scoped3A_27 : memref<!tpu.dma_semaphore, #tpu.memory_space<semaphore_mem>>) src(%dma_wait3A_34 : memref<632x128xf32, #tpu.memory_space<hbm>>) dst(%dma_wait3A_32 : memref<632x128xf32, #tpu.memory_space<vmem_shared>>)
      tpu.yield
    }) : () -> ()
    %barrier3A = arith.constant 0 : index
    tpu.barrier barrier_id(%barrier3A)
    %run_scoped3A = arith.constant 0 : i32
    "tpu.region"() ({
      %run_scoped3A_27 = tpu.sem_alloc : memref<!tpu.dma_semaphore, #tpu.memory_space<semaphore_mem>>
      %dma_start3A_28 = arith.constant 0 : i32
      %dma_start3A_29 = arith.constant 0 : i32
      %dma_start3A_30 = tpu.memref_slice %arg7[%run_scoped3A, %dma_start3A_28, %dma_start3A_29] : memref<2x8x128xi32, #tpu.memory_space<vmem>> -> memref<1x8x128xi32, #tpu.memory_space<vmem>>
      %dma_start3A_31 = tpu.memref_squeeze %dma_start3A_30 : memref<1x8x128xi32, #tpu.memory_space<vmem>> -> memref<8x128xi32, #tpu.memory_space<vmem>>
      %dma_start3A_32 = arith.constant 0 : i32
      %dma_start3A_33 = tpu.memref_slice %arg3[%mul3A_2, %dma_start3A_32] : memref<5120x128xi32, #tpu.memory_space<hbm>> -> memref<8x128xi32, #tpu.memory_space<hbm>>
      %dma_start3A_34 = arith.constant 0 : i32
      %dma_start3A_35 = arith.constant 0 : i32
      %dma_start3A_36 = tpu.memref_slice %arg7[%run_scoped3A, %dma_start3A_34, %dma_start3A_35] : memref<2x8x128xi32, #tpu.memory_space<vmem>> -> memref<1x8x128xi32, #tpu.memory_space<vmem>>
      %dma_start3A_37 = tpu.memref_squeeze %dma_start3A_36 : memref<1x8x128xi32, #tpu.memory_space<vmem>> -> memref<8x128xi32, #tpu.memory_space<vmem>>
      %dma_start3A_38 = arith.constant 0 : i32
      %dma_start3A_39 = tpu.memref_slice %arg3[%mul3A_2, %dma_start3A_38] : memref<5120x128xi32, #tpu.memory_space<hbm>> -> memref<8x128xi32, #tpu.memory_space<hbm>>
      tpu.enqueue_dma source(%dma_start3A_39 : memref<8x128xi32, #tpu.memory_space<hbm>>) target(%dma_start3A_37 : memref<8x128xi32, #tpu.memory_space<vmem>>) target_semaphore(%run_scoped3A_27 : memref<!tpu.dma_semaphore, #tpu.memory_space<semaphore_mem>>)
      %dma_wait3A = arith.constant 0 : i32
      %dma_wait3A_40 = arith.constant 0 : i32
      %dma_wait3A_41 = tpu.memref_slice %arg7[%run_scoped3A, %dma_wait3A, %dma_wait3A_40] : memref<2x8x128xi32, #tpu.memory_space<vmem>> -> memref<1x8x128xi32, #tpu.memory_space<vmem>>
      %dma_wait3A_42 = tpu.memref_squeeze %dma_wait3A_41 : memref<1x8x128xi32, #tpu.memory_space<vmem>> -> memref<8x128xi32, #tpu.memory_space<vmem>>
      %dma_wait3A_43 = arith.constant 0 : i32
      %dma_wait3A_44 = tpu.memref_slice %arg3[%mul3A_2, %dma_wait3A_43] : memref<5120x128xi32, #tpu.memory_space<hbm>> -> memref<8x128xi32, #tpu.memory_space<hbm>>
      %dma_wait3A_45 = arith.constant 0 : i32
      %dma_wait3A_46 = arith.constant 0 : i32
      %dma_wait3A_47 = tpu.memref_slice %arg7[%run_scoped3A, %dma_wait3A_45, %dma_wait3A_46] : memref<2x8x128xi32, #tpu.memory_space<vmem>> -> memref<1x8x128xi32, #tpu.memory_space<vmem>>
      %dma_wait3A_48 = tpu.memref_squeeze %dma_wait3A_47 : memref<1x8x128xi32, #tpu.memory_space<vmem>> -> memref<8x128xi32, #tpu.memory_space<vmem>>
      %dma_wait3A_49 = arith.constant 0 : i32
      %dma_wait3A_50 = tpu.memref_slice %arg3[%mul3A_2, %dma_wait3A_49] : memref<5120x128xi32, #tpu.memory_space<hbm>> -> memref<8x128xi32, #tpu.memory_space<hbm>>
      tpu.wait_dma2 semaphore(%run_scoped3A_27 : memref<!tpu.dma_semaphore, #tpu.memory_space<semaphore_mem>>) src(%dma_wait3A_50 : memref<8x128xi32, #tpu.memory_space<hbm>>) dst(%dma_wait3A_48 : memref<8x128xi32, #tpu.memory_space<vmem>>)
      tpu.yield
    }) : () -> ()
    %run_scoped3A_7 = arith.constant 0 : i32
    "tpu.region"() ({
      %run_scoped3A_27 = tpu.sem_alloc : memref<!tpu.dma_semaphore, #tpu.memory_space<semaphore_mem>>
      %dma_start3A_28 = arith.constant 0 : i32
      %dma_start3A_29 = arith.constant 0 : i32
      %dma_start3A_30 = tpu.memref_slice %arg8[%run_scoped3A_7, %dma_start3A_28, %dma_start3A_29] : memref<2x8x128xi32, #tpu.memory_space<vmem>> -> memref<1x8x128xi32, #tpu.memory_space<vmem>>
      %dma_start3A_31 = tpu.memref_squeeze %dma_start3A_30 : memref<1x8x128xi32, #tpu.memory_space<vmem>> -> memref<8x128xi32, #tpu.memory_space<vmem>>
      %dma_start3A_32 = arith.constant 0 : i32
      %dma_start3A_33 = tpu.memref_slice %arg4[%mul3A_2, %dma_start3A_32] : memref<5120x128xi32, #tpu.memory_space<hbm>> -> memref<8x128xi32, #tpu.memory_space<hbm>>
      %dma_start3A_34 = arith.constant 0 : i32
      %dma_start3A_35 = arith.constant 0 : i32
      %dma_start3A_36 = tpu.memref_slice %arg8[%run_scoped3A_7, %dma_start3A_34, %dma_start3A_35] : memref<2x8x128xi32, #tpu.memory_space<vmem>> -> memref<1x8x128xi32, #tpu.memory_space<vmem>>
      %dma_start3A_37 = tpu.memref_squeeze %dma_start3A_36 : memref<1x8x128xi32, #tpu.memory_space<vmem>> -> memref<8x128xi32, #tpu.memory_space<vmem>>
      %dma_start3A_38 = arith.constant 0 : i32
      %dma_start3A_39 = tpu.memref_slice %arg4[%mul3A_2, %dma_start3A_38] : memref<5120x128xi32, #tpu.memory_space<hbm>> -> memref<8x128xi32, #tpu.memory_space<hbm>>
      tpu.enqueue_dma source(%dma_start3A_39 : memref<8x128xi32, #tpu.memory_space<hbm>>) target(%dma_start3A_37 : memref<8x128xi32, #tpu.memory_space<vmem>>) target_semaphore(%run_scoped3A_27 : memref<!tpu.dma_semaphore, #tpu.memory_space<semaphore_mem>>)
      %dma_wait3A = arith.constant 0 : i32
      %dma_wait3A_40 = arith.constant 0 : i32
      %dma_wait3A_41 = tpu.memref_slice %arg8[%run_scoped3A_7, %dma_wait3A, %dma_wait3A_40] : memref<2x8x128xi32, #tpu.memory_space<vmem>> -> memref<1x8x128xi32, #tpu.memory_space<vmem>>
      %dma_wait3A_42 = tpu.memref_squeeze %dma_wait3A_41 : memref<1x8x128xi32, #tpu.memory_space<vmem>> -> memref<8x128xi32, #tpu.memory_space<vmem>>
      %dma_wait3A_43 = arith.constant 0 : i32
      %dma_wait3A_44 = tpu.memref_slice %arg4[%mul3A_2, %dma_wait3A_43] : memref<5120x128xi32, #tpu.memory_space<hbm>> -> memref<8x128xi32, #tpu.memory_space<hbm>>
      %dma_wait3A_45 = arith.constant 0 : i32
      %dma_wait3A_46 = arith.constant 0 : i32
      %dma_wait3A_47 = tpu.memref_slice %arg8[%run_scoped3A_7, %dma_wait3A_45, %dma_wait3A_46] : memref<2x8x128xi32, #tpu.memory_space<vmem>> -> memref<1x8x128xi32, #tpu.memory_space<vmem>>
      %dma_wait3A_48 = tpu.memref_squeeze %dma_wait3A_47 : memref<1x8x128xi32, #tpu.memory_space<vmem>> -> memref<8x128xi32, #tpu.memory_space<vmem>>
      %dma_wait3A_49 = arith.constant 0 : i32
      %dma_wait3A_50 = tpu.memref_slice %arg4[%mul3A_2, %dma_wait3A_49] : memref<5120x128xi32, #tpu.memory_space<hbm>> -> memref<8x128xi32, #tpu.memory_space<hbm>>
      tpu.wait_dma2 semaphore(%run_scoped3A_27 : memref<!tpu.dma_semaphore, #tpu.memory_space<semaphore_mem>>) src(%dma_wait3A_50 : memref<8x128xi32, #tpu.memory_space<hbm>>) dst(%dma_wait3A_48 : memref<8x128xi32, #tpu.memory_space<vmem>>)
      tpu.yield
    }) : () -> ()
    %dma_start3A = arith.constant 0 : i32
    %dma_start3A_8 = arith.constant 0 : i32
    %dma_start3A_9 = arith.constant 0 : i32
    %dma_start3A_10 = tpu.memref_slice %arg7[%dma_start3A, %dma_start3A_8, %dma_start3A_9] : memref<2x8x128xi32, #tpu.memory_space<vmem>> -> memref<1x1x128xi32, #tpu.memory_space<vmem>>
    %dma_start3A_11 = tpu.memref_squeeze %dma_start3A_10 : memref<1x1x128xi32, #tpu.memory_space<vmem>> -> memref<128xi32, #tpu.memory_space<vmem>>
    %dma_start3A_12 = arith.constant 0 : i32
    %dma_start3A_13 = arith.constant 0 : i32
    %dma_start3A_14 = tpu.memref_slice %arg2[%dma_start3A_12, %dma_start3A_13] : memref<40000x128xf32, #tpu.memory_space<hbm>> -> memref<40000x128xf32, #tpu.memory_space<hbm>>
    tpu.enqueue_indirect_dma source(%dma_start3A_14 : memref<40000x128xf32, #tpu.memory_space<hbm>>) target(%arg9 : memref<128x128xf32, #tpu.memory_space<vmem>>) offsets(%dma_start3A_11 : memref<128xi32, #tpu.memory_space<vmem>>) semaphore(%arg12 : memref<!tpu.dma_semaphore, #tpu.memory_space<semaphore_mem>>)
    %scan3A = arith.constant 0 : i32
    %scan3A_15 = arith.constant 0 : i32
    %scan3A_16 = arith.constant 20 : i32
    %scan3A_17 = arith.addi %scan3A_15, %scan3A_16 : i32
    %scan3A_18 = arith.constant 1 : i32
    scf.for %scan3A_27 = %scan3A_15 to %scan3A_17 step %scan3A_18  : i32 {
      %jit3A = arith.constant 2 : i32
      %eq3A_28 = arith.constant 0 : i32
      %eq3A_29 = arith.cmpi eq, %jit3A, %eq3A_28 : i32
      %jit3A_30 = arith.constant 1 : i32
      %select_n3A = arith.select %eq3A_29, %jit3A_30, %jit3A : i32
      %rem3A = arith.remsi %scan3A_27, %select_n3A : i32
      %ne3A = arith.constant 0 : i32
      %ne3A_31 = arith.cmpi ne, %rem3A, %ne3A : i32
      %lt3A_32 = arith.constant 0 : i32
      %lt3A_33 = arith.cmpi slt, %rem3A, %lt3A_32 : i32
      %lt3A_34 = arith.constant 0 : i32
      %lt3A_35 = arith.cmpi slt, %select_n3A, %lt3A_34 : i32
      %ne3A_36 = arith.xori %lt3A_33, %lt3A_35 : i1
      %and3A = arith.andi %ne3A_36, %ne3A_31 : i1
      %add3A_37 = arith.addi %rem3A, %select_n3A : i32
      %select_n3A_38 = arith.select %and3A, %add3A_37, %rem3A : i32
      %dma_wait3A = arith.constant 0 : i32
      %dma_wait3A_39 = arith.constant 0 : i32
      %dma_wait3A_40 = tpu.memref_slice %arg2[%dma_wait3A, %dma_wait3A_39] : memref<40000x128xf32, #tpu.memory_space<hbm>> -> memref<128x128xf32, #tpu.memory_space<hbm>>
      %dma_wait3A_41 = arith.constant 0 : i32
      %dma_wait3A_42 = arith.constant 0 : i32
      %dma_wait3A_43 = tpu.memref_slice %arg2[%dma_wait3A_41, %dma_wait3A_42] : memref<40000x128xf32, #tpu.memory_space<hbm>> -> memref<128x128xf32, #tpu.memory_space<hbm>>
      tpu.wait_dma2 semaphore(%arg12 : memref<!tpu.dma_semaphore, #tpu.memory_space<semaphore_mem>>) src(%dma_wait3A_43 : memref<128x128xf32, #tpu.memory_space<hbm>>) dst(%arg9 : memref<128x128xf32, #tpu.memory_space<vmem>>)
      %lt3A_44 = arith.constant 19 : i32
      %lt3A_45 = arith.cmpi slt, %scan3A_27, %lt3A_44 : i32
      %convert_element_type3A_46 = arith.extui %lt3A_45 : i1 to i32
      %cond3A_47 = arith.constant 0 : i32
      %cond3A_48 = arith.cmpi ne, %convert_element_type3A_46, %cond3A_47 : i32
      scf.if %cond3A_48 {
        %add3A_153 = arith.constant 1 : i32
        %add3A_154 = arith.addi %scan3A_27, %add3A_153 : i32
        %sub3A = arith.constant 1 : i32
        %sub3A_155 = arith.subi %sub3A, %select_n3A_38 : i32
        %mul3A_156 = arith.constant 8 : i32
        %mul3A_157 = arith.muli %add3A_154, %mul3A_156 : i32
        %add3A_158 = arith.addi %mul3A_2, %mul3A_157 : i32
        %dma_start3A_159 = arith.constant 0 : i32
        %dma_start3A_160 = arith.constant 0 : i32
        %dma_start3A_161 = tpu.memref_slice %arg7[%sub3A_155, %dma_start3A_159, %dma_start3A_160] : memref<2x8x128xi32, #tpu.memory_space<vmem>> -> memref<1x8x128xi32, #tpu.memory_space<vmem>>
        %dma_start3A_162 = tpu.memref_squeeze %dma_start3A_161 : memref<1x8x128xi32, #tpu.memory_space<vmem>> -> memref<8x128xi32, #tpu.memory_space<vmem>>
        %dma_start3A_163 = arith.constant 0 : i32
        %dma_start3A_164 = tpu.memref_slice %arg3[%add3A_158, %dma_start3A_163] : memref<5120x128xi32, #tpu.memory_space<hbm>> -> memref<8x128xi32, #tpu.memory_space<hbm>>
        %dma_start3A_165 = arith.constant 0 : i32
        %dma_start3A_166 = arith.constant 0 : i32
        %dma_start3A_167 = tpu.memref_slice %arg7[%sub3A_155, %dma_start3A_165, %dma_start3A_166] : memref<2x8x128xi32, #tpu.memory_space<vmem>> -> memref<1x8x128xi32, #tpu.memory_space<vmem>>
        %dma_start3A_168 = tpu.memref_squeeze %dma_start3A_167 : memref<1x8x128xi32, #tpu.memory_space<vmem>> -> memref<8x128xi32, #tpu.memory_space<vmem>>
        %dma_start3A_169 = arith.constant 0 : i32
        %dma_start3A_170 = tpu.memref_slice %arg3[%add3A_158, %dma_start3A_169] : memref<5120x128xi32, #tpu.memory_space<hbm>> -> memref<8x128xi32, #tpu.memory_space<hbm>>
        tpu.enqueue_dma source(%dma_start3A_170 : memref<8x128xi32, #tpu.memory_space<hbm>>) target(%dma_start3A_168 : memref<8x128xi32, #tpu.memory_space<vmem>>) target_semaphore(%arg16 : memref<!tpu.dma_semaphore, #tpu.memory_space<semaphore_mem>>)
        %mul3A_171 = arith.constant 8 : i32
        %mul3A_172 = arith.muli %add3A_154, %mul3A_171 : i32
        %add3A_173 = arith.addi %mul3A_2, %mul3A_172 : i32
        %dma_start3A_174 = arith.constant 0 : i32
        %dma_start3A_175 = arith.constant 0 : i32
        %dma_start3A_176 = tpu.memref_slice %arg8[%sub3A_155, %dma_start3A_174, %dma_start3A_175] : memref<2x8x128xi32, #tpu.memory_space<vmem>> -> memref<1x8x128xi32, #tpu.memory_space<vmem>>
        %dma_start3A_177 = tpu.memref_squeeze %dma_start3A_176 : memref<1x8x128xi32, #tpu.memory_space<vmem>> -> memref<8x128xi32, #tpu.memory_space<vmem>>
        %dma_start3A_178 = arith.constant 0 : i32
        %dma_start3A_179 = tpu.memref_slice %arg4[%add3A_173, %dma_start3A_178] : memref<5120x128xi32, #tpu.memory_space<hbm>> -> memref<8x128xi32, #tpu.memory_space<hbm>>
        %dma_start3A_180 = arith.constant 0 : i32
        %dma_start3A_181 = arith.constant 0 : i32
        %dma_start3A_182 = tpu.memref_slice %arg8[%sub3A_155, %dma_start3A_180, %dma_start3A_181] : memref<2x8x128xi32, #tpu.memory_space<vmem>> -> memref<1x8x128xi32, #tpu.memory_space<vmem>>
        %dma_start3A_183 = tpu.memref_squeeze %dma_start3A_182 : memref<1x8x128xi32, #tpu.memory_space<vmem>> -> memref<8x128xi32, #tpu.memory_space<vmem>>
        %dma_start3A_184 = arith.constant 0 : i32
        %dma_start3A_185 = tpu.memref_slice %arg4[%add3A_173, %dma_start3A_184] : memref<5120x128xi32, #tpu.memory_space<hbm>> -> memref<8x128xi32, #tpu.memory_space<hbm>>
        tpu.enqueue_dma source(%dma_start3A_185 : memref<8x128xi32, #tpu.memory_space<hbm>>) target(%dma_start3A_183 : memref<8x128xi32, #tpu.memory_space<vmem>>) target_semaphore(%arg17 : memref<!tpu.dma_semaphore, #tpu.memory_space<semaphore_mem>>)
      } else {
      }
      %dma_start3A_49 = arith.constant 1 : i32
      %dma_start3A_50 = arith.constant 0 : i32
      %dma_start3A_51 = tpu.memref_slice %arg7[%select_n3A_38, %dma_start3A_49, %dma_start3A_50] : memref<2x8x128xi32, #tpu.memory_space<vmem>> -> memref<1x1x128xi32, #tpu.memory_space<vmem>>
      %dma_start3A_52 = tpu.memref_squeeze %dma_start3A_51 : memref<1x1x128xi32, #tpu.memory_space<vmem>> -> memref<128xi32, #tpu.memory_space<vmem>>
      %dma_start3A_53 = arith.constant 0 : i32
      %dma_start3A_54 = arith.constant 0 : i32
      %dma_start3A_55 = tpu.memref_slice %arg2[%dma_start3A_53, %dma_start3A_54] : memref<40000x128xf32, #tpu.memory_space<hbm>> -> memref<40000x128xf32, #tpu.memory_space<hbm>>
      tpu.enqueue_indirect_dma source(%dma_start3A_55 : memref<40000x128xf32, #tpu.memory_space<hbm>>) target(%arg10 : memref<128x128xf32, #tpu.memory_space<vmem>>) offsets(%dma_start3A_52 : memref<128xi32, #tpu.memory_space<vmem>>) semaphore(%arg13 : memref<!tpu.dma_semaphore, #tpu.memory_space<semaphore_mem>>)
      %run_scoped3A_56 = arith.constant 0 : i32
      "tpu.region"() ({
        %run_scoped3A_153 = tpu.sem_alloc : memref<!tpu.dma_semaphore, #tpu.memory_space<semaphore_mem>>
        %dma_start3A_154 = arith.constant 0 : i32
        %dma_start3A_155 = tpu.memref_slice %arg8[%select_n3A_38, %run_scoped3A_56, %dma_start3A_154] : memref<2x8x128xi32, #tpu.memory_space<vmem>> -> memref<1x1x128xi32, #tpu.memory_space<vmem>>
        %dma_start3A_156 = tpu.memref_squeeze %dma_start3A_155 : memref<1x1x128xi32, #tpu.memory_space<vmem>> -> memref<128xi32, #tpu.memory_space<vmem>>
        %dma_start3A_157 = arith.constant 0 : i32
        %dma_start3A_158 = arith.constant 0 : i32
        %dma_start3A_159 = tpu.memref_slice %arg11[%dma_start3A_157, %dma_start3A_158] : memref<10112x128xf32, #tpu.memory_space<vmem_shared>> -> memref<10112x128xf32, #tpu.memory_space<vmem_shared>>
        tpu.enqueue_indirect_dma source(%arg9 : memref<128x128xf32, #tpu.memory_space<vmem>>) target(%dma_start3A_159 : memref<10112x128xf32, #tpu.memory_space<vmem_shared>>) offsets(%dma_start3A_156 : memref<128xi32, #tpu.memory_space<vmem>>) semaphore(%run_scoped3A_153 : memref<!tpu.dma_semaphore, #tpu.memory_space<semaphore_mem>>) {add = true}
        %dma_wait3A_160 = arith.constant 0 : i32
        %dma_wait3A_161 = tpu.memref_slice %arg8[%select_n3A_38, %run_scoped3A_56, %dma_wait3A_160] : memref<2x8x128xi32, #tpu.memory_space<vmem>> -> memref<1x1x128xi32, #tpu.memory_space<vmem>>
        %dma_wait3A_162 = tpu.memref_squeeze %dma_wait3A_161 : memref<1x1x128xi32, #tpu.memory_space<vmem>> -> memref<128xi32, #tpu.memory_space<vmem>>
        %dma_wait3A_163 = arith.constant 0 : i32
        %dma_wait3A_164 = arith.constant 0 : i32
        %dma_wait3A_165 = tpu.memref_slice %arg11[%dma_wait3A_163, %dma_wait3A_164] : memref<10112x128xf32, #tpu.memory_space<vmem_shared>> -> memref<10112x128xf32, #tpu.memory_space<vmem_shared>>
        tpu.wait_indirect_dma semaphore(%run_scoped3A_153 : memref<!tpu.dma_semaphore, #tpu.memory_space<semaphore_mem>>) src(%arg9 : memref<128x128xf32, #tpu.memory_space<vmem>>) dst(%dma_wait3A_165 : memref<10112x128xf32, #tpu.memory_space<vmem_shared>>)
        tpu.yield
      }) : () -> ()
      %dma_wait3A_57 = arith.constant 0 : i32
      %dma_wait3A_58 = arith.constant 0 : i32
      %dma_wait3A_59 = tpu.memref_slice %arg2[%dma_wait3A_57, %dma_wait3A_58] : memref<40000x128xf32, #tpu.memory_space<hbm>> -> memref<128x128xf32, #tpu.memory_space<hbm>>
      %dma_wait3A_60 = arith.constant 0 : i32
      %dma_wait3A_61 = arith.constant 0 : i32
      %dma_wait3A_62 = tpu.memref_slice %arg2[%dma_wait3A_60, %dma_wait3A_61] : memref<40000x128xf32, #tpu.memory_space<hbm>> -> memref<128x128xf32, #tpu.memory_space<hbm>>
      tpu.wait_dma2 semaphore(%arg13 : memref<!tpu.dma_semaphore, #tpu.memory_space<semaphore_mem>>) src(%dma_wait3A_62 : memref<128x128xf32, #tpu.memory_space<hbm>>) dst(%arg10 : memref<128x128xf32, #tpu.memory_space<vmem>>)
      %dma_start3A_63 = arith.constant 2 : i32
      %dma_start3A_64 = arith.constant 0 : i32
      %dma_start3A_65 = tpu.memref_slice %arg7[%select_n3A_38, %dma_start3A_63, %dma_start3A_64] : memref<2x8x128xi32, #tpu.memory_space<vmem>> -> memref<1x1x128xi32, #tpu.memory_space<vmem>>
      %dma_start3A_66 = tpu.memref_squeeze %dma_start3A_65 : memref<1x1x128xi32, #tpu.memory_space<vmem>> -> memref<128xi32, #tpu.memory_space<vmem>>
      %dma_start3A_67 = arith.constant 0 : i32
      %dma_start3A_68 = arith.constant 0 : i32
      %dma_start3A_69 = tpu.memref_slice %arg2[%dma_start3A_67, %dma_start3A_68] : memref<40000x128xf32, #tpu.memory_space<hbm>> -> memref<40000x128xf32, #tpu.memory_space<hbm>>
      tpu.enqueue_indirect_dma source(%dma_start3A_69 : memref<40000x128xf32, #tpu.memory_space<hbm>>) target(%arg9 : memref<128x128xf32, #tpu.memory_space<vmem>>) offsets(%dma_start3A_66 : memref<128xi32, #tpu.memory_space<vmem>>) semaphore(%arg12 : memref<!tpu.dma_semaphore, #tpu.memory_space<semaphore_mem>>)
      %run_scoped3A_70 = arith.constant 1 : i32
      "tpu.region"() ({
        %run_scoped3A_153 = tpu.sem_alloc : memref<!tpu.dma_semaphore, #tpu.memory_space<semaphore_mem>>
        %dma_start3A_154 = arith.constant 0 : i32
        %dma_start3A_155 = tpu.memref_slice %arg8[%select_n3A_38, %run_scoped3A_70, %dma_start3A_154] : memref<2x8x128xi32, #tpu.memory_space<vmem>> -> memref<1x1x128xi32, #tpu.memory_space<vmem>>
        %dma_start3A_156 = tpu.memref_squeeze %dma_start3A_155 : memref<1x1x128xi32, #tpu.memory_space<vmem>> -> memref<128xi32, #tpu.memory_space<vmem>>
        %dma_start3A_157 = arith.constant 0 : i32
        %dma_start3A_158 = arith.constant 0 : i32
        %dma_start3A_159 = tpu.memref_slice %arg11[%dma_start3A_157, %dma_start3A_158] : memref<10112x128xf32, #tpu.memory_space<vmem_shared>> -> memref<10112x128xf32, #tpu.memory_space<vmem_shared>>
        tpu.enqueue_indirect_dma source(%arg10 : memref<128x128xf32, #tpu.memory_space<vmem>>) target(%dma_start3A_159 : memref<10112x128xf32, #tpu.memory_space<vmem_shared>>) offsets(%dma_start3A_156 : memref<128xi32, #tpu.memory_space<vmem>>) semaphore(%run_scoped3A_153 : memref<!tpu.dma_semaphore, #tpu.memory_space<semaphore_mem>>) {add = true}
        %dma_wait3A_160 = arith.constant 0 : i32
        %dma_wait3A_161 = tpu.memref_slice %arg8[%select_n3A_38, %run_scoped3A_70, %dma_wait3A_160] : memref<2x8x128xi32, #tpu.memory_space<vmem>> -> memref<1x1x128xi32, #tpu.memory_space<vmem>>
        %dma_wait3A_162 = tpu.memref_squeeze %dma_wait3A_161 : memref<1x1x128xi32, #tpu.memory_space<vmem>> -> memref<128xi32, #tpu.memory_space<vmem>>
        %dma_wait3A_163 = arith.constant 0 : i32
        %dma_wait3A_164 = arith.constant 0 : i32
        %dma_wait3A_165 = tpu.memref_slice %arg11[%dma_wait3A_163, %dma_wait3A_164] : memref<10112x128xf32, #tpu.memory_space<vmem_shared>> -> memref<10112x128xf32, #tpu.memory_space<vmem_shared>>
        tpu.wait_indirect_dma semaphore(%run_scoped3A_153 : memref<!tpu.dma_semaphore, #tpu.memory_space<semaphore_mem>>) src(%arg10 : memref<128x128xf32, #tpu.memory_space<vmem>>) dst(%dma_wait3A_165 : memref<10112x128xf32, #tpu.memory_space<vmem_shared>>)
        tpu.yield
      }) : () -> ()
      %dma_wait3A_71 = arith.constant 0 : i32
      %dma_wait3A_72 = arith.constant 0 : i32
      %dma_wait3A_73 = tpu.memref_slice %arg2[%dma_wait3A_71, %dma_wait3A_72] : memref<40000x128xf32, #tpu.memory_space<hbm>> -> memref<128x128xf32, #tpu.memory_space<hbm>>
      %dma_wait3A_74 = arith.constant 0 : i32
      %dma_wait3A_75 = arith.constant 0 : i32
      %dma_wait3A_76 = tpu.memref_slice %arg2[%dma_wait3A_74, %dma_wait3A_75] : memref<40000x128xf32, #tpu.memory_space<hbm>> -> memref<128x128xf32, #tpu.memory_space<hbm>>
      tpu.wait_dma2 semaphore(%arg12 : memref<!tpu.dma_semaphore, #tpu.memory_space<semaphore_mem>>) src(%dma_wait3A_76 : memref<128x128xf32, #tpu.memory_space<hbm>>) dst(%arg9 : memref<128x128xf32, #tpu.memory_space<vmem>>)
      %dma_start3A_77 = arith.constant 3 : i32
      %dma_start3A_78 = arith.constant 0 : i32
      %dma_start3A_79 = tpu.memref_slice %arg7[%select_n3A_38, %dma_start3A_77, %dma_start3A_78] : memref<2x8x128xi32, #tpu.memory_space<vmem>> -> memref<1x1x128xi32, #tpu.memory_space<vmem>>
      %dma_start3A_80 = tpu.memref_squeeze %dma_start3A_79 : memref<1x1x128xi32, #tpu.memory_space<vmem>> -> memref<128xi32, #tpu.memory_space<vmem>>
      %dma_start3A_81 = arith.constant 0 : i32
      %dma_start3A_82 = arith.constant 0 : i32
      %dma_start3A_83 = tpu.memref_slice %arg2[%dma_start3A_81, %dma_start3A_82] : memref<40000x128xf32, #tpu.memory_space<hbm>> -> memref<40000x128xf32, #tpu.memory_space<hbm>>
      tpu.enqueue_indirect_dma source(%dma_start3A_83 : memref<40000x128xf32, #tpu.memory_space<hbm>>) target(%arg10 : memref<128x128xf32, #tpu.memory_space<vmem>>) offsets(%dma_start3A_80 : memref<128xi32, #tpu.memory_space<vmem>>) semaphore(%arg13 : memref<!tpu.dma_semaphore, #tpu.memory_space<semaphore_mem>>)
      %run_scoped3A_84 = arith.constant 2 : i32
      "tpu.region"() ({
        %run_scoped3A_153 = tpu.sem_alloc : memref<!tpu.dma_semaphore, #tpu.memory_space<semaphore_mem>>
        %dma_start3A_154 = arith.constant 0 : i32
        %dma_start3A_155 = tpu.memref_slice %arg8[%select_n3A_38, %run_scoped3A_84, %dma_start3A_154] : memref<2x8x128xi32, #tpu.memory_space<vmem>> -> memref<1x1x128xi32, #tpu.memory_space<vmem>>
        %dma_start3A_156 = tpu.memref_squeeze %dma_start3A_155 : memref<1x1x128xi32, #tpu.memory_space<vmem>> -> memref<128xi32, #tpu.memory_space<vmem>>
        %dma_start3A_157 = arith.constant 0 : i32
        %dma_start3A_158 = arith.constant 0 : i32
        %dma_start3A_159 = tpu.memref_slice %arg11[%dma_start3A_157, %dma_start3A_158] : memref<10112x128xf32, #tpu.memory_space<vmem_shared>> -> memref<10112x128xf32, #tpu.memory_space<vmem_shared>>
        tpu.enqueue_indirect_dma source(%arg9 : memref<128x128xf32, #tpu.memory_space<vmem>>) target(%dma_start3A_159 : memref<10112x128xf32, #tpu.memory_space<vmem_shared>>) offsets(%dma_start3A_156 : memref<128xi32, #tpu.memory_space<vmem>>) semaphore(%run_scoped3A_153 : memref<!tpu.dma_semaphore, #tpu.memory_space<semaphore_mem>>) {add = true}
        %dma_wait3A_160 = arith.constant 0 : i32
        %dma_wait3A_161 = tpu.memref_slice %arg8[%select_n3A_38, %run_scoped3A_84, %dma_wait3A_160] : memref<2x8x128xi32, #tpu.memory_space<vmem>> -> memref<1x1x128xi32, #tpu.memory_space<vmem>>
        %dma_wait3A_162 = tpu.memref_squeeze %dma_wait3A_161 : memref<1x1x128xi32, #tpu.memory_space<vmem>> -> memref<128xi32, #tpu.memory_space<vmem>>
        %dma_wait3A_163 = arith.constant 0 : i32
        %dma_wait3A_164 = arith.constant 0 : i32
        %dma_wait3A_165 = tpu.memref_slice %arg11[%dma_wait3A_163, %dma_wait3A_164] : memref<10112x128xf32, #tpu.memory_space<vmem_shared>> -> memref<10112x128xf32, #tpu.memory_space<vmem_shared>>
        tpu.wait_indirect_dma semaphore(%run_scoped3A_153 : memref<!tpu.dma_semaphore, #tpu.memory_space<semaphore_mem>>) src(%arg9 : memref<128x128xf32, #tpu.memory_space<vmem>>) dst(%dma_wait3A_165 : memref<10112x128xf32, #tpu.memory_space<vmem_shared>>)
        tpu.yield
      }) : () -> ()
      %dma_wait3A_85 = arith.constant 0 : i32
      %dma_wait3A_86 = arith.constant 0 : i32
      %dma_wait3A_87 = tpu.memref_slice %arg2[%dma_wait3A_85, %dma_wait3A_86] : memref<40000x128xf32, #tpu.memory_space<hbm>> -> memref<128x128xf32, #tpu.memory_space<hbm>>
      %dma_wait3A_88 = arith.constant 0 : i32
      %dma_wait3A_89 = arith.constant 0 : i32
      %dma_wait3A_90 = tpu.memref_slice %arg2[%dma_wait3A_88, %dma_wait3A_89] : memref<40000x128xf32, #tpu.memory_space<hbm>> -> memref<128x128xf32, #tpu.memory_space<hbm>>
      tpu.wait_dma2 semaphore(%arg13 : memref<!tpu.dma_semaphore, #tpu.memory_space<semaphore_mem>>) src(%dma_wait3A_90 : memref<128x128xf32, #tpu.memory_space<hbm>>) dst(%arg10 : memref<128x128xf32, #tpu.memory_space<vmem>>)
      %dma_start3A_91 = arith.constant 4 : i32
      %dma_start3A_92 = arith.constant 0 : i32
      %dma_start3A_93 = tpu.memref_slice %arg7[%select_n3A_38, %dma_start3A_91, %dma_start3A_92] : memref<2x8x128xi32, #tpu.memory_space<vmem>> -> memref<1x1x128xi32, #tpu.memory_space<vmem>>
      %dma_start3A_94 = tpu.memref_squeeze %dma_start3A_93 : memref<1x1x128xi32, #tpu.memory_space<vmem>> -> memref<128xi32, #tpu.memory_space<vmem>>
      %dma_start3A_95 = arith.constant 0 : i32
      %dma_start3A_96 = arith.constant 0 : i32
      %dma_start3A_97 = tpu.memref_slice %arg2[%dma_start3A_95, %dma_start3A_96] : memref<40000x128xf32, #tpu.memory_space<hbm>> -> memref<40000x128xf32, #tpu.memory_space<hbm>>
      tpu.enqueue_indirect_dma source(%dma_start3A_97 : memref<40000x128xf32, #tpu.memory_space<hbm>>) target(%arg9 : memref<128x128xf32, #tpu.memory_space<vmem>>) offsets(%dma_start3A_94 : memref<128xi32, #tpu.memory_space<vmem>>) semaphore(%arg12 : memref<!tpu.dma_semaphore, #tpu.memory_space<semaphore_mem>>)
      %run_scoped3A_98 = arith.constant 3 : i32
      "tpu.region"() ({
        %run_scoped3A_153 = tpu.sem_alloc : memref<!tpu.dma_semaphore, #tpu.memory_space<semaphore_mem>>
        %dma_start3A_154 = arith.constant 0 : i32
        %dma_start3A_155 = tpu.memref_slice %arg8[%select_n3A_38, %run_scoped3A_98, %dma_start3A_154] : memref<2x8x128xi32, #tpu.memory_space<vmem>> -> memref<1x1x128xi32, #tpu.memory_space<vmem>>
        %dma_start3A_156 = tpu.memref_squeeze %dma_start3A_155 : memref<1x1x128xi32, #tpu.memory_space<vmem>> -> memref<128xi32, #tpu.memory_space<vmem>>
        %dma_start3A_157 = arith.constant 0 : i32
        %dma_start3A_158 = arith.constant 0 : i32
        %dma_start3A_159 = tpu.memref_slice %arg11[%dma_start3A_157, %dma_start3A_158] : memref<10112x128xf32, #tpu.memory_space<vmem_shared>> -> memref<10112x128xf32, #tpu.memory_space<vmem_shared>>
        tpu.enqueue_indirect_dma source(%arg10 : memref<128x128xf32, #tpu.memory_space<vmem>>) target(%dma_start3A_159 : memref<10112x128xf32, #tpu.memory_space<vmem_shared>>) offsets(%dma_start3A_156 : memref<128xi32, #tpu.memory_space<vmem>>) semaphore(%run_scoped3A_153 : memref<!tpu.dma_semaphore, #tpu.memory_space<semaphore_mem>>) {add = true}
        %dma_wait3A_160 = arith.constant 0 : i32
        %dma_wait3A_161 = tpu.memref_slice %arg8[%select_n3A_38, %run_scoped3A_98, %dma_wait3A_160] : memref<2x8x128xi32, #tpu.memory_space<vmem>> -> memref<1x1x128xi32, #tpu.memory_space<vmem>>
        %dma_wait3A_162 = tpu.memref_squeeze %dma_wait3A_161 : memref<1x1x128xi32, #tpu.memory_space<vmem>> -> memref<128xi32, #tpu.memory_space<vmem>>
        %dma_wait3A_163 = arith.constant 0 : i32
        %dma_wait3A_164 = arith.constant 0 : i32
        %dma_wait3A_165 = tpu.memref_slice %arg11[%dma_wait3A_163, %dma_wait3A_164] : memref<10112x128xf32, #tpu.memory_space<vmem_shared>> -> memref<10112x128xf32, #tpu.memory_space<vmem_shared>>
        tpu.wait_indirect_dma semaphore(%run_scoped3A_153 : memref<!tpu.dma_semaphore, #tpu.memory_space<semaphore_mem>>) src(%arg10 : memref<128x128xf32, #tpu.memory_space<vmem>>) dst(%dma_wait3A_165 : memref<10112x128xf32, #tpu.memory_space<vmem_shared>>)
        tpu.yield
      }) : () -> ()
      %dma_wait3A_99 = arith.constant 0 : i32
      %dma_wait3A_100 = arith.constant 0 : i32
      %dma_wait3A_101 = tpu.memref_slice %arg2[%dma_wait3A_99, %dma_wait3A_100] : memref<40000x128xf32, #tpu.memory_space<hbm>> -> memref<128x128xf32, #tpu.memory_space<hbm>>
      %dma_wait3A_102 = arith.constant 0 : i32
      %dma_wait3A_103 = arith.constant 0 : i32
      %dma_wait3A_104 = tpu.memref_slice %arg2[%dma_wait3A_102, %dma_wait3A_103] : memref<40000x128xf32, #tpu.memory_space<hbm>> -> memref<128x128xf32, #tpu.memory_space<hbm>>
      tpu.wait_dma2 semaphore(%arg12 : memref<!tpu.dma_semaphore, #tpu.memory_space<semaphore_mem>>) src(%dma_wait3A_104 : memref<128x128xf32, #tpu.memory_space<hbm>>) dst(%arg9 : memref<128x128xf32, #tpu.memory_space<vmem>>)
      %dma_start3A_105 = arith.constant 5 : i32
      %dma_start3A_106 = arith.constant 0 : i32
      %dma_start3A_107 = tpu.memref_slice %arg7[%select_n3A_38, %dma_start3A_105, %dma_start3A_106] : memref<2x8x128xi32, #tpu.memory_space<vmem>> -> memref<1x1x128xi32, #tpu.memory_space<vmem>>
      %dma_start3A_108 = tpu.memref_squeeze %dma_start3A_107 : memref<1x1x128xi32, #tpu.memory_space<vmem>> -> memref<128xi32, #tpu.memory_space<vmem>>
      %dma_start3A_109 = arith.constant 0 : i32
      %dma_start3A_110 = arith.constant 0 : i32
      %dma_start3A_111 = tpu.memref_slice %arg2[%dma_start3A_109, %dma_start3A_110] : memref<40000x128xf32, #tpu.memory_space<hbm>> -> memref<40000x128xf32, #tpu.memory_space<hbm>>
      tpu.enqueue_indirect_dma source(%dma_start3A_111 : memref<40000x128xf32, #tpu.memory_space<hbm>>) target(%arg10 : memref<128x128xf32, #tpu.memory_space<vmem>>) offsets(%dma_start3A_108 : memref<128xi32, #tpu.memory_space<vmem>>) semaphore(%arg13 : memref<!tpu.dma_semaphore, #tpu.memory_space<semaphore_mem>>)
      %run_scoped3A_112 = arith.constant 4 : i32
      "tpu.region"() ({
        %run_scoped3A_153 = tpu.sem_alloc : memref<!tpu.dma_semaphore, #tpu.memory_space<semaphore_mem>>
        %dma_start3A_154 = arith.constant 0 : i32
        %dma_start3A_155 = tpu.memref_slice %arg8[%select_n3A_38, %run_scoped3A_112, %dma_start3A_154] : memref<2x8x128xi32, #tpu.memory_space<vmem>> -> memref<1x1x128xi32, #tpu.memory_space<vmem>>
        %dma_start3A_156 = tpu.memref_squeeze %dma_start3A_155 : memref<1x1x128xi32, #tpu.memory_space<vmem>> -> memref<128xi32, #tpu.memory_space<vmem>>
        %dma_start3A_157 = arith.constant 0 : i32
        %dma_start3A_158 = arith.constant 0 : i32
        %dma_start3A_159 = tpu.memref_slice %arg11[%dma_start3A_157, %dma_start3A_158] : memref<10112x128xf32, #tpu.memory_space<vmem_shared>> -> memref<10112x128xf32, #tpu.memory_space<vmem_shared>>
        tpu.enqueue_indirect_dma source(%arg9 : memref<128x128xf32, #tpu.memory_space<vmem>>) target(%dma_start3A_159 : memref<10112x128xf32, #tpu.memory_space<vmem_shared>>) offsets(%dma_start3A_156 : memref<128xi32, #tpu.memory_space<vmem>>) semaphore(%run_scoped3A_153 : memref<!tpu.dma_semaphore, #tpu.memory_space<semaphore_mem>>) {add = true}
        %dma_wait3A_160 = arith.constant 0 : i32
        %dma_wait3A_161 = tpu.memref_slice %arg8[%select_n3A_38, %run_scoped3A_112, %dma_wait3A_160] : memref<2x8x128xi32, #tpu.memory_space<vmem>> -> memref<1x1x128xi32, #tpu.memory_space<vmem>>
        %dma_wait3A_162 = tpu.memref_squeeze %dma_wait3A_161 : memref<1x1x128xi32, #tpu.memory_space<vmem>> -> memref<128xi32, #tpu.memory_space<vmem>>
        %dma_wait3A_163 = arith.constant 0 : i32
        %dma_wait3A_164 = arith.constant 0 : i32
        %dma_wait3A_165 = tpu.memref_slice %arg11[%dma_wait3A_163, %dma_wait3A_164] : memref<10112x128xf32, #tpu.memory_space<vmem_shared>> -> memref<10112x128xf32, #tpu.memory_space<vmem_shared>>
        tpu.wait_indirect_dma semaphore(%run_scoped3A_153 : memref<!tpu.dma_semaphore, #tpu.memory_space<semaphore_mem>>) src(%arg9 : memref<128x128xf32, #tpu.memory_space<vmem>>) dst(%dma_wait3A_165 : memref<10112x128xf32, #tpu.memory_space<vmem_shared>>)
        tpu.yield
      }) : () -> ()
      %dma_wait3A_113 = arith.constant 0 : i32
      %dma_wait3A_114 = arith.constant 0 : i32
      %dma_wait3A_115 = tpu.memref_slice %arg2[%dma_wait3A_113, %dma_wait3A_114] : memref<40000x128xf32, #tpu.memory_space<hbm>> -> memref<128x128xf32, #tpu.memory_space<hbm>>
      %dma_wait3A_116 = arith.constant 0 : i32
      %dma_wait3A_117 = arith.constant 0 : i32
      %dma_wait3A_118 = tpu.memref_slice %arg2[%dma_wait3A_116, %dma_wait3A_117] : memref<40000x128xf32, #tpu.memory_space<hbm>> -> memref<128x128xf32, #tpu.memory_space<hbm>>
      tpu.wait_dma2 semaphore(%arg13 : memref<!tpu.dma_semaphore, #tpu.memory_space<semaphore_mem>>) src(%dma_wait3A_118 : memref<128x128xf32, #tpu.memory_space<hbm>>) dst(%arg10 : memref<128x128xf32, #tpu.memory_space<vmem>>)
      %dma_start3A_119 = arith.constant 6 : i32
      %dma_start3A_120 = arith.constant 0 : i32
      %dma_start3A_121 = tpu.memref_slice %arg7[%select_n3A_38, %dma_start3A_119, %dma_start3A_120] : memref<2x8x128xi32, #tpu.memory_space<vmem>> -> memref<1x1x128xi32, #tpu.memory_space<vmem>>
      %dma_start3A_122 = tpu.memref_squeeze %dma_start3A_121 : memref<1x1x128xi32, #tpu.memory_space<vmem>> -> memref<128xi32, #tpu.memory_space<vmem>>
      %dma_start3A_123 = arith.constant 0 : i32
      %dma_start3A_124 = arith.constant 0 : i32
      %dma_start3A_125 = tpu.memref_slice %arg2[%dma_start3A_123, %dma_start3A_124] : memref<40000x128xf32, #tpu.memory_space<hbm>> -> memref<40000x128xf32, #tpu.memory_space<hbm>>
      tpu.enqueue_indirect_dma source(%dma_start3A_125 : memref<40000x128xf32, #tpu.memory_space<hbm>>) target(%arg9 : memref<128x128xf32, #tpu.memory_space<vmem>>) offsets(%dma_start3A_122 : memref<128xi32, #tpu.memory_space<vmem>>) semaphore(%arg12 : memref<!tpu.dma_semaphore, #tpu.memory_space<semaphore_mem>>)
      %run_scoped3A_126 = arith.constant 5 : i32
      "tpu.region"() ({
        %run_scoped3A_153 = tpu.sem_alloc : memref<!tpu.dma_semaphore, #tpu.memory_space<semaphore_mem>>
        %dma_start3A_154 = arith.constant 0 : i32
        %dma_start3A_155 = tpu.memref_slice %arg8[%select_n3A_38, %run_scoped3A_126, %dma_start3A_154] : memref<2x8x128xi32, #tpu.memory_space<vmem>> -> memref<1x1x128xi32, #tpu.memory_space<vmem>>
        %dma_start3A_156 = tpu.memref_squeeze %dma_start3A_155 : memref<1x1x128xi32, #tpu.memory_space<vmem>> -> memref<128xi32, #tpu.memory_space<vmem>>
        %dma_start3A_157 = arith.constant 0 : i32
        %dma_start3A_158 = arith.constant 0 : i32
        %dma_start3A_159 = tpu.memref_slice %arg11[%dma_start3A_157, %dma_start3A_158] : memref<10112x128xf32, #tpu.memory_space<vmem_shared>> -> memref<10112x128xf32, #tpu.memory_space<vmem_shared>>
        tpu.enqueue_indirect_dma source(%arg10 : memref<128x128xf32, #tpu.memory_space<vmem>>) target(%dma_start3A_159 : memref<10112x128xf32, #tpu.memory_space<vmem_shared>>) offsets(%dma_start3A_156 : memref<128xi32, #tpu.memory_space<vmem>>) semaphore(%run_scoped3A_153 : memref<!tpu.dma_semaphore, #tpu.memory_space<semaphore_mem>>) {add = true}
        %dma_wait3A_160 = arith.constant 0 : i32
        %dma_wait3A_161 = tpu.memref_slice %arg8[%select_n3A_38, %run_scoped3A_126, %dma_wait3A_160] : memref<2x8x128xi32, #tpu.memory_space<vmem>> -> memref<1x1x128xi32, #tpu.memory_space<vmem>>
        %dma_wait3A_162 = tpu.memref_squeeze %dma_wait3A_161 : memref<1x1x128xi32, #tpu.memory_space<vmem>> -> memref<128xi32, #tpu.memory_space<vmem>>
        %dma_wait3A_163 = arith.constant 0 : i32
        %dma_wait3A_164 = arith.constant 0 : i32
        %dma_wait3A_165 = tpu.memref_slice %arg11[%dma_wait3A_163, %dma_wait3A_164] : memref<10112x128xf32, #tpu.memory_space<vmem_shared>> -> memref<10112x128xf32, #tpu.memory_space<vmem_shared>>
        tpu.wait_indirect_dma semaphore(%run_scoped3A_153 : memref<!tpu.dma_semaphore, #tpu.memory_space<semaphore_mem>>) src(%arg10 : memref<128x128xf32, #tpu.memory_space<vmem>>) dst(%dma_wait3A_165 : memref<10112x128xf32, #tpu.memory_space<vmem_shared>>)
        tpu.yield
      }) : () -> ()
      %dma_wait3A_127 = arith.constant 0 : i32
      %dma_wait3A_128 = arith.constant 0 : i32
      %dma_wait3A_129 = tpu.memref_slice %arg2[%dma_wait3A_127, %dma_wait3A_128] : memref<40000x128xf32, #tpu.memory_space<hbm>> -> memref<128x128xf32, #tpu.memory_space<hbm>>
      %dma_wait3A_130 = arith.constant 0 : i32
      %dma_wait3A_131 = arith.constant 0 : i32
      %dma_wait3A_132 = tpu.memref_slice %arg2[%dma_wait3A_130, %dma_wait3A_131] : memref<40000x128xf32, #tpu.memory_space<hbm>> -> memref<128x128xf32, #tpu.memory_space<hbm>>
      tpu.wait_dma2 semaphore(%arg12 : memref<!tpu.dma_semaphore, #tpu.memory_space<semaphore_mem>>) src(%dma_wait3A_132 : memref<128x128xf32, #tpu.memory_space<hbm>>) dst(%arg9 : memref<128x128xf32, #tpu.memory_space<vmem>>)
      %dma_start3A_133 = arith.constant 7 : i32
      %dma_start3A_134 = arith.constant 0 : i32
      %dma_start3A_135 = tpu.memref_slice %arg7[%select_n3A_38, %dma_start3A_133, %dma_start3A_134] : memref<2x8x128xi32, #tpu.memory_space<vmem>> -> memref<1x1x128xi32, #tpu.memory_space<vmem>>
      %dma_start3A_136 = tpu.memref_squeeze %dma_start3A_135 : memref<1x1x128xi32, #tpu.memory_space<vmem>> -> memref<128xi32, #tpu.memory_space<vmem>>
      %dma_start3A_137 = arith.constant 0 : i32
      %dma_start3A_138 = arith.constant 0 : i32
      %dma_start3A_139 = tpu.memref_slice %arg2[%dma_start3A_137, %dma_start3A_138] : memref<40000x128xf32, #tpu.memory_space<hbm>> -> memref<40000x128xf32, #tpu.memory_space<hbm>>
      tpu.enqueue_indirect_dma source(%dma_start3A_139 : memref<40000x128xf32, #tpu.memory_space<hbm>>) target(%arg10 : memref<128x128xf32, #tpu.memory_space<vmem>>) offsets(%dma_start3A_136 : memref<128xi32, #tpu.memory_space<vmem>>) semaphore(%arg13 : memref<!tpu.dma_semaphore, #tpu.memory_space<semaphore_mem>>)
      %run_scoped3A_140 = arith.constant 6 : i32
      "tpu.region"() ({
        %run_scoped3A_153 = tpu.sem_alloc : memref<!tpu.dma_semaphore, #tpu.memory_space<semaphore_mem>>
        %dma_start3A_154 = arith.constant 0 : i32
        %dma_start3A_155 = tpu.memref_slice %arg8[%select_n3A_38, %run_scoped3A_140, %dma_start3A_154] : memref<2x8x128xi32, #tpu.memory_space<vmem>> -> memref<1x1x128xi32, #tpu.memory_space<vmem>>
        %dma_start3A_156 = tpu.memref_squeeze %dma_start3A_155 : memref<1x1x128xi32, #tpu.memory_space<vmem>> -> memref<128xi32, #tpu.memory_space<vmem>>
        %dma_start3A_157 = arith.constant 0 : i32
        %dma_start3A_158 = arith.constant 0 : i32
        %dma_start3A_159 = tpu.memref_slice %arg11[%dma_start3A_157, %dma_start3A_158] : memref<10112x128xf32, #tpu.memory_space<vmem_shared>> -> memref<10112x128xf32, #tpu.memory_space<vmem_shared>>
        tpu.enqueue_indirect_dma source(%arg9 : memref<128x128xf32, #tpu.memory_space<vmem>>) target(%dma_start3A_159 : memref<10112x128xf32, #tpu.memory_space<vmem_shared>>) offsets(%dma_start3A_156 : memref<128xi32, #tpu.memory_space<vmem>>) semaphore(%run_scoped3A_153 : memref<!tpu.dma_semaphore, #tpu.memory_space<semaphore_mem>>) {add = true}
        %dma_wait3A_160 = arith.constant 0 : i32
        %dma_wait3A_161 = tpu.memref_slice %arg8[%select_n3A_38, %run_scoped3A_140, %dma_wait3A_160] : memref<2x8x128xi32, #tpu.memory_space<vmem>> -> memref<1x1x128xi32, #tpu.memory_space<vmem>>
        %dma_wait3A_162 = tpu.memref_squeeze %dma_wait3A_161 : memref<1x1x128xi32, #tpu.memory_space<vmem>> -> memref<128xi32, #tpu.memory_space<vmem>>
        %dma_wait3A_163 = arith.constant 0 : i32
        %dma_wait3A_164 = arith.constant 0 : i32
        %dma_wait3A_165 = tpu.memref_slice %arg11[%dma_wait3A_163, %dma_wait3A_164] : memref<10112x128xf32, #tpu.memory_space<vmem_shared>> -> memref<10112x128xf32, #tpu.memory_space<vmem_shared>>
        tpu.wait_indirect_dma semaphore(%run_scoped3A_153 : memref<!tpu.dma_semaphore, #tpu.memory_space<semaphore_mem>>) src(%arg9 : memref<128x128xf32, #tpu.memory_space<vmem>>) dst(%dma_wait3A_165 : memref<10112x128xf32, #tpu.memory_space<vmem_shared>>)
        tpu.yield
      }) : () -> ()
      %dma_wait3A_141 = arith.constant 0 : i32
      %dma_wait3A_142 = arith.constant 0 : i32
      %dma_wait3A_143 = tpu.memref_slice %arg2[%dma_wait3A_141, %dma_wait3A_142] : memref<40000x128xf32, #tpu.memory_space<hbm>> -> memref<128x128xf32, #tpu.memory_space<hbm>>
      %dma_wait3A_144 = arith.constant 0 : i32
      %dma_wait3A_145 = arith.constant 0 : i32
      %dma_wait3A_146 = tpu.memref_slice %arg2[%dma_wait3A_144, %dma_wait3A_145] : memref<40000x128xf32, #tpu.memory_space<hbm>> -> memref<128x128xf32, #tpu.memory_space<hbm>>
      tpu.wait_dma2 semaphore(%arg13 : memref<!tpu.dma_semaphore, #tpu.memory_space<semaphore_mem>>) src(%dma_wait3A_146 : memref<128x128xf32, #tpu.memory_space<hbm>>) dst(%arg10 : memref<128x128xf32, #tpu.memory_space<vmem>>)
      %lt3A_147 = arith.constant 19 : i32
      %lt3A_148 = arith.cmpi slt, %scan3A_27, %lt3A_147 : i32
      %convert_element_type3A_149 = arith.extui %lt3A_148 : i1 to i32
      %cond3A_150 = arith.constant 0 : i32
      %cond3A_151 = arith.cmpi ne, %convert_element_type3A_149, %cond3A_150 : i32
      scf.if %cond3A_151 {
        %sub3A = arith.constant 1 : i32
        %sub3A_153 = arith.subi %sub3A, %select_n3A_38 : i32
        %dma_wait3A_154 = arith.constant 0 : i32
        %dma_wait3A_155 = arith.constant 0 : i32
        %dma_wait3A_156 = tpu.memref_slice %arg7[%sub3A_153, %dma_wait3A_154, %dma_wait3A_155] : memref<2x8x128xi32, #tpu.memory_space<vmem>> -> memref<1x8x128xi32, #tpu.memory_space<vmem>>
        %dma_wait3A_157 = tpu.memref_squeeze %dma_wait3A_156 : memref<1x8x128xi32, #tpu.memory_space<vmem>> -> memref<8x128xi32, #tpu.memory_space<vmem>>
        %dma_wait3A_158 = arith.constant 0 : i32
        %dma_wait3A_159 = arith.constant 0 : i32
        %dma_wait3A_160 = tpu.memref_slice %arg3[%dma_wait3A_158, %dma_wait3A_159] : memref<5120x128xi32, #tpu.memory_space<hbm>> -> memref<8x128xi32, #tpu.memory_space<hbm>>
        %dma_wait3A_161 = arith.constant 0 : i32
        %dma_wait3A_162 = arith.constant 0 : i32
        %dma_wait3A_163 = tpu.memref_slice %arg7[%sub3A_153, %dma_wait3A_161, %dma_wait3A_162] : memref<2x8x128xi32, #tpu.memory_space<vmem>> -> memref<1x8x128xi32, #tpu.memory_space<vmem>>
        %dma_wait3A_164 = tpu.memref_squeeze %dma_wait3A_163 : memref<1x8x128xi32, #tpu.memory_space<vmem>> -> memref<8x128xi32, #tpu.memory_space<vmem>>
        %dma_wait3A_165 = arith.constant 0 : i32
        %dma_wait3A_166 = arith.constant 0 : i32
        %dma_wait3A_167 = tpu.memref_slice %arg3[%dma_wait3A_165, %dma_wait3A_166] : memref<5120x128xi32, #tpu.memory_space<hbm>> -> memref<8x128xi32, #tpu.memory_space<hbm>>
        tpu.wait_dma2 semaphore(%arg16 : memref<!tpu.dma_semaphore, #tpu.memory_space<semaphore_mem>>) src(%dma_wait3A_167 : memref<8x128xi32, #tpu.memory_space<hbm>>) dst(%dma_wait3A_164 : memref<8x128xi32, #tpu.memory_space<vmem>>)
        %dma_wait3A_168 = arith.constant 0 : i32
        %dma_wait3A_169 = arith.constant 0 : i32
        %dma_wait3A_170 = tpu.memref_slice %arg8[%sub3A_153, %dma_wait3A_168, %dma_wait3A_169] : memref<2x8x128xi32, #tpu.memory_space<vmem>> -> memref<1x8x128xi32, #tpu.memory_space<vmem>>
        %dma_wait3A_171 = tpu.memref_squeeze %dma_wait3A_170 : memref<1x8x128xi32, #tpu.memory_space<vmem>> -> memref<8x128xi32, #tpu.memory_space<vmem>>
        %dma_wait3A_172 = arith.constant 0 : i32
        %dma_wait3A_173 = arith.constant 0 : i32
        %dma_wait3A_174 = tpu.memref_slice %arg4[%dma_wait3A_172, %dma_wait3A_173] : memref<5120x128xi32, #tpu.memory_space<hbm>> -> memref<8x128xi32, #tpu.memory_space<hbm>>
        %dma_wait3A_175 = arith.constant 0 : i32
        %dma_wait3A_176 = arith.constant 0 : i32
        %dma_wait3A_177 = tpu.memref_slice %arg8[%sub3A_153, %dma_wait3A_175, %dma_wait3A_176] : memref<2x8x128xi32, #tpu.memory_space<vmem>> -> memref<1x8x128xi32, #tpu.memory_space<vmem>>
        %dma_wait3A_178 = tpu.memref_squeeze %dma_wait3A_177 : memref<1x8x128xi32, #tpu.memory_space<vmem>> -> memref<8x128xi32, #tpu.memory_space<vmem>>
        %dma_wait3A_179 = arith.constant 0 : i32
        %dma_wait3A_180 = arith.constant 0 : i32
        %dma_wait3A_181 = tpu.memref_slice %arg4[%dma_wait3A_179, %dma_wait3A_180] : memref<5120x128xi32, #tpu.memory_space<hbm>> -> memref<8x128xi32, #tpu.memory_space<hbm>>
        tpu.wait_dma2 semaphore(%arg17 : memref<!tpu.dma_semaphore, #tpu.memory_space<semaphore_mem>>) src(%dma_wait3A_181 : memref<8x128xi32, #tpu.memory_space<hbm>>) dst(%dma_wait3A_178 : memref<8x128xi32, #tpu.memory_space<vmem>>)
        %sub3A_182 = arith.constant 1 : i32
        %sub3A_183 = arith.subi %sub3A_182, %select_n3A_38 : i32
        %dma_start3A_184 = arith.constant 0 : i32
        %dma_start3A_185 = arith.constant 0 : i32
        %dma_start3A_186 = tpu.memref_slice %arg7[%sub3A_183, %dma_start3A_184, %dma_start3A_185] : memref<2x8x128xi32, #tpu.memory_space<vmem>> -> memref<1x1x128xi32, #tpu.memory_space<vmem>>
        %dma_start3A_187 = tpu.memref_squeeze %dma_start3A_186 : memref<1x1x128xi32, #tpu.memory_space<vmem>> -> memref<128xi32, #tpu.memory_space<vmem>>
        %dma_start3A_188 = arith.constant 0 : i32
        %dma_start3A_189 = arith.constant 0 : i32
        %dma_start3A_190 = tpu.memref_slice %arg2[%dma_start3A_188, %dma_start3A_189] : memref<40000x128xf32, #tpu.memory_space<hbm>> -> memref<40000x128xf32, #tpu.memory_space<hbm>>
        tpu.enqueue_indirect_dma source(%dma_start3A_190 : memref<40000x128xf32, #tpu.memory_space<hbm>>) target(%arg9 : memref<128x128xf32, #tpu.memory_space<vmem>>) offsets(%dma_start3A_187 : memref<128xi32, #tpu.memory_space<vmem>>) semaphore(%arg12 : memref<!tpu.dma_semaphore, #tpu.memory_space<semaphore_mem>>)
      } else {
      }
      %run_scoped3A_152 = arith.constant 7 : i32
      "tpu.region"() ({
        %run_scoped3A_153 = tpu.sem_alloc : memref<!tpu.dma_semaphore, #tpu.memory_space<semaphore_mem>>
        %dma_start3A_154 = arith.constant 0 : i32
        %dma_start3A_155 = tpu.memref_slice %arg8[%select_n3A_38, %run_scoped3A_152, %dma_start3A_154] : memref<2x8x128xi32, #tpu.memory_space<vmem>> -> memref<1x1x128xi32, #tpu.memory_space<vmem>>
        %dma_start3A_156 = tpu.memref_squeeze %dma_start3A_155 : memref<1x1x128xi32, #tpu.memory_space<vmem>> -> memref<128xi32, #tpu.memory_space<vmem>>
        %dma_start3A_157 = arith.constant 0 : i32
        %dma_start3A_158 = arith.constant 0 : i32
        %dma_start3A_159 = tpu.memref_slice %arg11[%dma_start3A_157, %dma_start3A_158] : memref<10112x128xf32, #tpu.memory_space<vmem_shared>> -> memref<10112x128xf32, #tpu.memory_space<vmem_shared>>
        tpu.enqueue_indirect_dma source(%arg10 : memref<128x128xf32, #tpu.memory_space<vmem>>) target(%dma_start3A_159 : memref<10112x128xf32, #tpu.memory_space<vmem_shared>>) offsets(%dma_start3A_156 : memref<128xi32, #tpu.memory_space<vmem>>) semaphore(%run_scoped3A_153 : memref<!tpu.dma_semaphore, #tpu.memory_space<semaphore_mem>>) {add = true}
        %dma_wait3A_160 = arith.constant 0 : i32
        %dma_wait3A_161 = tpu.memref_slice %arg8[%select_n3A_38, %run_scoped3A_152, %dma_wait3A_160] : memref<2x8x128xi32, #tpu.memory_space<vmem>> -> memref<1x1x128xi32, #tpu.memory_space<vmem>>
        %dma_wait3A_162 = tpu.memref_squeeze %dma_wait3A_161 : memref<1x1x128xi32, #tpu.memory_space<vmem>> -> memref<128xi32, #tpu.memory_space<vmem>>
        %dma_wait3A_163 = arith.constant 0 : i32
        %dma_wait3A_164 = arith.constant 0 : i32
        %dma_wait3A_165 = tpu.memref_slice %arg11[%dma_wait3A_163, %dma_wait3A_164] : memref<10112x128xf32, #tpu.memory_space<vmem_shared>> -> memref<10112x128xf32, #tpu.memory_space<vmem_shared>>
        tpu.wait_indirect_dma semaphore(%run_scoped3A_153 : memref<!tpu.dma_semaphore, #tpu.memory_space<semaphore_mem>>) src(%arg10 : memref<128x128xf32, #tpu.memory_space<vmem>>) dst(%dma_wait3A_165 : memref<10112x128xf32, #tpu.memory_space<vmem_shared>>)
        tpu.yield
      }) : () -> ()
    }
    %scan3A_19 = arith.constant 20 : i32
    %barrier3A_20 = arith.constant 0 : index
    tpu.barrier barrier_id(%barrier3A_20)
    %lt3A = arith.constant 15 : i32
    %lt3A_21 = arith.cmpi slt, %arg1, %lt3A : i32
    %convert_element_type3A = arith.extui %lt3A_21 : i1 to i32
    %cond3A = arith.constant 0 : i32
    %cond3A_22 = arith.cmpi ne, %convert_element_type3A, %cond3A : i32
    scf.if %cond3A_22 {
      %mul3A_27 = arith.constant 632 : i32
      %mul3A_28 = arith.muli %arg1, %mul3A_27 : i32
      %mul3A_29 = arith.constant 632 : i32
      %mul3A_30 = arith.muli %arg1, %mul3A_29 : i32
      "tpu.region"() ({
        %run_scoped3A_31 = tpu.sem_alloc : memref<!tpu.dma_semaphore, #tpu.memory_space<semaphore_mem>>
        %dma_start3A_32 = arith.constant 0 : i32
        %dma_start3A_33 = tpu.memref_slice %arg6[%arg0, %mul3A_30, %dma_start3A_32] : memref<2x10000x128xf32, #tpu.memory_space<hbm>> -> memref<1x632x128xf32, #tpu.memory_space<hbm>>
        %dma_start3A_34 = tpu.memref_squeeze %dma_start3A_33 : memref<1x632x128xf32, #tpu.memory_space<hbm>> -> memref<632x128xf32, #tpu.memory_space<hbm>>
        %dma_start3A_35 = arith.constant 0 : i32
        %dma_start3A_36 = tpu.memref_slice %arg11[%mul3A_28, %dma_start3A_35] : memref<10112x128xf32, #tpu.memory_space<vmem_shared>> -> memref<632x128xf32, #tpu.memory_space<vmem_shared>>
        tpu.enqueue_dma source(%dma_start3A_36 : memref<632x128xf32, #tpu.memory_space<vmem_shared>>) target(%dma_start3A_34 : memref<632x128xf32, #tpu.memory_space<hbm>>) target_semaphore(%run_scoped3A_31 : memref<!tpu.dma_semaphore, #tpu.memory_space<semaphore_mem>>)
        %dma_wait3A = arith.constant 0 : i32
        %dma_wait3A_37 = tpu.memref_slice %arg6[%arg0, %mul3A_30, %dma_wait3A] : memref<2x10000x128xf32, #tpu.memory_space<hbm>> -> memref<1x632x128xf32, #tpu.memory_space<hbm>>
        %dma_wait3A_38 = tpu.memref_squeeze %dma_wait3A_37 : memref<1x632x128xf32, #tpu.memory_space<hbm>> -> memref<632x128xf32, #tpu.memory_space<hbm>>
        %dma_wait3A_39 = arith.constant 0 : i32
        %dma_wait3A_40 = tpu.memref_slice %arg11[%mul3A_28, %dma_wait3A_39] : memref<10112x128xf32, #tpu.memory_space<vmem_shared>> -> memref<632x128xf32, #tpu.memory_space<vmem_shared>>
        tpu.wait_dma2 semaphore(%run_scoped3A_31 : memref<!tpu.dma_semaphore, #tpu.memory_space<semaphore_mem>>) src(%dma_wait3A_40 : memref<632x128xf32, #tpu.memory_space<vmem_shared>>) dst(%dma_wait3A_38 : memref<632x128xf32, #tpu.memory_space<hbm>>)
        tpu.yield
      }) : () -> ()
    } else {
    }
    %eq3A = arith.constant 15 : i32
    %eq3A_23 = arith.cmpi eq, %arg1, %eq3A : i32
    %convert_element_type3A_24 = arith.extui %eq3A_23 : i1 to i32
    %cond3A_25 = arith.constant 0 : i32
    %cond3A_26 = arith.cmpi ne, %convert_element_type3A_24, %cond3A_25 : i32
    scf.if %cond3A_26 {
      "tpu.region"() ({
        %run_scoped3A_27 = tpu.sem_alloc : memref<!tpu.dma_semaphore, #tpu.memory_space<semaphore_mem>>
        %dma_start3A_28 = arith.constant 9480 : i32
        %dma_start3A_29 = arith.constant 0 : i32
        %dma_start3A_30 = tpu.memref_slice %arg6[%arg0, %dma_start3A_28, %dma_start3A_29] : memref<2x10000x128xf32, #tpu.memory_space<hbm>> -> memref<1x520x128xf32, #tpu.memory_space<hbm>>
        %dma_start3A_31 = tpu.memref_squeeze %dma_start3A_30 : memref<1x520x128xf32, #tpu.memory_space<hbm>> -> memref<520x128xf32, #tpu.memory_space<hbm>>
        %dma_start3A_32 = arith.constant 9480 : i32
        %dma_start3A_33 = arith.constant 0 : i32
        %dma_start3A_34 = tpu.memref_slice %arg11[%dma_start3A_32, %dma_start3A_33] : memref<10112x128xf32, #tpu.memory_space<vmem_shared>> -> memref<520x128xf32, #tpu.memory_space<vmem_shared>>
        tpu.enqueue_dma source(%dma_start3A_34 : memref<520x128xf32, #tpu.memory_space<vmem_shared>>) target(%dma_start3A_31 : memref<520x128xf32, #tpu.memory_space<hbm>>) target_semaphore(%run_scoped3A_27 : memref<!tpu.dma_semaphore, #tpu.memory_space<semaphore_mem>>)
        %dma_wait3A = arith.constant 9480 : i32
        %dma_wait3A_35 = arith.constant 0 : i32
        %dma_wait3A_36 = tpu.memref_slice %arg6[%arg0, %dma_wait3A, %dma_wait3A_35] : memref<2x10000x128xf32, #tpu.memory_space<hbm>> -> memref<1x520x128xf32, #tpu.memory_space<hbm>>
        %dma_wait3A_37 = tpu.memref_squeeze %dma_wait3A_36 : memref<1x520x128xf32, #tpu.memory_space<hbm>> -> memref<520x128xf32, #tpu.memory_space<hbm>>
        %dma_wait3A_38 = arith.constant 9480 : i32
        %dma_wait3A_39 = arith.constant 0 : i32
        %dma_wait3A_40 = tpu.memref_slice %arg11[%dma_wait3A_38, %dma_wait3A_39] : memref<10112x128xf32, #tpu.memory_space<vmem_shared>> -> memref<520x128xf32, #tpu.memory_space<vmem_shared>>
        tpu.wait_dma2 semaphore(%run_scoped3A_27 : memref<!tpu.dma_semaphore, #tpu.memory_space<semaphore_mem>>) src(%dma_wait3A_40 : memref<520x128xf32, #tpu.memory_space<vmem_shared>>) dst(%dma_wait3A_37 : memref<520x128xf32, #tpu.memory_space<hbm>>)
        tpu.yield
      }) : () -> ()
    } else {
    }
    return
  }
}

#map = affine_map<(d0, d1) -> (0, 0)>
#map1 = affine_map<(d0, d1) -> (0, 0, 0)>
module attributes {stable_mosaic.version = 14 : i64} {
  func.func @k(%arg0: i32, %arg1: i32, %arg2: memref<40000x128xf32, #tpu.memory_space<hbm>>, %arg3: memref<5120x128xi32, #tpu.memory_space<hbm>>, %arg4: memref<5120x128xi32, #tpu.memory_space<hbm>>, %arg5: memref<10112x128xf32, #tpu.memory_space<hbm>>, %arg6: memref<2x10000x128xf32, #tpu.memory_space<hbm>>, %arg7: memref<2x8x128xi32, #tpu.memory_space<vmem>>, %arg8: memref<2x8x128xi32, #tpu.memory_space<vmem>>, %arg9: memref<128x128xf32, #tpu.memory_space<vmem>>, %arg10: memref<128x128xf32, #tpu.memory_space<vmem>>, %arg11: memref<10112x128xf32, #tpu.memory_space<vmem_shared>>, %arg12: memref<!tpu.dma_semaphore, #tpu.memory_space<semaphore_mem>>, %arg13: memref<!tpu.dma_semaphore, #tpu.memory_space<semaphore_mem>>, %arg14: memref<!tpu.dma_semaphore, #tpu.memory_space<semaphore_mem>>, %arg15: memref<!tpu.dma_semaphore, #tpu.memory_space<semaphore_mem>>, %arg16: memref<!tpu.dma_semaphore, #tpu.memory_space<semaphore_mem>>, %arg17: memref<!tpu.dma_semaphore, #tpu.memory_space<semaphore_mem>>) attributes {dimension_semantics = [#tpu.dimension_semantics<core_parallel>, #tpu.dimension_semantics<subcore_parallel>], iteration_bounds = array<i64: 2, 16>, scalar_prefetch = 0 : i64, scratch_operands = 11 : i64, tpu.core_type = #tpu.core_type<sc_vector_subcore>, window_params = [{transform_indices = #map}, {transform_indices = #map}, {transform_indices = #map}, {transform_indices = #map}, {transform_indices = #map1}]} {
    %mul3A = arith.constant 16 : i32
    %mul3A_0 = arith.muli %arg0, %mul3A : i32
    %add3A = arith.addi %mul3A_0, %arg1 : i32
    %mul3A_1 = arith.constant 160 : i32
    %mul3A_2 = arith.muli %add3A, %mul3A_1 : i32
    %mul3A_3 = arith.constant 632 : i32
    %mul3A_4 = arith.muli %arg1, %mul3A_3 : i32
    %mul3A_5 = arith.constant 632 : i32
    %mul3A_6 = arith.muli %arg1, %mul3A_5 : i32
    "tpu.region"() ({
      %run_scoped3A_27 = tpu.sem_alloc : memref<!tpu.dma_semaphore, #tpu.memory_space<semaphore_mem>>
      %dma_start3A_28 = arith.constant 0 : i32
      %dma_start3A_29 = tpu.memref_slice %arg11[%mul3A_6, %dma_start3A_28] : memref<10112x128xf32, #tpu.memory_space<vmem_shared>> -> memref<632x128xf32, #tpu.memory_space<vmem_shared>>
      %dma_start3A_30 = arith.constant 0 : i32
      %dma_start3A_31 = tpu.memref_slice %arg5[%mul3A_4, %dma_start3A_30] : memref<10112x128xf32, #tpu.memory_space<hbm>> -> memref<632x128xf32, #tpu.memory_space<hbm>>
      tpu.enqueue_dma source(%dma_start3A_31 : memref<632x128xf32, #tpu.memory_space<hbm>>) target(%dma_start3A_29 : memref<632x128xf32, #tpu.memory_space<vmem_shared>>) target_semaphore(%run_scoped3A_27 : memref<!tpu.dma_semaphore, #tpu.memory_space<semaphore_mem>>)
      %dma_wait3A = arith.constant 0 : i32
      %dma_wait3A_32 = tpu.memref_slice %arg11[%mul3A_6, %dma_wait3A] : memref<10112x128xf32, #tpu.memory_space<vmem_shared>> -> memref<632x128xf32, #tpu.memory_space<vmem_shared>>
      %dma_wait3A_33 = arith.constant 0 : i32
      %dma_wait3A_34 = tpu.memref_slice %arg5[%mul3A_4, %dma_wait3A_33] : memref<10112x128xf32, #tpu.memory_space<hbm>> -> memref<632x128xf32, #tpu.memory_space<hbm>>
      tpu.wait_dma2 semaphore(%run_scoped3A_27 : memref<!tpu.dma_semaphore, #tpu.memory_space<semaphore_mem>>) src(%dma_wait3A_34 : memref<632x128xf32, #tpu.memory_space<hbm>>) dst(%dma_wait3A_32 : memref<632x128xf32, #tpu.memory_space<vmem_shared>>)
      tpu.yield
    }) : () -> ()
    %barrier3A = arith.constant 0 : index
    tpu.barrier barrier_id(%barrier3A)
    %run_scoped3A = arith.constant 0 : i32
    "tpu.region"() ({
      %run_scoped3A_27 = tpu.sem_alloc : memref<!tpu.dma_semaphore, #tpu.memory_space<semaphore_mem>>
      %dma_start3A_28 = arith.constant 0 : i32
      %dma_start3A_29 = arith.constant 0 : i32
      %dma_start3A_30 = tpu.memref_slice %arg7[%run_scoped3A, %dma_start3A_28, %dma_start3A_29] : memref<2x8x128xi32, #tpu.memory_space<vmem>> -> memref<1x8x128xi32, #tpu.memory_space<vmem>>
      %dma_start3A_31 = tpu.memref_squeeze %dma_start3A_30 : memref<1x8x128xi32, #tpu.memory_space<vmem>> -> memref<8x128xi32, #tpu.memory_space<vmem>>
      %dma_start3A_32 = arith.constant 0 : i32
      %dma_start3A_33 = tpu.memref_slice %arg3[%mul3A_2, %dma_start3A_32] : memref<5120x128xi32, #tpu.memory_space<hbm>> -> memref<8x128xi32, #tpu.memory_space<hbm>>
      %dma_start3A_34 = arith.constant 0 : i32
      %dma_start3A_35 = arith.constant 0 : i32
      %dma_start3A_36 = tpu.memref_slice %arg7[%run_scoped3A, %dma_start3A_34, %dma_start3A_35] : memref<2x8x128xi32, #tpu.memory_space<vmem>> -> memref<1x8x128xi32, #tpu.memory_space<vmem>>
      %dma_start3A_37 = tpu.memref_squeeze %dma_start3A_36 : memref<1x8x128xi32, #tpu.memory_space<vmem>> -> memref<8x128xi32, #tpu.memory_space<vmem>>
      %dma_start3A_38 = arith.constant 0 : i32
      %dma_start3A_39 = tpu.memref_slice %arg3[%mul3A_2, %dma_start3A_38] : memref<5120x128xi32, #tpu.memory_space<hbm>> -> memref<8x128xi32, #tpu.memory_space<hbm>>
      tpu.enqueue_dma source(%dma_start3A_39 : memref<8x128xi32, #tpu.memory_space<hbm>>) target(%dma_start3A_37 : memref<8x128xi32, #tpu.memory_space<vmem>>) target_semaphore(%run_scoped3A_27 : memref<!tpu.dma_semaphore, #tpu.memory_space<semaphore_mem>>)
      %dma_wait3A = arith.constant 0 : i32
      %dma_wait3A_40 = arith.constant 0 : i32
      %dma_wait3A_41 = tpu.memref_slice %arg7[%run_scoped3A, %dma_wait3A, %dma_wait3A_40] : memref<2x8x128xi32, #tpu.memory_space<vmem>> -> memref<1x8x128xi32, #tpu.memory_space<vmem>>
      %dma_wait3A_42 = tpu.memref_squeeze %dma_wait3A_41 : memref<1x8x128xi32, #tpu.memory_space<vmem>> -> memref<8x128xi32, #tpu.memory_space<vmem>>
      %dma_wait3A_43 = arith.constant 0 : i32
      %dma_wait3A_44 = tpu.memref_slice %arg3[%mul3A_2, %dma_wait3A_43] : memref<5120x128xi32, #tpu.memory_space<hbm>> -> memref<8x128xi32, #tpu.memory_space<hbm>>
      %dma_wait3A_45 = arith.constant 0 : i32
      %dma_wait3A_46 = arith.constant 0 : i32
      %dma_wait3A_47 = tpu.memref_slice %arg7[%run_scoped3A, %dma_wait3A_45, %dma_wait3A_46] : memref<2x8x128xi32, #tpu.memory_space<vmem>> -> memref<1x8x128xi32, #tpu.memory_space<vmem>>
      %dma_wait3A_48 = tpu.memref_squeeze %dma_wait3A_47 : memref<1x8x128xi32, #tpu.memory_space<vmem>> -> memref<8x128xi32, #tpu.memory_space<vmem>>
      %dma_wait3A_49 = arith.constant 0 : i32
      %dma_wait3A_50 = tpu.memref_slice %arg3[%mul3A_2, %dma_wait3A_49] : memref<5120x128xi32, #tpu.memory_space<hbm>> -> memref<8x128xi32, #tpu.memory_space<hbm>>
      tpu.wait_dma2 semaphore(%run_scoped3A_27 : memref<!tpu.dma_semaphore, #tpu.memory_space<semaphore_mem>>) src(%dma_wait3A_50 : memref<8x128xi32, #tpu.memory_space<hbm>>) dst(%dma_wait3A_48 : memref<8x128xi32, #tpu.memory_space<vmem>>)
      tpu.yield
    }) : () -> ()
    %run_scoped3A_7 = arith.constant 0 : i32
    "tpu.region"() ({
      %run_scoped3A_27 = tpu.sem_alloc : memref<!tpu.dma_semaphore, #tpu.memory_space<semaphore_mem>>
      %dma_start3A_28 = arith.constant 0 : i32
      %dma_start3A_29 = arith.constant 0 : i32
      %dma_start3A_30 = tpu.memref_slice %arg8[%run_scoped3A_7, %dma_start3A_28, %dma_start3A_29] : memref<2x8x128xi32, #tpu.memory_space<vmem>> -> memref<1x8x128xi32, #tpu.memory_space<vmem>>
      %dma_start3A_31 = tpu.memref_squeeze %dma_start3A_30 : memref<1x8x128xi32, #tpu.memory_space<vmem>> -> memref<8x128xi32, #tpu.memory_space<vmem>>
      %dma_start3A_32 = arith.constant 0 : i32
      %dma_start3A_33 = tpu.memref_slice %arg4[%mul3A_2, %dma_start3A_32] : memref<5120x128xi32, #tpu.memory_space<hbm>> -> memref<8x128xi32, #tpu.memory_space<hbm>>
      %dma_start3A_34 = arith.constant 0 : i32
      %dma_start3A_35 = arith.constant 0 : i32
      %dma_start3A_36 = tpu.memref_slice %arg8[%run_scoped3A_7, %dma_start3A_34, %dma_start3A_35] : memref<2x8x128xi32, #tpu.memory_space<vmem>> -> memref<1x8x128xi32, #tpu.memory_space<vmem>>
      %dma_start3A_37 = tpu.memref_squeeze %dma_start3A_36 : memref<1x8x128xi32, #tpu.memory_space<vmem>> -> memref<8x128xi32, #tpu.memory_space<vmem>>
      %dma_start3A_38 = arith.constant 0 : i32
      %dma_start3A_39 = tpu.memref_slice %arg4[%mul3A_2, %dma_start3A_38] : memref<5120x128xi32, #tpu.memory_space<hbm>> -> memref<8x128xi32, #tpu.memory_space<hbm>>
      tpu.enqueue_dma source(%dma_start3A_39 : memref<8x128xi32, #tpu.memory_space<hbm>>) target(%dma_start3A_37 : memref<8x128xi32, #tpu.memory_space<vmem>>) target_semaphore(%run_scoped3A_27 : memref<!tpu.dma_semaphore, #tpu.memory_space<semaphore_mem>>)
      %dma_wait3A = arith.constant 0 : i32
      %dma_wait3A_40 = arith.constant 0 : i32
      %dma_wait3A_41 = tpu.memref_slice %arg8[%run_scoped3A_7, %dma_wait3A, %dma_wait3A_40] : memref<2x8x128xi32, #tpu.memory_space<vmem>> -> memref<1x8x128xi32, #tpu.memory_space<vmem>>
      %dma_wait3A_42 = tpu.memref_squeeze %dma_wait3A_41 : memref<1x8x128xi32, #tpu.memory_space<vmem>> -> memref<8x128xi32, #tpu.memory_space<vmem>>
      %dma_wait3A_43 = arith.constant 0 : i32
      %dma_wait3A_44 = tpu.memref_slice %arg4[%mul3A_2, %dma_wait3A_43] : memref<5120x128xi32, #tpu.memory_space<hbm>> -> memref<8x128xi32, #tpu.memory_space<hbm>>
      %dma_wait3A_45 = arith.constant 0 : i32
      %dma_wait3A_46 = arith.constant 0 : i32
      %dma_wait3A_47 = tpu.memref_slice %arg8[%run_scoped3A_7, %dma_wait3A_45, %dma_wait3A_46] : memref<2x8x128xi32, #tpu.memory_space<vmem>> -> memref<1x8x128xi32, #tpu.memory_space<vmem>>
      %dma_wait3A_48 = tpu.memref_squeeze %dma_wait3A_47 : memref<1x8x128xi32, #tpu.memory_space<vmem>> -> memref<8x128xi32, #tpu.memory_space<vmem>>
      %dma_wait3A_49 = arith.constant 0 : i32
      %dma_wait3A_50 = tpu.memref_slice %arg4[%mul3A_2, %dma_wait3A_49] : memref<5120x128xi32, #tpu.memory_space<hbm>> -> memref<8x128xi32, #tpu.memory_space<hbm>>
      tpu.wait_dma2 semaphore(%run_scoped3A_27 : memref<!tpu.dma_semaphore, #tpu.memory_space<semaphore_mem>>) src(%dma_wait3A_50 : memref<8x128xi32, #tpu.memory_space<hbm>>) dst(%dma_wait3A_48 : memref<8x128xi32, #tpu.memory_space<vmem>>)
      tpu.yield
    }) : () -> ()
    %dma_start3A = arith.constant 0 : i32
    %dma_start3A_8 = arith.constant 0 : i32
    %dma_start3A_9 = arith.constant 0 : i32
    %dma_start3A_10 = tpu.memref_slice %arg7[%dma_start3A, %dma_start3A_8, %dma_start3A_9] : memref<2x8x128xi32, #tpu.memory_space<vmem>> -> memref<1x1x128xi32, #tpu.memory_space<vmem>>
    %dma_start3A_11 = tpu.memref_squeeze %dma_start3A_10 : memref<1x1x128xi32, #tpu.memory_space<vmem>> -> memref<128xi32, #tpu.memory_space<vmem>>
    %dma_start3A_12 = arith.constant 0 : i32
    %dma_start3A_13 = arith.constant 0 : i32
    %dma_start3A_14 = tpu.memref_slice %arg2[%dma_start3A_12, %dma_start3A_13] : memref<40000x128xf32, #tpu.memory_space<hbm>> -> memref<40000x128xf32, #tpu.memory_space<hbm>>
    tpu.enqueue_indirect_dma source(%dma_start3A_14 : memref<40000x128xf32, #tpu.memory_space<hbm>>) target(%arg9 : memref<128x128xf32, #tpu.memory_space<vmem>>) offsets(%dma_start3A_11 : memref<128xi32, #tpu.memory_space<vmem>>) semaphore(%arg12 : memref<!tpu.dma_semaphore, #tpu.memory_space<semaphore_mem>>)
    %scan3A = arith.constant 0 : i32
    %scan3A_15 = arith.constant 0 : i32
    %scan3A_16 = arith.constant 20 : i32
    %scan3A_17 = arith.addi %scan3A_15, %scan3A_16 : i32
    %scan3A_18 = arith.constant 1 : i32
    scf.for %scan3A_27 = %scan3A_15 to %scan3A_17 step %scan3A_18  : i32 {
      %jit3A = arith.constant 2 : i32
      %eq3A_28 = arith.constant 0 : i32
      %eq3A_29 = arith.cmpi eq, %jit3A, %eq3A_28 : i32
      %jit3A_30 = arith.constant 1 : i32
      %select_n3A = arith.select %eq3A_29, %jit3A_30, %jit3A : i32
      %rem3A = arith.remsi %scan3A_27, %select_n3A : i32
      %ne3A = arith.constant 0 : i32
      %ne3A_31 = arith.cmpi ne, %rem3A, %ne3A : i32
      %lt3A_32 = arith.constant 0 : i32
      %lt3A_33 = arith.cmpi slt, %rem3A, %lt3A_32 : i32
      %lt3A_34 = arith.constant 0 : i32
      %lt3A_35 = arith.cmpi slt, %select_n3A, %lt3A_34 : i32
      %ne3A_36 = arith.xori %lt3A_33, %lt3A_35 : i1
      %and3A = arith.andi %ne3A_36, %ne3A_31 : i1
      %add3A_37 = arith.addi %rem3A, %select_n3A : i32
      %select_n3A_38 = arith.select %and3A, %add3A_37, %rem3A : i32
      %dma_wait3A = arith.constant 0 : i32
      %dma_wait3A_39 = arith.constant 0 : i32
      %dma_wait3A_40 = tpu.memref_slice %arg2[%dma_wait3A, %dma_wait3A_39] : memref<40000x128xf32, #tpu.memory_space<hbm>> -> memref<128x128xf32, #tpu.memory_space<hbm>>
      %dma_wait3A_41 = arith.constant 0 : i32
      %dma_wait3A_42 = arith.constant 0 : i32
      %dma_wait3A_43 = tpu.memref_slice %arg2[%dma_wait3A_41, %dma_wait3A_42] : memref<40000x128xf32, #tpu.memory_space<hbm>> -> memref<128x128xf32, #tpu.memory_space<hbm>>
      tpu.wait_dma2 semaphore(%arg12 : memref<!tpu.dma_semaphore, #tpu.memory_space<semaphore_mem>>) src(%dma_wait3A_43 : memref<128x128xf32, #tpu.memory_space<hbm>>) dst(%arg9 : memref<128x128xf32, #tpu.memory_space<vmem>>)
      %lt3A_44 = arith.constant 19 : i32
      %lt3A_45 = arith.cmpi slt, %scan3A_27, %lt3A_44 : i32
      %convert_element_type3A_46 = arith.extui %lt3A_45 : i1 to i32
      %cond3A_47 = arith.constant 0 : i32
      %cond3A_48 = arith.cmpi ne, %convert_element_type3A_46, %cond3A_47 : i32
      scf.if %cond3A_48 {
        %add3A_153 = arith.constant 1 : i32
        %add3A_154 = arith.addi %scan3A_27, %add3A_153 : i32
        %sub3A = arith.constant 1 : i32
        %sub3A_155 = arith.subi %sub3A, %select_n3A_38 : i32
        %mul3A_156 = arith.constant 8 : i32
        %mul3A_157 = arith.muli %add3A_154, %mul3A_156 : i32
        %add3A_158 = arith.addi %mul3A_2, %mul3A_157 : i32
        %dma_start3A_159 = arith.constant 0 : i32
        %dma_start3A_160 = arith.constant 0 : i32
        %dma_start3A_161 = tpu.memref_slice %arg7[%sub3A_155, %dma_start3A_159, %dma_start3A_160] : memref<2x8x128xi32, #tpu.memory_space<vmem>> -> memref<1x8x128xi32, #tpu.memory_space<vmem>>
        %dma_start3A_162 = tpu.memref_squeeze %dma_start3A_161 : memref<1x8x128xi32, #tpu.memory_space<vmem>> -> memref<8x128xi32, #tpu.memory_space<vmem>>
        %dma_start3A_163 = arith.constant 0 : i32
        %dma_start3A_164 = tpu.memref_slice %arg3[%add3A_158, %dma_start3A_163] : memref<5120x128xi32, #tpu.memory_space<hbm>> -> memref<8x128xi32, #tpu.memory_space<hbm>>
        %dma_start3A_165 = arith.constant 0 : i32
        %dma_start3A_166 = arith.constant 0 : i32
        %dma_start3A_167 = tpu.memref_slice %arg7[%sub3A_155, %dma_start3A_165, %dma_start3A_166] : memref<2x8x128xi32, #tpu.memory_space<vmem>> -> memref<1x8x128xi32, #tpu.memory_space<vmem>>
        %dma_start3A_168 = tpu.memref_squeeze %dma_start3A_167 : memref<1x8x128xi32, #tpu.memory_space<vmem>> -> memref<8x128xi32, #tpu.memory_space<vmem>>
        %dma_start3A_169 = arith.constant 0 : i32
        %dma_start3A_170 = tpu.memref_slice %arg3[%add3A_158, %dma_start3A_169] : memref<5120x128xi32, #tpu.memory_space<hbm>> -> memref<8x128xi32, #tpu.memory_space<hbm>>
        tpu.enqueue_dma source(%dma_start3A_170 : memref<8x128xi32, #tpu.memory_space<hbm>>) target(%dma_start3A_168 : memref<8x128xi32, #tpu.memory_space<vmem>>) target_semaphore(%arg16 : memref<!tpu.dma_semaphore, #tpu.memory_space<semaphore_mem>>)
        %mul3A_171 = arith.constant 8 : i32
        %mul3A_172 = arith.muli %add3A_154, %mul3A_171 : i32
        %add3A_173 = arith.addi %mul3A_2, %mul3A_172 : i32
        %dma_start3A_174 = arith.constant 0 : i32
        %dma_start3A_175 = arith.constant 0 : i32
        %dma_start3A_176 = tpu.memref_slice %arg8[%sub3A_155, %dma_start3A_174, %dma_start3A_175] : memref<2x8x128xi32, #tpu.memory_space<vmem>> -> memref<1x8x128xi32, #tpu.memory_space<vmem>>
        %dma_start3A_177 = tpu.memref_squeeze %dma_start3A_176 : memref<1x8x128xi32, #tpu.memory_space<vmem>> -> memref<8x128xi32, #tpu.memory_space<vmem>>
        %dma_start3A_178 = arith.constant 0 : i32
        %dma_start3A_179 = tpu.memref_slice %arg4[%add3A_173, %dma_start3A_178] : memref<5120x128xi32, #tpu.memory_space<hbm>> -> memref<8x128xi32, #tpu.memory_space<hbm>>
        %dma_start3A_180 = arith.constant 0 : i32
        %dma_start3A_181 = arith.constant 0 : i32
        %dma_start3A_182 = tpu.memref_slice %arg8[%sub3A_155, %dma_start3A_180, %dma_start3A_181] : memref<2x8x128xi32, #tpu.memory_space<vmem>> -> memref<1x8x128xi32, #tpu.memory_space<vmem>>
        %dma_start3A_183 = tpu.memref_squeeze %dma_start3A_182 : memref<1x8x128xi32, #tpu.memory_space<vmem>> -> memref<8x128xi32, #tpu.memory_space<vmem>>
        %dma_start3A_184 = arith.constant 0 : i32
        %dma_start3A_185 = tpu.memref_slice %arg4[%add3A_173, %dma_start3A_184] : memref<5120x128xi32, #tpu.memory_space<hbm>> -> memref<8x128xi32, #tpu.memory_space<hbm>>
        tpu.enqueue_dma source(%dma_start3A_185 : memref<8x128xi32, #tpu.memory_space<hbm>>) target(%dma_start3A_183 : memref<8x128xi32, #tpu.memory_space<vmem>>) target_semaphore(%arg17 : memref<!tpu.dma_semaphore, #tpu.memory_space<semaphore_mem>>)
      } else {
      }
      %dma_start3A_49 = arith.constant 1 : i32
      %dma_start3A_50 = arith.constant 0 : i32
      %dma_start3A_51 = tpu.memref_slice %arg7[%select_n3A_38, %dma_start3A_49, %dma_start3A_50] : memref<2x8x128xi32, #tpu.memory_space<vmem>> -> memref<1x1x128xi32, #tpu.memory_space<vmem>>
      %dma_start3A_52 = tpu.memref_squeeze %dma_start3A_51 : memref<1x1x128xi32, #tpu.memory_space<vmem>> -> memref<128xi32, #tpu.memory_space<vmem>>
      %dma_start3A_53 = arith.constant 0 : i32
      %dma_start3A_54 = arith.constant 0 : i32
      %dma_start3A_55 = tpu.memref_slice %arg2[%dma_start3A_53, %dma_start3A_54] : memref<40000x128xf32, #tpu.memory_space<hbm>> -> memref<40000x128xf32, #tpu.memory_space<hbm>>
      tpu.enqueue_indirect_dma source(%dma_start3A_55 : memref<40000x128xf32, #tpu.memory_space<hbm>>) target(%arg10 : memref<128x128xf32, #tpu.memory_space<vmem>>) offsets(%dma_start3A_52 : memref<128xi32, #tpu.memory_space<vmem>>) semaphore(%arg13 : memref<!tpu.dma_semaphore, #tpu.memory_space<semaphore_mem>>)
      %run_scoped3A_56 = arith.constant 0 : i32
      "tpu.region"() ({
        %run_scoped3A_153 = tpu.sem_alloc : memref<!tpu.dma_semaphore, #tpu.memory_space<semaphore_mem>>
        %dma_start3A_154 = arith.constant 0 : i32
        %dma_start3A_155 = tpu.memref_slice %arg8[%select_n3A_38, %run_scoped3A_56, %dma_start3A_154] : memref<2x8x128xi32, #tpu.memory_space<vmem>> -> memref<1x1x128xi32, #tpu.memory_space<vmem>>
        %dma_start3A_156 = tpu.memref_squeeze %dma_start3A_155 : memref<1x1x128xi32, #tpu.memory_space<vmem>> -> memref<128xi32, #tpu.memory_space<vmem>>
        %dma_start3A_157 = arith.constant 0 : i32
        %dma_start3A_158 = arith.constant 0 : i32
        %dma_start3A_159 = tpu.memref_slice %arg11[%dma_start3A_157, %dma_start3A_158] : memref<10112x128xf32, #tpu.memory_space<vmem_shared>> -> memref<10112x128xf32, #tpu.memory_space<vmem_shared>>
        tpu.enqueue_indirect_dma source(%arg9 : memref<128x128xf32, #tpu.memory_space<vmem>>) target(%dma_start3A_159 : memref<10112x128xf32, #tpu.memory_space<vmem_shared>>) offsets(%dma_start3A_156 : memref<128xi32, #tpu.memory_space<vmem>>) semaphore(%run_scoped3A_153 : memref<!tpu.dma_semaphore, #tpu.memory_space<semaphore_mem>>) {add = true}
        %dma_wait3A_160 = arith.constant 0 : i32
        %dma_wait3A_161 = tpu.memref_slice %arg8[%select_n3A_38, %run_scoped3A_56, %dma_wait3A_160] : memref<2x8x128xi32, #tpu.memory_space<vmem>> -> memref<1x1x128xi32, #tpu.memory_space<vmem>>
        %dma_wait3A_162 = tpu.memref_squeeze %dma_wait3A_161 : memref<1x1x128xi32, #tpu.memory_space<vmem>> -> memref<128xi32, #tpu.memory_space<vmem>>
        %dma_wait3A_163 = arith.constant 0 : i32
        %dma_wait3A_164 = arith.constant 0 : i32
        %dma_wait3A_165 = tpu.memref_slice %arg11[%dma_wait3A_163, %dma_wait3A_164] : memref<10112x128xf32, #tpu.memory_space<vmem_shared>> -> memref<10112x128xf32, #tpu.memory_space<vmem_shared>>
        tpu.wait_indirect_dma semaphore(%run_scoped3A_153 : memref<!tpu.dma_semaphore, #tpu.memory_space<semaphore_mem>>) src(%arg9 : memref<128x128xf32, #tpu.memory_space<vmem>>) dst(%dma_wait3A_165 : memref<10112x128xf32, #tpu.memory_space<vmem_shared>>)
        tpu.yield
      }) : () -> ()
      %dma_wait3A_57 = arith.constant 0 : i32
      %dma_wait3A_58 = arith.constant 0 : i32
      %dma_wait3A_59 = tpu.memref_slice %arg2[%dma_wait3A_57, %dma_wait3A_58] : memref<40000x128xf32, #tpu.memory_space<hbm>> -> memref<128x128xf32, #tpu.memory_space<hbm>>
      %dma_wait3A_60 = arith.constant 0 : i32
      %dma_wait3A_61 = arith.constant 0 : i32
      %dma_wait3A_62 = tpu.memref_slice %arg2[%dma_wait3A_60, %dma_wait3A_61] : memref<40000x128xf32, #tpu.memory_space<hbm>> -> memref<128x128xf32, #tpu.memory_space<hbm>>
      tpu.wait_dma2 semaphore(%arg13 : memref<!tpu.dma_semaphore, #tpu.memory_space<semaphore_mem>>) src(%dma_wait3A_62 : memref<128x128xf32, #tpu.memory_space<hbm>>) dst(%arg10 : memref<128x128xf32, #tpu.memory_space<vmem>>)
      %dma_start3A_63 = arith.constant 2 : i32
      %dma_start3A_64 = arith.constant 0 : i32
      %dma_start3A_65 = tpu.memref_slice %arg7[%select_n3A_38, %dma_start3A_63, %dma_start3A_64] : memref<2x8x128xi32, #tpu.memory_space<vmem>> -> memref<1x1x128xi32, #tpu.memory_space<vmem>>
      %dma_start3A_66 = tpu.memref_squeeze %dma_start3A_65 : memref<1x1x128xi32, #tpu.memory_space<vmem>> -> memref<128xi32, #tpu.memory_space<vmem>>
      %dma_start3A_67 = arith.constant 0 : i32
      %dma_start3A_68 = arith.constant 0 : i32
      %dma_start3A_69 = tpu.memref_slice %arg2[%dma_start3A_67, %dma_start3A_68] : memref<40000x128xf32, #tpu.memory_space<hbm>> -> memref<40000x128xf32, #tpu.memory_space<hbm>>
      tpu.enqueue_indirect_dma source(%dma_start3A_69 : memref<40000x128xf32, #tpu.memory_space<hbm>>) target(%arg9 : memref<128x128xf32, #tpu.memory_space<vmem>>) offsets(%dma_start3A_66 : memref<128xi32, #tpu.memory_space<vmem>>) semaphore(%arg12 : memref<!tpu.dma_semaphore, #tpu.memory_space<semaphore_mem>>)
      %run_scoped3A_70 = arith.constant 1 : i32
      "tpu.region"() ({
        %run_scoped3A_153 = tpu.sem_alloc : memref<!tpu.dma_semaphore, #tpu.memory_space<semaphore_mem>>
        %dma_start3A_154 = arith.constant 0 : i32
        %dma_start3A_155 = tpu.memref_slice %arg8[%select_n3A_38, %run_scoped3A_70, %dma_start3A_154] : memref<2x8x128xi32, #tpu.memory_space<vmem>> -> memref<1x1x128xi32, #tpu.memory_space<vmem>>
        %dma_start3A_156 = tpu.memref_squeeze %dma_start3A_155 : memref<1x1x128xi32, #tpu.memory_space<vmem>> -> memref<128xi32, #tpu.memory_space<vmem>>
        %dma_start3A_157 = arith.constant 0 : i32
        %dma_start3A_158 = arith.constant 0 : i32
        %dma_start3A_159 = tpu.memref_slice %arg11[%dma_start3A_157, %dma_start3A_158] : memref<10112x128xf32, #tpu.memory_space<vmem_shared>> -> memref<10112x128xf32, #tpu.memory_space<vmem_shared>>
        tpu.enqueue_indirect_dma source(%arg10 : memref<128x128xf32, #tpu.memory_space<vmem>>) target(%dma_start3A_159 : memref<10112x128xf32, #tpu.memory_space<vmem_shared>>) offsets(%dma_start3A_156 : memref<128xi32, #tpu.memory_space<vmem>>) semaphore(%run_scoped3A_153 : memref<!tpu.dma_semaphore, #tpu.memory_space<semaphore_mem>>) {add = true}
        %dma_wait3A_160 = arith.constant 0 : i32
        %dma_wait3A_161 = tpu.memref_slice %arg8[%select_n3A_38, %run_scoped3A_70, %dma_wait3A_160] : memref<2x8x128xi32, #tpu.memory_space<vmem>> -> memref<1x1x128xi32, #tpu.memory_space<vmem>>
        %dma_wait3A_162 = tpu.memref_squeeze %dma_wait3A_161 : memref<1x1x128xi32, #tpu.memory_space<vmem>> -> memref<128xi32, #tpu.memory_space<vmem>>
        %dma_wait3A_163 = arith.constant 0 : i32
        %dma_wait3A_164 = arith.constant 0 : i32
        %dma_wait3A_165 = tpu.memref_slice %arg11[%dma_wait3A_163, %dma_wait3A_164] : memref<10112x128xf32, #tpu.memory_space<vmem_shared>> -> memref<10112x128xf32, #tpu.memory_space<vmem_shared>>
        tpu.wait_indirect_dma semaphore(%run_scoped3A_153 : memref<!tpu.dma_semaphore, #tpu.memory_space<semaphore_mem>>) src(%arg10 : memref<128x128xf32, #tpu.memory_space<vmem>>) dst(%dma_wait3A_165 : memref<10112x128xf32, #tpu.memory_space<vmem_shared>>)
        tpu.yield
      }) : () -> ()
      %dma_wait3A_71 = arith.constant 0 : i32
      %dma_wait3A_72 = arith.constant 0 : i32
      %dma_wait3A_73 = tpu.memref_slice %arg2[%dma_wait3A_71, %dma_wait3A_72] : memref<40000x128xf32, #tpu.memory_space<hbm>> -> memref<128x128xf32, #tpu.memory_space<hbm>>
      %dma_wait3A_74 = arith.constant 0 : i32
      %dma_wait3A_75 = arith.constant 0 : i32
      %dma_wait3A_76 = tpu.memref_slice %arg2[%dma_wait3A_74, %dma_wait3A_75] : memref<40000x128xf32, #tpu.memory_space<hbm>> -> memref<128x128xf32, #tpu.memory_space<hbm>>
      tpu.wait_dma2 semaphore(%arg12 : memref<!tpu.dma_semaphore, #tpu.memory_space<semaphore_mem>>) src(%dma_wait3A_76 : memref<128x128xf32, #tpu.memory_space<hbm>>) dst(%arg9 : memref<128x128xf32, #tpu.memory_space<vmem>>)
      %dma_start3A_77 = arith.constant 3 : i32
      %dma_start3A_78 = arith.constant 0 : i32
      %dma_start3A_79 = tpu.memref_slice %arg7[%select_n3A_38, %dma_start3A_77, %dma_start3A_78] : memref<2x8x128xi32, #tpu.memory_space<vmem>> -> memref<1x1x128xi32, #tpu.memory_space<vmem>>
      %dma_start3A_80 = tpu.memref_squeeze %dma_start3A_79 : memref<1x1x128xi32, #tpu.memory_space<vmem>> -> memref<128xi32, #tpu.memory_space<vmem>>
      %dma_start3A_81 = arith.constant 0 : i32
      %dma_start3A_82 = arith.constant 0 : i32
      %dma_start3A_83 = tpu.memref_slice %arg2[%dma_start3A_81, %dma_start3A_82] : memref<40000x128xf32, #tpu.memory_space<hbm>> -> memref<40000x128xf32, #tpu.memory_space<hbm>>
      tpu.enqueue_indirect_dma source(%dma_start3A_83 : memref<40000x128xf32, #tpu.memory_space<hbm>>) target(%arg10 : memref<128x128xf32, #tpu.memory_space<vmem>>) offsets(%dma_start3A_80 : memref<128xi32, #tpu.memory_space<vmem>>) semaphore(%arg13 : memref<!tpu.dma_semaphore, #tpu.memory_space<semaphore_mem>>)
      %run_scoped3A_84 = arith.constant 2 : i32
      "tpu.region"() ({
        %run_scoped3A_153 = tpu.sem_alloc : memref<!tpu.dma_semaphore, #tpu.memory_space<semaphore_mem>>
        %dma_start3A_154 = arith.constant 0 : i32
        %dma_start3A_155 = tpu.memref_slice %arg8[%select_n3A_38, %run_scoped3A_84, %dma_start3A_154] : memref<2x8x128xi32, #tpu.memory_space<vmem>> -> memref<1x1x128xi32, #tpu.memory_space<vmem>>
        %dma_start3A_156 = tpu.memref_squeeze %dma_start3A_155 : memref<1x1x128xi32, #tpu.memory_space<vmem>> -> memref<128xi32, #tpu.memory_space<vmem>>
        %dma_start3A_157 = arith.constant 0 : i32
        %dma_start3A_158 = arith.constant 0 : i32
        %dma_start3A_159 = tpu.memref_slice %arg11[%dma_start3A_157, %dma_start3A_158] : memref<10112x128xf32, #tpu.memory_space<vmem_shared>> -> memref<10112x128xf32, #tpu.memory_space<vmem_shared>>
        tpu.enqueue_indirect_dma source(%arg9 : memref<128x128xf32, #tpu.memory_space<vmem>>) target(%dma_start3A_159 : memref<10112x128xf32, #tpu.memory_space<vmem_shared>>) offsets(%dma_start3A_156 : memref<128xi32, #tpu.memory_space<vmem>>) semaphore(%run_scoped3A_153 : memref<!tpu.dma_semaphore, #tpu.memory_space<semaphore_mem>>) {add = true}
        %dma_wait3A_160 = arith.constant 0 : i32
        %dma_wait3A_161 = tpu.memref_slice %arg8[%select_n3A_38, %run_scoped3A_84, %dma_wait3A_160] : memref<2x8x128xi32, #tpu.memory_space<vmem>> -> memref<1x1x128xi32, #tpu.memory_space<vmem>>
        %dma_wait3A_162 = tpu.memref_squeeze %dma_wait3A_161 : memref<1x1x128xi32, #tpu.memory_space<vmem>> -> memref<128xi32, #tpu.memory_space<vmem>>
        %dma_wait3A_163 = arith.constant 0 : i32
        %dma_wait3A_164 = arith.constant 0 : i32
        %dma_wait3A_165 = tpu.memref_slice %arg11[%dma_wait3A_163, %dma_wait3A_164] : memref<10112x128xf32, #tpu.memory_space<vmem_shared>> -> memref<10112x128xf32, #tpu.memory_space<vmem_shared>>
        tpu.wait_indirect_dma semaphore(%run_scoped3A_153 : memref<!tpu.dma_semaphore, #tpu.memory_space<semaphore_mem>>) src(%arg9 : memref<128x128xf32, #tpu.memory_space<vmem>>) dst(%dma_wait3A_165 : memref<10112x128xf32, #tpu.memory_space<vmem_shared>>)
        tpu.yield
      }) : () -> ()
      %dma_wait3A_85 = arith.constant 0 : i32
      %dma_wait3A_86 = arith.constant 0 : i32
      %dma_wait3A_87 = tpu.memref_slice %arg2[%dma_wait3A_85, %dma_wait3A_86] : memref<40000x128xf32, #tpu.memory_space<hbm>> -> memref<128x128xf32, #tpu.memory_space<hbm>>
      %dma_wait3A_88 = arith.constant 0 : i32
      %dma_wait3A_89 = arith.constant 0 : i32
      %dma_wait3A_90 = tpu.memref_slice %arg2[%dma_wait3A_88, %dma_wait3A_89] : memref<40000x128xf32, #tpu.memory_space<hbm>> -> memref<128x128xf32, #tpu.memory_space<hbm>>
      tpu.wait_dma2 semaphore(%arg13 : memref<!tpu.dma_semaphore, #tpu.memory_space<semaphore_mem>>) src(%dma_wait3A_90 : memref<128x128xf32, #tpu.memory_space<hbm>>) dst(%arg10 : memref<128x128xf32, #tpu.memory_space<vmem>>)
      %dma_start3A_91 = arith.constant 4 : i32
      %dma_start3A_92 = arith.constant 0 : i32
      %dma_start3A_93 = tpu.memref_slice %arg7[%select_n3A_38, %dma_start3A_91, %dma_start3A_92] : memref<2x8x128xi32, #tpu.memory_space<vmem>> -> memref<1x1x128xi32, #tpu.memory_space<vmem>>
      %dma_start3A_94 = tpu.memref_squeeze %dma_start3A_93 : memref<1x1x128xi32, #tpu.memory_space<vmem>> -> memref<128xi32, #tpu.memory_space<vmem>>
      %dma_start3A_95 = arith.constant 0 : i32
      %dma_start3A_96 = arith.constant 0 : i32
      %dma_start3A_97 = tpu.memref_slice %arg2[%dma_start3A_95, %dma_start3A_96] : memref<40000x128xf32, #tpu.memory_space<hbm>> -> memref<40000x128xf32, #tpu.memory_space<hbm>>
      tpu.enqueue_indirect_dma source(%dma_start3A_97 : memref<40000x128xf32, #tpu.memory_space<hbm>>) target(%arg9 : memref<128x128xf32, #tpu.memory_space<vmem>>) offsets(%dma_start3A_94 : memref<128xi32, #tpu.memory_space<vmem>>) semaphore(%arg12 : memref<!tpu.dma_semaphore, #tpu.memory_space<semaphore_mem>>)
      %run_scoped3A_98 = arith.constant 3 : i32
      "tpu.region"() ({
        %run_scoped3A_153 = tpu.sem_alloc : memref<!tpu.dma_semaphore, #tpu.memory_space<semaphore_mem>>
        %dma_start3A_154 = arith.constant 0 : i32
        %dma_start3A_155 = tpu.memref_slice %arg8[%select_n3A_38, %run_scoped3A_98, %dma_start3A_154] : memref<2x8x128xi32, #tpu.memory_space<vmem>> -> memref<1x1x128xi32, #tpu.memory_space<vmem>>
        %dma_start3A_156 = tpu.memref_squeeze %dma_start3A_155 : memref<1x1x128xi32, #tpu.memory_space<vmem>> -> memref<128xi32, #tpu.memory_space<vmem>>
        %dma_start3A_157 = arith.constant 0 : i32
        %dma_start3A_158 = arith.constant 0 : i32
        %dma_start3A_159 = tpu.memref_slice %arg11[%dma_start3A_157, %dma_start3A_158] : memref<10112x128xf32, #tpu.memory_space<vmem_shared>> -> memref<10112x128xf32, #tpu.memory_space<vmem_shared>>
        tpu.enqueue_indirect_dma source(%arg10 : memref<128x128xf32, #tpu.memory_space<vmem>>) target(%dma_start3A_159 : memref<10112x128xf32, #tpu.memory_space<vmem_shared>>) offsets(%dma_start3A_156 : memref<128xi32, #tpu.memory_space<vmem>>) semaphore(%run_scoped3A_153 : memref<!tpu.dma_semaphore, #tpu.memory_space<semaphore_mem>>) {add = true}
        %dma_wait3A_160 = arith.constant 0 : i32
        %dma_wait3A_161 = tpu.memref_slice %arg8[%select_n3A_38, %run_scoped3A_98, %dma_wait3A_160] : memref<2x8x128xi32, #tpu.memory_space<vmem>> -> memref<1x1x128xi32, #tpu.memory_space<vmem>>
        %dma_wait3A_162 = tpu.memref_squeeze %dma_wait3A_161 : memref<1x1x128xi32, #tpu.memory_space<vmem>> -> memref<128xi32, #tpu.memory_space<vmem>>
        %dma_wait3A_163 = arith.constant 0 : i32
        %dma_wait3A_164 = arith.constant 0 : i32
        %dma_wait3A_165 = tpu.memref_slice %arg11[%dma_wait3A_163, %dma_wait3A_164] : memref<10112x128xf32, #tpu.memory_space<vmem_shared>> -> memref<10112x128xf32, #tpu.memory_space<vmem_shared>>
        tpu.wait_indirect_dma semaphore(%run_scoped3A_153 : memref<!tpu.dma_semaphore, #tpu.memory_space<semaphore_mem>>) src(%arg10 : memref<128x128xf32, #tpu.memory_space<vmem>>) dst(%dma_wait3A_165 : memref<10112x128xf32, #tpu.memory_space<vmem_shared>>)
        tpu.yield
      }) : () -> ()
      %dma_wait3A_99 = arith.constant 0 : i32
      %dma_wait3A_100 = arith.constant 0 : i32
      %dma_wait3A_101 = tpu.memref_slice %arg2[%dma_wait3A_99, %dma_wait3A_100] : memref<40000x128xf32, #tpu.memory_space<hbm>> -> memref<128x128xf32, #tpu.memory_space<hbm>>
      %dma_wait3A_102 = arith.constant 0 : i32
      %dma_wait3A_103 = arith.constant 0 : i32
      %dma_wait3A_104 = tpu.memref_slice %arg2[%dma_wait3A_102, %dma_wait3A_103] : memref<40000x128xf32, #tpu.memory_space<hbm>> -> memref<128x128xf32, #tpu.memory_space<hbm>>
      tpu.wait_dma2 semaphore(%arg12 : memref<!tpu.dma_semaphore, #tpu.memory_space<semaphore_mem>>) src(%dma_wait3A_104 : memref<128x128xf32, #tpu.memory_space<hbm>>) dst(%arg9 : memref<128x128xf32, #tpu.memory_space<vmem>>)
      %dma_start3A_105 = arith.constant 5 : i32
      %dma_start3A_106 = arith.constant 0 : i32
      %dma_start3A_107 = tpu.memref_slice %arg7[%select_n3A_38, %dma_start3A_105, %dma_start3A_106] : memref<2x8x128xi32, #tpu.memory_space<vmem>> -> memref<1x1x128xi32, #tpu.memory_space<vmem>>
      %dma_start3A_108 = tpu.memref_squeeze %dma_start3A_107 : memref<1x1x128xi32, #tpu.memory_space<vmem>> -> memref<128xi32, #tpu.memory_space<vmem>>
      %dma_start3A_109 = arith.constant 0 : i32
      %dma_start3A_110 = arith.constant 0 : i32
      %dma_start3A_111 = tpu.memref_slice %arg2[%dma_start3A_109, %dma_start3A_110] : memref<40000x128xf32, #tpu.memory_space<hbm>> -> memref<40000x128xf32, #tpu.memory_space<hbm>>
      tpu.enqueue_indirect_dma source(%dma_start3A_111 : memref<40000x128xf32, #tpu.memory_space<hbm>>) target(%arg10 : memref<128x128xf32, #tpu.memory_space<vmem>>) offsets(%dma_start3A_108 : memref<128xi32, #tpu.memory_space<vmem>>) semaphore(%arg13 : memref<!tpu.dma_semaphore, #tpu.memory_space<semaphore_mem>>)
      %run_scoped3A_112 = arith.constant 4 : i32
      "tpu.region"() ({
        %run_scoped3A_153 = tpu.sem_alloc : memref<!tpu.dma_semaphore, #tpu.memory_space<semaphore_mem>>
        %dma_start3A_154 = arith.constant 0 : i32
        %dma_start3A_155 = tpu.memref_slice %arg8[%select_n3A_38, %run_scoped3A_112, %dma_start3A_154] : memref<2x8x128xi32, #tpu.memory_space<vmem>> -> memref<1x1x128xi32, #tpu.memory_space<vmem>>
        %dma_start3A_156 = tpu.memref_squeeze %dma_start3A_155 : memref<1x1x128xi32, #tpu.memory_space<vmem>> -> memref<128xi32, #tpu.memory_space<vmem>>
        %dma_start3A_157 = arith.constant 0 : i32
        %dma_start3A_158 = arith.constant 0 : i32
        %dma_start3A_159 = tpu.memref_slice %arg11[%dma_start3A_157, %dma_start3A_158] : memref<10112x128xf32, #tpu.memory_space<vmem_shared>> -> memref<10112x128xf32, #tpu.memory_space<vmem_shared>>
        tpu.enqueue_indirect_dma source(%arg9 : memref<128x128xf32, #tpu.memory_space<vmem>>) target(%dma_start3A_159 : memref<10112x128xf32, #tpu.memory_space<vmem_shared>>) offsets(%dma_start3A_156 : memref<128xi32, #tpu.memory_space<vmem>>) semaphore(%run_scoped3A_153 : memref<!tpu.dma_semaphore, #tpu.memory_space<semaphore_mem>>) {add = true}
        %dma_wait3A_160 = arith.constant 0 : i32
        %dma_wait3A_161 = tpu.memref_slice %arg8[%select_n3A_38, %run_scoped3A_112, %dma_wait3A_160] : memref<2x8x128xi32, #tpu.memory_space<vmem>> -> memref<1x1x128xi32, #tpu.memory_space<vmem>>
        %dma_wait3A_162 = tpu.memref_squeeze %dma_wait3A_161 : memref<1x1x128xi32, #tpu.memory_space<vmem>> -> memref<128xi32, #tpu.memory_space<vmem>>
        %dma_wait3A_163 = arith.constant 0 : i32
        %dma_wait3A_164 = arith.constant 0 : i32
        %dma_wait3A_165 = tpu.memref_slice %arg11[%dma_wait3A_163, %dma_wait3A_164] : memref<10112x128xf32, #tpu.memory_space<vmem_shared>> -> memref<10112x128xf32, #tpu.memory_space<vmem_shared>>
        tpu.wait_indirect_dma semaphore(%run_scoped3A_153 : memref<!tpu.dma_semaphore, #tpu.memory_space<semaphore_mem>>) src(%arg9 : memref<128x128xf32, #tpu.memory_space<vmem>>) dst(%dma_wait3A_165 : memref<10112x128xf32, #tpu.memory_space<vmem_shared>>)
        tpu.yield
      }) : () -> ()
      %dma_wait3A_113 = arith.constant 0 : i32
      %dma_wait3A_114 = arith.constant 0 : i32
      %dma_wait3A_115 = tpu.memref_slice %arg2[%dma_wait3A_113, %dma_wait3A_114] : memref<40000x128xf32, #tpu.memory_space<hbm>> -> memref<128x128xf32, #tpu.memory_space<hbm>>
      %dma_wait3A_116 = arith.constant 0 : i32
      %dma_wait3A_117 = arith.constant 0 : i32
      %dma_wait3A_118 = tpu.memref_slice %arg2[%dma_wait3A_116, %dma_wait3A_117] : memref<40000x128xf32, #tpu.memory_space<hbm>> -> memref<128x128xf32, #tpu.memory_space<hbm>>
      tpu.wait_dma2 semaphore(%arg13 : memref<!tpu.dma_semaphore, #tpu.memory_space<semaphore_mem>>) src(%dma_wait3A_118 : memref<128x128xf32, #tpu.memory_space<hbm>>) dst(%arg10 : memref<128x128xf32, #tpu.memory_space<vmem>>)
      %dma_start3A_119 = arith.constant 6 : i32
      %dma_start3A_120 = arith.constant 0 : i32
      %dma_start3A_121 = tpu.memref_slice %arg7[%select_n3A_38, %dma_start3A_119, %dma_start3A_120] : memref<2x8x128xi32, #tpu.memory_space<vmem>> -> memref<1x1x128xi32, #tpu.memory_space<vmem>>
      %dma_start3A_122 = tpu.memref_squeeze %dma_start3A_121 : memref<1x1x128xi32, #tpu.memory_space<vmem>> -> memref<128xi32, #tpu.memory_space<vmem>>
      %dma_start3A_123 = arith.constant 0 : i32
      %dma_start3A_124 = arith.constant 0 : i32
      %dma_start3A_125 = tpu.memref_slice %arg2[%dma_start3A_123, %dma_start3A_124] : memref<40000x128xf32, #tpu.memory_space<hbm>> -> memref<40000x128xf32, #tpu.memory_space<hbm>>
      tpu.enqueue_indirect_dma source(%dma_start3A_125 : memref<40000x128xf32, #tpu.memory_space<hbm>>) target(%arg9 : memref<128x128xf32, #tpu.memory_space<vmem>>) offsets(%dma_start3A_122 : memref<128xi32, #tpu.memory_space<vmem>>) semaphore(%arg12 : memref<!tpu.dma_semaphore, #tpu.memory_space<semaphore_mem>>)
      %run_scoped3A_126 = arith.constant 5 : i32
      "tpu.region"() ({
        %run_scoped3A_153 = tpu.sem_alloc : memref<!tpu.dma_semaphore, #tpu.memory_space<semaphore_mem>>
        %dma_start3A_154 = arith.constant 0 : i32
        %dma_start3A_155 = tpu.memref_slice %arg8[%select_n3A_38, %run_scoped3A_126, %dma_start3A_154] : memref<2x8x128xi32, #tpu.memory_space<vmem>> -> memref<1x1x128xi32, #tpu.memory_space<vmem>>
        %dma_start3A_156 = tpu.memref_squeeze %dma_start3A_155 : memref<1x1x128xi32, #tpu.memory_space<vmem>> -> memref<128xi32, #tpu.memory_space<vmem>>
        %dma_start3A_157 = arith.constant 0 : i32
        %dma_start3A_158 = arith.constant 0 : i32
        %dma_start3A_159 = tpu.memref_slice %arg11[%dma_start3A_157, %dma_start3A_158] : memref<10112x128xf32, #tpu.memory_space<vmem_shared>> -> memref<10112x128xf32, #tpu.memory_space<vmem_shared>>
        tpu.enqueue_indirect_dma source(%arg10 : memref<128x128xf32, #tpu.memory_space<vmem>>) target(%dma_start3A_159 : memref<10112x128xf32, #tpu.memory_space<vmem_shared>>) offsets(%dma_start3A_156 : memref<128xi32, #tpu.memory_space<vmem>>) semaphore(%run_scoped3A_153 : memref<!tpu.dma_semaphore, #tpu.memory_space<semaphore_mem>>) {add = true}
        %dma_wait3A_160 = arith.constant 0 : i32
        %dma_wait3A_161 = tpu.memref_slice %arg8[%select_n3A_38, %run_scoped3A_126, %dma_wait3A_160] : memref<2x8x128xi32, #tpu.memory_space<vmem>> -> memref<1x1x128xi32, #tpu.memory_space<vmem>>
        %dma_wait3A_162 = tpu.memref_squeeze %dma_wait3A_161 : memref<1x1x128xi32, #tpu.memory_space<vmem>> -> memref<128xi32, #tpu.memory_space<vmem>>
        %dma_wait3A_163 = arith.constant 0 : i32
        %dma_wait3A_164 = arith.constant 0 : i32
        %dma_wait3A_165 = tpu.memref_slice %arg11[%dma_wait3A_163, %dma_wait3A_164] : memref<10112x128xf32, #tpu.memory_space<vmem_shared>> -> memref<10112x128xf32, #tpu.memory_space<vmem_shared>>
        tpu.wait_indirect_dma semaphore(%run_scoped3A_153 : memref<!tpu.dma_semaphore, #tpu.memory_space<semaphore_mem>>) src(%arg10 : memref<128x128xf32, #tpu.memory_space<vmem>>) dst(%dma_wait3A_165 : memref<10112x128xf32, #tpu.memory_space<vmem_shared>>)
        tpu.yield
      }) : () -> ()
      %dma_wait3A_127 = arith.constant 0 : i32
      %dma_wait3A_128 = arith.constant 0 : i32
      %dma_wait3A_129 = tpu.memref_slice %arg2[%dma_wait3A_127, %dma_wait3A_128] : memref<40000x128xf32, #tpu.memory_space<hbm>> -> memref<128x128xf32, #tpu.memory_space<hbm>>
      %dma_wait3A_130 = arith.constant 0 : i32
      %dma_wait3A_131 = arith.constant 0 : i32
      %dma_wait3A_132 = tpu.memref_slice %arg2[%dma_wait3A_130, %dma_wait3A_131] : memref<40000x128xf32, #tpu.memory_space<hbm>> -> memref<128x128xf32, #tpu.memory_space<hbm>>
      tpu.wait_dma2 semaphore(%arg12 : memref<!tpu.dma_semaphore, #tpu.memory_space<semaphore_mem>>) src(%dma_wait3A_132 : memref<128x128xf32, #tpu.memory_space<hbm>>) dst(%arg9 : memref<128x128xf32, #tpu.memory_space<vmem>>)
      %dma_start3A_133 = arith.constant 7 : i32
      %dma_start3A_134 = arith.constant 0 : i32
      %dma_start3A_135 = tpu.memref_slice %arg7[%select_n3A_38, %dma_start3A_133, %dma_start3A_134] : memref<2x8x128xi32, #tpu.memory_space<vmem>> -> memref<1x1x128xi32, #tpu.memory_space<vmem>>
      %dma_start3A_136 = tpu.memref_squeeze %dma_start3A_135 : memref<1x1x128xi32, #tpu.memory_space<vmem>> -> memref<128xi32, #tpu.memory_space<vmem>>
      %dma_start3A_137 = arith.constant 0 : i32
      %dma_start3A_138 = arith.constant 0 : i32
      %dma_start3A_139 = tpu.memref_slice %arg2[%dma_start3A_137, %dma_start3A_138] : memref<40000x128xf32, #tpu.memory_space<hbm>> -> memref<40000x128xf32, #tpu.memory_space<hbm>>
      tpu.enqueue_indirect_dma source(%dma_start3A_139 : memref<40000x128xf32, #tpu.memory_space<hbm>>) target(%arg10 : memref<128x128xf32, #tpu.memory_space<vmem>>) offsets(%dma_start3A_136 : memref<128xi32, #tpu.memory_space<vmem>>) semaphore(%arg13 : memref<!tpu.dma_semaphore, #tpu.memory_space<semaphore_mem>>)
      %run_scoped3A_140 = arith.constant 6 : i32
      "tpu.region"() ({
        %run_scoped3A_153 = tpu.sem_alloc : memref<!tpu.dma_semaphore, #tpu.memory_space<semaphore_mem>>
        %dma_start3A_154 = arith.constant 0 : i32
        %dma_start3A_155 = tpu.memref_slice %arg8[%select_n3A_38, %run_scoped3A_140, %dma_start3A_154] : memref<2x8x128xi32, #tpu.memory_space<vmem>> -> memref<1x1x128xi32, #tpu.memory_space<vmem>>
        %dma_start3A_156 = tpu.memref_squeeze %dma_start3A_155 : memref<1x1x128xi32, #tpu.memory_space<vmem>> -> memref<128xi32, #tpu.memory_space<vmem>>
        %dma_start3A_157 = arith.constant 0 : i32
        %dma_start3A_158 = arith.constant 0 : i32
        %dma_start3A_159 = tpu.memref_slice %arg11[%dma_start3A_157, %dma_start3A_158] : memref<10112x128xf32, #tpu.memory_space<vmem_shared>> -> memref<10112x128xf32, #tpu.memory_space<vmem_shared>>
        tpu.enqueue_indirect_dma source(%arg9 : memref<128x128xf32, #tpu.memory_space<vmem>>) target(%dma_start3A_159 : memref<10112x128xf32, #tpu.memory_space<vmem_shared>>) offsets(%dma_start3A_156 : memref<128xi32, #tpu.memory_space<vmem>>) semaphore(%run_scoped3A_153 : memref<!tpu.dma_semaphore, #tpu.memory_space<semaphore_mem>>) {add = true}
        %dma_wait3A_160 = arith.constant 0 : i32
        %dma_wait3A_161 = tpu.memref_slice %arg8[%select_n3A_38, %run_scoped3A_140, %dma_wait3A_160] : memref<2x8x128xi32, #tpu.memory_space<vmem>> -> memref<1x1x128xi32, #tpu.memory_space<vmem>>
        %dma_wait3A_162 = tpu.memref_squeeze %dma_wait3A_161 : memref<1x1x128xi32, #tpu.memory_space<vmem>> -> memref<128xi32, #tpu.memory_space<vmem>>
        %dma_wait3A_163 = arith.constant 0 : i32
        %dma_wait3A_164 = arith.constant 0 : i32
        %dma_wait3A_165 = tpu.memref_slice %arg11[%dma_wait3A_163, %dma_wait3A_164] : memref<10112x128xf32, #tpu.memory_space<vmem_shared>> -> memref<10112x128xf32, #tpu.memory_space<vmem_shared>>
        tpu.wait_indirect_dma semaphore(%run_scoped3A_153 : memref<!tpu.dma_semaphore, #tpu.memory_space<semaphore_mem>>) src(%arg9 : memref<128x128xf32, #tpu.memory_space<vmem>>) dst(%dma_wait3A_165 : memref<10112x128xf32, #tpu.memory_space<vmem_shared>>)
        tpu.yield
      }) : () -> ()
      %dma_wait3A_141 = arith.constant 0 : i32
      %dma_wait3A_142 = arith.constant 0 : i32
      %dma_wait3A_143 = tpu.memref_slice %arg2[%dma_wait3A_141, %dma_wait3A_142] : memref<40000x128xf32, #tpu.memory_space<hbm>> -> memref<128x128xf32, #tpu.memory_space<hbm>>
      %dma_wait3A_144 = arith.constant 0 : i32
      %dma_wait3A_145 = arith.constant 0 : i32
      %dma_wait3A_146 = tpu.memref_slice %arg2[%dma_wait3A_144, %dma_wait3A_145] : memref<40000x128xf32, #tpu.memory_space<hbm>> -> memref<128x128xf32, #tpu.memory_space<hbm>>
      tpu.wait_dma2 semaphore(%arg13 : memref<!tpu.dma_semaphore, #tpu.memory_space<semaphore_mem>>) src(%dma_wait3A_146 : memref<128x128xf32, #tpu.memory_space<hbm>>) dst(%arg10 : memref<128x128xf32, #tpu.memory_space<vmem>>)
      %lt3A_147 = arith.constant 19 : i32
      %lt3A_148 = arith.cmpi slt, %scan3A_27, %lt3A_147 : i32
      %convert_element_type3A_149 = arith.extui %lt3A_148 : i1 to i32
      %cond3A_150 = arith.constant 0 : i32
      %cond3A_151 = arith.cmpi ne, %convert_element_type3A_149, %cond3A_150 : i32
      scf.if %cond3A_151 {
        %sub3A = arith.constant 1 : i32
        %sub3A_153 = arith.subi %sub3A, %select_n3A_38 : i32
        %dma_wait3A_154 = arith.constant 0 : i32
        %dma_wait3A_155 = arith.constant 0 : i32
        %dma_wait3A_156 = tpu.memref_slice %arg7[%sub3A_153, %dma_wait3A_154, %dma_wait3A_155] : memref<2x8x128xi32, #tpu.memory_space<vmem>> -> memref<1x8x128xi32, #tpu.memory_space<vmem>>
        %dma_wait3A_157 = tpu.memref_squeeze %dma_wait3A_156 : memref<1x8x128xi32, #tpu.memory_space<vmem>> -> memref<8x128xi32, #tpu.memory_space<vmem>>
        %dma_wait3A_158 = arith.constant 0 : i32
        %dma_wait3A_159 = arith.constant 0 : i32
        %dma_wait3A_160 = tpu.memref_slice %arg3[%dma_wait3A_158, %dma_wait3A_159] : memref<5120x128xi32, #tpu.memory_space<hbm>> -> memref<8x128xi32, #tpu.memory_space<hbm>>
        %dma_wait3A_161 = arith.constant 0 : i32
        %dma_wait3A_162 = arith.constant 0 : i32
        %dma_wait3A_163 = tpu.memref_slice %arg7[%sub3A_153, %dma_wait3A_161, %dma_wait3A_162] : memref<2x8x128xi32, #tpu.memory_space<vmem>> -> memref<1x8x128xi32, #tpu.memory_space<vmem>>
        %dma_wait3A_164 = tpu.memref_squeeze %dma_wait3A_163 : memref<1x8x128xi32, #tpu.memory_space<vmem>> -> memref<8x128xi32, #tpu.memory_space<vmem>>
        %dma_wait3A_165 = arith.constant 0 : i32
        %dma_wait3A_166 = arith.constant 0 : i32
        %dma_wait3A_167 = tpu.memref_slice %arg3[%dma_wait3A_165, %dma_wait3A_166] : memref<5120x128xi32, #tpu.memory_space<hbm>> -> memref<8x128xi32, #tpu.memory_space<hbm>>
        tpu.wait_dma2 semaphore(%arg16 : memref<!tpu.dma_semaphore, #tpu.memory_space<semaphore_mem>>) src(%dma_wait3A_167 : memref<8x128xi32, #tpu.memory_space<hbm>>) dst(%dma_wait3A_164 : memref<8x128xi32, #tpu.memory_space<vmem>>)
        %dma_wait3A_168 = arith.constant 0 : i32
        %dma_wait3A_169 = arith.constant 0 : i32
        %dma_wait3A_170 = tpu.memref_slice %arg8[%sub3A_153, %dma_wait3A_168, %dma_wait3A_169] : memref<2x8x128xi32, #tpu.memory_space<vmem>> -> memref<1x8x128xi32, #tpu.memory_space<vmem>>
        %dma_wait3A_171 = tpu.memref_squeeze %dma_wait3A_170 : memref<1x8x128xi32, #tpu.memory_space<vmem>> -> memref<8x128xi32, #tpu.memory_space<vmem>>
        %dma_wait3A_172 = arith.constant 0 : i32
        %dma_wait3A_173 = arith.constant 0 : i32
        %dma_wait3A_174 = tpu.memref_slice %arg4[%dma_wait3A_172, %dma_wait3A_173] : memref<5120x128xi32, #tpu.memory_space<hbm>> -> memref<8x128xi32, #tpu.memory_space<hbm>>
        %dma_wait3A_175 = arith.constant 0 : i32
        %dma_wait3A_176 = arith.constant 0 : i32
        %dma_wait3A_177 = tpu.memref_slice %arg8[%sub3A_153, %dma_wait3A_175, %dma_wait3A_176] : memref<2x8x128xi32, #tpu.memory_space<vmem>> -> memref<1x8x128xi32, #tpu.memory_space<vmem>>
        %dma_wait3A_178 = tpu.memref_squeeze %dma_wait3A_177 : memref<1x8x128xi32, #tpu.memory_space<vmem>> -> memref<8x128xi32, #tpu.memory_space<vmem>>
        %dma_wait3A_179 = arith.constant 0 : i32
        %dma_wait3A_180 = arith.constant 0 : i32
        %dma_wait3A_181 = tpu.memref_slice %arg4[%dma_wait3A_179, %dma_wait3A_180] : memref<5120x128xi32, #tpu.memory_space<hbm>> -> memref<8x128xi32, #tpu.memory_space<hbm>>
        tpu.wait_dma2 semaphore(%arg17 : memref<!tpu.dma_semaphore, #tpu.memory_space<semaphore_mem>>) src(%dma_wait3A_181 : memref<8x128xi32, #tpu.memory_space<hbm>>) dst(%dma_wait3A_178 : memref<8x128xi32, #tpu.memory_space<vmem>>)
        %sub3A_182 = arith.constant 1 : i32
        %sub3A_183 = arith.subi %sub3A_182, %select_n3A_38 : i32
        %dma_start3A_184 = arith.constant 0 : i32
        %dma_start3A_185 = arith.constant 0 : i32
        %dma_start3A_186 = tpu.memref_slice %arg7[%sub3A_183, %dma_start3A_184, %dma_start3A_185] : memref<2x8x128xi32, #tpu.memory_space<vmem>> -> memref<1x1x128xi32, #tpu.memory_space<vmem>>
        %dma_start3A_187 = tpu.memref_squeeze %dma_start3A_186 : memref<1x1x128xi32, #tpu.memory_space<vmem>> -> memref<128xi32, #tpu.memory_space<vmem>>
        %dma_start3A_188 = arith.constant 0 : i32
        %dma_start3A_189 = arith.constant 0 : i32
        %dma_start3A_190 = tpu.memref_slice %arg2[%dma_start3A_188, %dma_start3A_189] : memref<40000x128xf32, #tpu.memory_space<hbm>> -> memref<40000x128xf32, #tpu.memory_space<hbm>>
        tpu.enqueue_indirect_dma source(%dma_start3A_190 : memref<40000x128xf32, #tpu.memory_space<hbm>>) target(%arg9 : memref<128x128xf32, #tpu.memory_space<vmem>>) offsets(%dma_start3A_187 : memref<128xi32, #tpu.memory_space<vmem>>) semaphore(%arg12 : memref<!tpu.dma_semaphore, #tpu.memory_space<semaphore_mem>>)
      } else {
      }
      %run_scoped3A_152 = arith.constant 7 : i32
      "tpu.region"() ({
        %run_scoped3A_153 = tpu.sem_alloc : memref<!tpu.dma_semaphore, #tpu.memory_space<semaphore_mem>>
        %dma_start3A_154 = arith.constant 0 : i32
        %dma_start3A_155 = tpu.memref_slice %arg8[%select_n3A_38, %run_scoped3A_152, %dma_start3A_154] : memref<2x8x128xi32, #tpu.memory_space<vmem>> -> memref<1x1x128xi32, #tpu.memory_space<vmem>>
        %dma_start3A_156 = tpu.memref_squeeze %dma_start3A_155 : memref<1x1x128xi32, #tpu.memory_space<vmem>> -> memref<128xi32, #tpu.memory_space<vmem>>
        %dma_start3A_157 = arith.constant 0 : i32
        %dma_start3A_158 = arith.constant 0 : i32
        %dma_start3A_159 = tpu.memref_slice %arg11[%dma_start3A_157, %dma_start3A_158] : memref<10112x128xf32, #tpu.memory_space<vmem_shared>> -> memref<10112x128xf32, #tpu.memory_space<vmem_shared>>
        tpu.enqueue_indirect_dma source(%arg10 : memref<128x128xf32, #tpu.memory_space<vmem>>) target(%dma_start3A_159 : memref<10112x128xf32, #tpu.memory_space<vmem_shared>>) offsets(%dma_start3A_156 : memref<128xi32, #tpu.memory_space<vmem>>) semaphore(%run_scoped3A_153 : memref<!tpu.dma_semaphore, #tpu.memory_space<semaphore_mem>>) {add = true}
        %dma_wait3A_160 = arith.constant 0 : i32
        %dma_wait3A_161 = tpu.memref_slice %arg8[%select_n3A_38, %run_scoped3A_152, %dma_wait3A_160] : memref<2x8x128xi32, #tpu.memory_space<vmem>> -> memref<1x1x128xi32, #tpu.memory_space<vmem>>
        %dma_wait3A_162 = tpu.memref_squeeze %dma_wait3A_161 : memref<1x1x128xi32, #tpu.memory_space<vmem>> -> memref<128xi32, #tpu.memory_space<vmem>>
        %dma_wait3A_163 = arith.constant 0 : i32
        %dma_wait3A_164 = arith.constant 0 : i32
        %dma_wait3A_165 = tpu.memref_slice %arg11[%dma_wait3A_163, %dma_wait3A_164] : memref<10112x128xf32, #tpu.memory_space<vmem_shared>> -> memref<10112x128xf32, #tpu.memory_space<vmem_shared>>
        tpu.wait_indirect_dma semaphore(%run_scoped3A_153 : memref<!tpu.dma_semaphore, #tpu.memory_space<semaphore_mem>>) src(%arg10 : memref<128x128xf32, #tpu.memory_space<vmem>>) dst(%dma_wait3A_165 : memref<10112x128xf32, #tpu.memory_space<vmem_shared>>)
        tpu.yield
      }) : () -> ()
    }
    %scan3A_19 = arith.constant 20 : i32
    %barrier3A_20 = arith.constant 0 : index
    tpu.barrier barrier_id(%barrier3A_20)
    %lt3A = arith.constant 15 : i32
    %lt3A_21 = arith.cmpi slt, %arg1, %lt3A : i32
    %convert_element_type3A = arith.extui %lt3A_21 : i1 to i32
    %cond3A = arith.constant 0 : i32
    %cond3A_22 = arith.cmpi ne, %convert_element_type3A, %cond3A : i32
    scf.if %cond3A_22 {
      %mul3A_27 = arith.constant 632 : i32
      %mul3A_28 = arith.muli %arg1, %mul3A_27 : i32
      %mul3A_29 = arith.constant 632 : i32
      %mul3A_30 = arith.muli %arg1, %mul3A_29 : i32
      "tpu.region"() ({
        %run_scoped3A_31 = tpu.sem_alloc : memref<!tpu.dma_semaphore, #tpu.memory_space<semaphore_mem>>
        %dma_start3A_32 = arith.constant 0 : i32
        %dma_start3A_33 = tpu.memref_slice %arg6[%arg0, %mul3A_30, %dma_start3A_32] : memref<2x10000x128xf32, #tpu.memory_space<hbm>> -> memref<1x632x128xf32, #tpu.memory_space<hbm>>
        %dma_start3A_34 = tpu.memref_squeeze %dma_start3A_33 : memref<1x632x128xf32, #tpu.memory_space<hbm>> -> memref<632x128xf32, #tpu.memory_space<hbm>>
        %dma_start3A_35 = arith.constant 0 : i32
        %dma_start3A_36 = tpu.memref_slice %arg11[%mul3A_28, %dma_start3A_35] : memref<10112x128xf32, #tpu.memory_space<vmem_shared>> -> memref<632x128xf32, #tpu.memory_space<vmem_shared>>
        tpu.enqueue_dma source(%dma_start3A_36 : memref<632x128xf32, #tpu.memory_space<vmem_shared>>) target(%dma_start3A_34 : memref<632x128xf32, #tpu.memory_space<hbm>>) target_semaphore(%run_scoped3A_31 : memref<!tpu.dma_semaphore, #tpu.memory_space<semaphore_mem>>)
        %dma_wait3A = arith.constant 0 : i32
        %dma_wait3A_37 = tpu.memref_slice %arg6[%arg0, %mul3A_30, %dma_wait3A] : memref<2x10000x128xf32, #tpu.memory_space<hbm>> -> memref<1x632x128xf32, #tpu.memory_space<hbm>>
        %dma_wait3A_38 = tpu.memref_squeeze %dma_wait3A_37 : memref<1x632x128xf32, #tpu.memory_space<hbm>> -> memref<632x128xf32, #tpu.memory_space<hbm>>
        %dma_wait3A_39 = arith.constant 0 : i32
        %dma_wait3A_40 = tpu.memref_slice %arg11[%mul3A_28, %dma_wait3A_39] : memref<10112x128xf32, #tpu.memory_space<vmem_shared>> -> memref<632x128xf32, #tpu.memory_space<vmem_shared>>
        tpu.wait_dma2 semaphore(%run_scoped3A_31 : memref<!tpu.dma_semaphore, #tpu.memory_space<semaphore_mem>>) src(%dma_wait3A_40 : memref<632x128xf32, #tpu.memory_space<vmem_shared>>) dst(%dma_wait3A_38 : memref<632x128xf32, #tpu.memory_space<hbm>>)
        tpu.yield
      }) : () -> ()
    } else {
    }
    %eq3A = arith.constant 15 : i32
    %eq3A_23 = arith.cmpi eq, %arg1, %eq3A : i32
    %convert_element_type3A_24 = arith.extui %eq3A_23 : i1 to i32
    %cond3A_25 = arith.constant 0 : i32
    %cond3A_26 = arith.cmpi ne, %convert_element_type3A_24, %cond3A_25 : i32
    scf.if %cond3A_26 {
      "tpu.region"() ({
        %run_scoped3A_27 = tpu.sem_alloc : memref<!tpu.dma_semaphore, #tpu.memory_space<semaphore_mem>>
        %dma_start3A_28 = arith.constant 9480 : i32
        %dma_start3A_29 = arith.constant 0 : i32
        %dma_start3A_30 = tpu.memref_slice %arg6[%arg0, %dma_start3A_28, %dma_start3A_29] : memref<2x10000x128xf32, #tpu.memory_space<hbm>> -> memref<1x520x128xf32, #tpu.memory_space<hbm>>
        %dma_start3A_31 = tpu.memref_squeeze %dma_start3A_30 : memref<1x520x128xf32, #tpu.memory_space<hbm>> -> memref<520x128xf32, #tpu.memory_space<hbm>>
        %dma_start3A_32 = arith.constant 9480 : i32
        %dma_start3A_33 = arith.constant 0 : i32
        %dma_start3A_34 = tpu.memref_slice %arg11[%dma_start3A_32, %dma_start3A_33] : memref<10112x128xf32, #tpu.memory_space<vmem_shared>> -> memref<520x128xf32, #tpu.memory_space<vmem_shared>>
        tpu.enqueue_dma source(%dma_start3A_34 : memref<520x128xf32, #tpu.memory_space<vmem_shared>>) target(%dma_start3A_31 : memref<520x128xf32, #tpu.memory_space<hbm>>) target_semaphore(%run_scoped3A_27 : memref<!tpu.dma_semaphore, #tpu.memory_space<semaphore_mem>>)
        %dma_wait3A = arith.constant 9480 : i32
        %dma_wait3A_35 = arith.constant 0 : i32
        %dma_wait3A_36 = tpu.memref_slice %arg6[%arg0, %dma_wait3A, %dma_wait3A_35] : memref<2x10000x128xf32, #tpu.memory_space<hbm>> -> memref<1x520x128xf32, #tpu.memory_space<hbm>>
        %dma_wait3A_37 = tpu.memref_squeeze %dma_wait3A_36 : memref<1x520x128xf32, #tpu.memory_space<hbm>> -> memref<520x128xf32, #tpu.memory_space<hbm>>
        %dma_wait3A_38 = arith.constant 9480 : i32
        %dma_wait3A_39 = arith.constant 0 : i32
        %dma_wait3A_40 = tpu.memref_slice %arg11[%dma_wait3A_38, %dma_wait3A_39] : memref<10112x128xf32, #tpu.memory_space<vmem_shared>> -> memref<520x128xf32, #tpu.memory_space<vmem_shared>>
        tpu.wait_dma2 semaphore(%run_scoped3A_27 : memref<!tpu.dma_semaphore, #tpu.memory_space<semaphore_mem>>) src(%dma_wait3A_40 : memref<520x128xf32, #tpu.memory_space<vmem_shared>>) dst(%dma_wait3A_37 : memref<520x128xf32, #tpu.memory_space<hbm>>)
        tpu.yield
      }) : () -> ()
    } else {
    }
    return
  }
}

#map = affine_map<(d0, d1) -> (0)>
#map1 = affine_map<(d0, d1) -> (0, 0, 0)>
module attributes {stable_mosaic.version = 14 : i64} {
  func.func @k(%arg0: i32, %arg1: i32, %arg2: memref<20000xf32, #tpu.memory_space<hbm>>, %arg3: memref<32x196x16xi32, #tpu.memory_space<hbm>>, %arg4: memref<32x196x16xi32, #tpu.memory_space<hbm>>, %arg5: memref<32x196x16xf32, #tpu.memory_space<hbm>>, %arg6: memref<20000xf32, #tpu.memory_space<vmem>>, %arg7: memref<196x16xi32, #tpu.memory_space<vmem>>, %arg8: memref<196x16xi32, #tpu.memory_space<vmem>>, %arg9: memref<196x16xf32, #tpu.memory_space<vmem>>) attributes {dimension_semantics = [#tpu.dimension_semantics<core_parallel>, #tpu.dimension_semantics<subcore_parallel>], iteration_bounds = array<i64: 2, 16>, scalar_prefetch = 0 : i64, scratch_operands = 4 : i64, tpu.core_type = #tpu.core_type<sc_vector_subcore>, window_params = [{transform_indices = #map}, {transform_indices = #map1}, {transform_indices = #map1}, {transform_indices = #map1}]} {
    %mul3A = arith.constant 16 : i32
    %mul3A_0 = arith.muli %arg0, %mul3A : i32
    %add3A = arith.addi %mul3A_0, %arg1 : i32
    "tpu.region"() ({
      %run_scoped3A = tpu.sem_alloc : memref<!tpu.dma_semaphore, #tpu.memory_space<semaphore_mem>>
      tpu.enqueue_dma source(%arg2 : memref<20000xf32, #tpu.memory_space<hbm>>) target(%arg6 : memref<20000xf32, #tpu.memory_space<vmem>>) target_semaphore(%run_scoped3A : memref<!tpu.dma_semaphore, #tpu.memory_space<semaphore_mem>>)
      tpu.wait_dma2 semaphore(%run_scoped3A : memref<!tpu.dma_semaphore, #tpu.memory_space<semaphore_mem>>) src(%arg2 : memref<20000xf32, #tpu.memory_space<hbm>>) dst(%arg6 : memref<20000xf32, #tpu.memory_space<vmem>>)
      tpu.yield
    }) : () -> ()
    "tpu.region"() ({
      %run_scoped3A = tpu.sem_alloc : memref<!tpu.dma_semaphore, #tpu.memory_space<semaphore_mem>>
      %dma_start3A = arith.constant 0 : i32
      %dma_start3A_6 = arith.constant 0 : i32
      %dma_start3A_7 = tpu.memref_slice %arg3[%add3A, %dma_start3A, %dma_start3A_6] : memref<32x196x16xi32, #tpu.memory_space<hbm>> -> memref<1x196x16xi32, #tpu.memory_space<hbm>>
      %dma_start3A_8 = tpu.memref_squeeze %dma_start3A_7 : memref<1x196x16xi32, #tpu.memory_space<hbm>> -> memref<196x16xi32, #tpu.memory_space<hbm>>
      %dma_start3A_9 = arith.constant 0 : i32
      %dma_start3A_10 = arith.constant 0 : i32
      %dma_start3A_11 = tpu.memref_slice %arg3[%add3A, %dma_start3A_9, %dma_start3A_10] : memref<32x196x16xi32, #tpu.memory_space<hbm>> -> memref<1x196x16xi32, #tpu.memory_space<hbm>>
      %dma_start3A_12 = tpu.memref_squeeze %dma_start3A_11 : memref<1x196x16xi32, #tpu.memory_space<hbm>> -> memref<196x16xi32, #tpu.memory_space<hbm>>
      tpu.enqueue_dma source(%dma_start3A_12 : memref<196x16xi32, #tpu.memory_space<hbm>>) target(%arg7 : memref<196x16xi32, #tpu.memory_space<vmem>>) target_semaphore(%run_scoped3A : memref<!tpu.dma_semaphore, #tpu.memory_space<semaphore_mem>>)
      %dma_wait3A = arith.constant 0 : i32
      %dma_wait3A_13 = arith.constant 0 : i32
      %dma_wait3A_14 = tpu.memref_slice %arg3[%add3A, %dma_wait3A, %dma_wait3A_13] : memref<32x196x16xi32, #tpu.memory_space<hbm>> -> memref<1x196x16xi32, #tpu.memory_space<hbm>>
      %dma_wait3A_15 = tpu.memref_squeeze %dma_wait3A_14 : memref<1x196x16xi32, #tpu.memory_space<hbm>> -> memref<196x16xi32, #tpu.memory_space<hbm>>
      %dma_wait3A_16 = arith.constant 0 : i32
      %dma_wait3A_17 = arith.constant 0 : i32
      %dma_wait3A_18 = tpu.memref_slice %arg3[%add3A, %dma_wait3A_16, %dma_wait3A_17] : memref<32x196x16xi32, #tpu.memory_space<hbm>> -> memref<1x196x16xi32, #tpu.memory_space<hbm>>
      %dma_wait3A_19 = tpu.memref_squeeze %dma_wait3A_18 : memref<1x196x16xi32, #tpu.memory_space<hbm>> -> memref<196x16xi32, #tpu.memory_space<hbm>>
      tpu.wait_dma2 semaphore(%run_scoped3A : memref<!tpu.dma_semaphore, #tpu.memory_space<semaphore_mem>>) src(%dma_wait3A_19 : memref<196x16xi32, #tpu.memory_space<hbm>>) dst(%arg7 : memref<196x16xi32, #tpu.memory_space<vmem>>)
      tpu.yield
    }) : () -> ()
    "tpu.region"() ({
      %run_scoped3A = tpu.sem_alloc : memref<!tpu.dma_semaphore, #tpu.memory_space<semaphore_mem>>
      %dma_start3A = arith.constant 0 : i32
      %dma_start3A_6 = arith.constant 0 : i32
      %dma_start3A_7 = tpu.memref_slice %arg4[%add3A, %dma_start3A, %dma_start3A_6] : memref<32x196x16xi32, #tpu.memory_space<hbm>> -> memref<1x196x16xi32, #tpu.memory_space<hbm>>
      %dma_start3A_8 = tpu.memref_squeeze %dma_start3A_7 : memref<1x196x16xi32, #tpu.memory_space<hbm>> -> memref<196x16xi32, #tpu.memory_space<hbm>>
      %dma_start3A_9 = arith.constant 0 : i32
      %dma_start3A_10 = arith.constant 0 : i32
      %dma_start3A_11 = tpu.memref_slice %arg4[%add3A, %dma_start3A_9, %dma_start3A_10] : memref<32x196x16xi32, #tpu.memory_space<hbm>> -> memref<1x196x16xi32, #tpu.memory_space<hbm>>
      %dma_start3A_12 = tpu.memref_squeeze %dma_start3A_11 : memref<1x196x16xi32, #tpu.memory_space<hbm>> -> memref<196x16xi32, #tpu.memory_space<hbm>>
      tpu.enqueue_dma source(%dma_start3A_12 : memref<196x16xi32, #tpu.memory_space<hbm>>) target(%arg8 : memref<196x16xi32, #tpu.memory_space<vmem>>) target_semaphore(%run_scoped3A : memref<!tpu.dma_semaphore, #tpu.memory_space<semaphore_mem>>)
      %dma_wait3A = arith.constant 0 : i32
      %dma_wait3A_13 = arith.constant 0 : i32
      %dma_wait3A_14 = tpu.memref_slice %arg4[%add3A, %dma_wait3A, %dma_wait3A_13] : memref<32x196x16xi32, #tpu.memory_space<hbm>> -> memref<1x196x16xi32, #tpu.memory_space<hbm>>
      %dma_wait3A_15 = tpu.memref_squeeze %dma_wait3A_14 : memref<1x196x16xi32, #tpu.memory_space<hbm>> -> memref<196x16xi32, #tpu.memory_space<hbm>>
      %dma_wait3A_16 = arith.constant 0 : i32
      %dma_wait3A_17 = arith.constant 0 : i32
      %dma_wait3A_18 = tpu.memref_slice %arg4[%add3A, %dma_wait3A_16, %dma_wait3A_17] : memref<32x196x16xi32, #tpu.memory_space<hbm>> -> memref<1x196x16xi32, #tpu.memory_space<hbm>>
      %dma_wait3A_19 = tpu.memref_squeeze %dma_wait3A_18 : memref<1x196x16xi32, #tpu.memory_space<hbm>> -> memref<196x16xi32, #tpu.memory_space<hbm>>
      tpu.wait_dma2 semaphore(%run_scoped3A : memref<!tpu.dma_semaphore, #tpu.memory_space<semaphore_mem>>) src(%dma_wait3A_19 : memref<196x16xi32, #tpu.memory_space<hbm>>) dst(%arg8 : memref<196x16xi32, #tpu.memory_space<vmem>>)
      tpu.yield
    }) : () -> ()
    %scan3A = arith.constant 0 : i32
    %scan3A_1 = arith.constant 0 : i32
    %scan3A_2 = arith.constant 196 : i32
    %scan3A_3 = arith.addi %scan3A_1, %scan3A_2 : i32
    %scan3A_4 = arith.constant 1 : i32
    scf.for %scan3A_6 = %scan3A_1 to %scan3A_3 step %scan3A_4  : i32 {
      %get3A = arith.index_cast %scan3A_6 : i32 to index
      %get3A_7 = arith.constant 0 : index
      %get3A_8 = tpu.vector_load %arg7[%get3A, %get3A_7] {strides = array<i32>} : memref<196x16xi32, #tpu.memory_space<vmem>>, vector<16xi32>,
      %mul3A_9 = arith.constant 2 : i32
      %mul3A_10 = vector.broadcast %mul3A_9 : i32 to vector<16xi32>
      %mul3A_11 = arith.muli %get3A_8, %mul3A_10 : vector<16xi32>
      %get3A_12 = arith.index_cast %scan3A_6 : i32 to index
      %get3A_13 = arith.constant 0 : index
      %get3A_14 = tpu.vector_load %arg8[%get3A_12, %get3A_13] {strides = array<i32>} : memref<196x16xi32, #tpu.memory_space<vmem>>, vector<16xi32>,
      %mul3A_15 = arith.constant 2 : i32
      %mul3A_16 = vector.broadcast %mul3A_15 : i32 to vector<16xi32>
      %mul3A_17 = arith.muli %get3A_14, %mul3A_16 : vector<16xi32>
      %add3A_18 = arith.constant 1 : i32
      %add3A_19 = vector.broadcast %add3A_18 : i32 to vector<16xi32>
      %add3A_20 = arith.addi %mul3A_17, %add3A_19 : vector<16xi32>
      %gather3A = tpu.vector_load_idx %arg6[%mul3A_11] : memref<20000xf32, #tpu.memory_space<vmem>>[vector<16xi32>], vector<16xf32>,
      %gather3A_21 = tpu.vector_load_idx %arg6[%add3A_20] : memref<20000xf32, #tpu.memory_space<vmem>>[vector<16xi32>], vector<16xf32>,
      %add3A_22 = arith.addf %gather3A, %gather3A_21 : vector<16xf32>
      %neg3A = arith.constant 0.000000e+00 : f32
      %neg3A_23 = vector.broadcast %neg3A : f32 to vector<16xf32>
      %neg3A_24 = arith.subf %neg3A_23, %add3A_22 : vector<16xf32>
      %exp3A = math.exp %neg3A_24 : vector<16xf32>
      %add3A_25 = arith.constant 1.000000e+00 : f32
      %add3A_26 = vector.broadcast %add3A_25 : f32 to vector<16xf32>
      %add3A_27 = arith.addf %add3A_26, %exp3A : vector<16xf32>
      %div3A = arith.constant 1.000000e+00 : f32
      %div3A_28 = vector.broadcast %div3A : f32 to vector<16xf32>
      %div3A_29 = arith.divf %div3A_28, %add3A_27 : vector<16xf32>
      %swap3A = arith.index_cast %scan3A_6 : i32 to index
      %swap3A_30 = arith.constant 0 : index
      %swap3A_31 = tpu.vector_load %arg9[%swap3A, %swap3A_30] {strides = array<i32>} : memref<196x16xf32, #tpu.memory_space<vmem>>, vector<16xf32>,
      tpu.vector_store %arg9[%swap3A, %swap3A_30], %div3A_29 {strides = array<i32>} : memref<196x16xf32, #tpu.memory_space<vmem>>, vector<16xf32>,
    }
    %scan3A_5 = arith.constant 196 : i32
    "tpu.region"() ({
      %run_scoped3A = tpu.sem_alloc : memref<!tpu.dma_semaphore, #tpu.memory_space<semaphore_mem>>
      %dma_start3A = arith.constant 0 : i32
      %dma_start3A_6 = arith.constant 0 : i32
      %dma_start3A_7 = tpu.memref_slice %arg5[%add3A, %dma_start3A, %dma_start3A_6] : memref<32x196x16xf32, #tpu.memory_space<hbm>> -> memref<1x196x16xf32, #tpu.memory_space<hbm>>
      %dma_start3A_8 = tpu.memref_squeeze %dma_start3A_7 : memref<1x196x16xf32, #tpu.memory_space<hbm>> -> memref<196x16xf32, #tpu.memory_space<hbm>>
      %dma_start3A_9 = arith.constant 0 : i32
      %dma_start3A_10 = arith.constant 0 : i32
      %dma_start3A_11 = tpu.memref_slice %arg5[%add3A, %dma_start3A_9, %dma_start3A_10] : memref<32x196x16xf32, #tpu.memory_space<hbm>> -> memref<1x196x16xf32, #tpu.memory_space<hbm>>
      %dma_start3A_12 = tpu.memref_squeeze %dma_start3A_11 : memref<1x196x16xf32, #tpu.memory_space<hbm>> -> memref<196x16xf32, #tpu.memory_space<hbm>>
      tpu.enqueue_dma source(%arg9 : memref<196x16xf32, #tpu.memory_space<vmem>>) target(%dma_start3A_12 : memref<196x16xf32, #tpu.memory_space<hbm>>) target_semaphore(%run_scoped3A : memref<!tpu.dma_semaphore, #tpu.memory_space<semaphore_mem>>)
      %dma_wait3A = arith.constant 0 : i32
      %dma_wait3A_13 = arith.constant 0 : i32
      %dma_wait3A_14 = tpu.memref_slice %arg5[%add3A, %dma_wait3A, %dma_wait3A_13] : memref<32x196x16xf32, #tpu.memory_space<hbm>> -> memref<1x196x16xf32, #tpu.memory_space<hbm>>
      %dma_wait3A_15 = tpu.memref_squeeze %dma_wait3A_14 : memref<1x196x16xf32, #tpu.memory_space<hbm>> -> memref<196x16xf32, #tpu.memory_space<hbm>>
      %dma_wait3A_16 = arith.constant 0 : i32
      %dma_wait3A_17 = arith.constant 0 : i32
      %dma_wait3A_18 = tpu.memref_slice %arg5[%add3A, %dma_wait3A_16, %dma_wait3A_17] : memref<32x196x16xf32, #tpu.memory_space<hbm>> -> memref<1x196x16xf32, #tpu.memory_space<hbm>>
      %dma_wait3A_19 = tpu.memref_squeeze %dma_wait3A_18 : memref<1x196x16xf32, #tpu.memory_space<hbm>> -> memref<196x16xf32, #tpu.memory_space<hbm>>
      tpu.wait_dma2 semaphore(%run_scoped3A : memref<!tpu.dma_semaphore, #tpu.memory_space<semaphore_mem>>) src(%arg9 : memref<196x16xf32, #tpu.memory_space<vmem>>) dst(%dma_wait3A_19 : memref<196x16xf32, #tpu.memory_space<hbm>>)
      tpu.yield
    }) : () -> ()
    return
  }
}

module attributes {stable_mosaic.version = 14 : i64} {
  func.func @body(%arg0: i32, %arg1: i32, %arg2: memref<1000x100xf32, #tpu.memory_space<vmem>>, %arg3: memref<1x100x128xf32, #tpu.memory_space<vmem>>, %arg4: memref<1000x128xf32, #tpu.memory_space<vmem>>) attributes {dimension_semantics = [#tpu.dimension_semantics<arbitrary>, #tpu.dimension_semantics<arbitrary>], iteration_bounds = array<i64: 4, 10>, scalar_prefetch = 0 : i64, scratch_operands = 0 : i64, tpu.core_type = #tpu.core_type<tc>, window_params = [{transform_indices = @transform_0, window_bounds = array<i64: 1000, 100>}, {transform_indices = @transform_1, window_bounds = array<i64: 1, 100, 128>}, {transform_indices = @transform_2, window_bounds = array<i64: 1000, 128>}]} {
    %get3A = arith.constant 0 : index
    %get3A_0 = arith.constant 0 : index
    %get3A_1 = vector.load %arg2[%get3A, %get3A_0] : memref<1000x100xf32, #tpu.memory_space<vmem>>, vector<1000x100xf32>
    %get3A_2 = arith.constant 0 : index
    %get3A_3 = arith.constant 0 : index
    %get3A_4 = arith.constant 0 : index
    %get3A_5 = vector.load %arg3[%get3A_2, %get3A_3, %get3A_4] : memref<1x100x128xf32, #tpu.memory_space<vmem>>, vector<1x100x128xf32>
    %get3A_6 = vector.shape_cast %get3A_5 : vector<1x100x128xf32> to vector<100x128xf32>
    %dot_general3A = arith.constant dense<0.000000e+00> : vector<1000x128xf32>
    %dot_general3A_7 = tpu.matmul %get3A_1, %get3A_6, %dot_general3A {dimension_numbers = #tpu.dot_dimension_numbers<[1], [0], [0], [1], [0, 0, 1, 1], [], []>, transpose_lhs_hint = false} : vector<1000x100xf32>, vector<100x128xf32>, vector<1000x128xf32> -> vector<1000x128xf32>
    %swap3A = arith.constant 0 : index
    %swap3A_8 = arith.constant 0 : index
    %swap3A_9 = vector.load %arg4[%swap3A, %swap3A_8] : memref<1000x128xf32, #tpu.memory_space<vmem>>, vector<1000x128xf32>
    tpu.vector_store %arg4[%swap3A, %swap3A_8], %dot_general3A_7 {strides = array<i32>} : memref<1000x128xf32, #tpu.memory_space<vmem>>, vector<1000x128xf32>,
    return
  }
  func.func @transform_0(%arg0: i32, %arg1: i32) -> (i32, i32) {
    %c0_i32 = arith.constant 0 : i32
    %c0_i32_0 = arith.constant 0 : i32
    return %arg1, %c0_i32 : i32, i32
  }
  func.func @transform_1(%arg0: i32, %arg1: i32) -> (i32, i32, i32) {
    %c0_i32 = arith.constant 0 : i32
    %c0_i32_0 = arith.constant 0 : i32
    %c0_i32_1 = arith.constant 0 : i32
    return %arg0, %c0_i32, %c0_i32_0 : i32, i32, i32
  }
  func.func @transform_2(%arg0: i32, %arg1: i32) -> (i32, i32) {
    %mul3A = arith.constant 10 : i32
    %mul3A_0 = arith.muli %arg0, %mul3A : i32
    %add3A = arith.addi %mul3A_0, %arg1 : i32
    %c0_i32 = arith.constant 0 : i32
    %c0_i32_1 = arith.constant 0 : i32
    return %add3A, %c0_i32 : i32, i32
  }
}

module attributes {stable_mosaic.version = 14 : i64} {
  func.func @body(%arg0: i32, %arg1: i32, %arg2: memref<1x1000x128xf32, #tpu.memory_space<vmem>>, %arg3: memref<1x1000x128xf32, #tpu.memory_space<vmem>>, %arg4: memref<1x128xf32, #tpu.memory_space<vmem>>, %arg5: memref<1x128x128xf32, #tpu.memory_space<vmem>>, %arg6: memref<1000x128xf32, #tpu.memory_space<vmem>>) attributes {dimension_semantics = [#tpu.dimension_semantics<arbitrary>, #tpu.dimension_semantics<arbitrary>], iteration_bounds = array<i64: 4, 10>, scalar_prefetch = 0 : i64, scratch_operands = 0 : i64, tpu.core_type = #tpu.core_type<tc>, window_params = [{transform_indices = @transform_0, window_bounds = array<i64: 1, 1000, 128>}, {transform_indices = @transform_1, window_bounds = array<i64: 1, 1000, 128>}, {pipeline_mode = #tpu.pipeline_mode<synchronous>, transform_indices = @transform_2, window_bounds = array<i64: 1, 128>}, {transform_indices = @transform_3, window_bounds = array<i64: 1, 128, 128>}, {transform_indices = @transform_4, window_bounds = array<i64: 1000, 128>}]} {
    %get3A = arith.constant 0 : index
    %get3A_0 = arith.constant 0 : index
    %get3A_1 = arith.constant 0 : index
    %get3A_2 = vector.load %arg2[%get3A, %get3A_0, %get3A_1] : memref<1x1000x128xf32, #tpu.memory_space<vmem>>, vector<1x1000x128xf32>
    %get3A_3 = vector.shape_cast %get3A_2 : vector<1x1000x128xf32> to vector<1000x128xf32>
    %get3A_4 = arith.constant 0 : index
    %get3A_5 = arith.constant 0 : index
    %get3A_6 = arith.constant 0 : index
    %get3A_7 = vector.load %arg3[%get3A_4, %get3A_5, %get3A_6] : memref<1x1000x128xf32, #tpu.memory_space<vmem>>, vector<1x1000x128xf32>
    %get3A_8 = vector.shape_cast %get3A_7 : vector<1x1000x128xf32> to vector<1000x128xf32>
    %add3A = arith.addf %get3A_3, %get3A_8 : vector<1000x128xf32>
    %get3A_9 = arith.constant 0 : index
    %get3A_10 = arith.constant 0 : index
    %get3A_11 = vector.load %arg4[%get3A_9, %get3A_10] : memref<1x128xf32, #tpu.memory_space<vmem>>, vector<1x128xf32>
    %add3A_12 = vector.broadcast %get3A_11 : vector<1x128xf32> to vector<1000x128xf32>
    %add3A_13 = arith.addf %add3A, %add3A_12 : vector<1000x128xf32>
    %ge3A = arith.constant 0.000000e+00 : f32
    %ge3A_14 = vector.broadcast %ge3A : f32 to vector<1000x128xf32>
    %ge3A_15 = arith.cmpf oge, %add3A_13, %ge3A_14 : vector<1000x128xf32>
    %mul3A = arith.constant 0.00999999977 : f32
    %mul3A_16 = vector.broadcast %mul3A : f32 to vector<1000x128xf32>
    %mul3A_17 = arith.mulf %mul3A_16, %add3A_13 : vector<1000x128xf32>
    %select_n3A = arith.select %ge3A_15, %add3A_13, %mul3A_17 : vector<1000x128xi1>, vector<1000x128xf32>
    %get3A_18 = arith.constant 0 : index
    %get3A_19 = arith.constant 0 : index
    %get3A_20 = arith.constant 0 : index
    %get3A_21 = vector.load %arg5[%get3A_18, %get3A_19, %get3A_20] : memref<1x128x128xf32, #tpu.memory_space<vmem>>, vector<1x128x128xf32>
    %get3A_22 = vector.shape_cast %get3A_21 : vector<1x128x128xf32> to vector<128x128xf32>
    %dot_general3A = arith.constant dense<0.000000e+00> : vector<1000x128xf32>
    %dot_general3A_23 = tpu.matmul %select_n3A, %get3A_22, %dot_general3A {dimension_numbers = #tpu.dot_dimension_numbers<[1], [0], [0], [1], [0, 0, 1, 1], [], []>, transpose_lhs_hint = false} : vector<1000x128xf32>, vector<128x128xf32>, vector<1000x128xf32> -> vector<1000x128xf32>
    %swap3A = arith.constant 0 : index
    %swap3A_24 = arith.constant 0 : index
    %swap3A_25 = vector.load %arg6[%swap3A, %swap3A_24] : memref<1000x128xf32, #tpu.memory_space<vmem>>, vector<1000x128xf32>
    tpu.vector_store %arg6[%swap3A, %swap3A_24], %dot_general3A_23 {strides = array<i32>} : memref<1000x128xf32, #tpu.memory_space<vmem>>, vector<1000x128xf32>,
    return
  }
  func.func @transform_0(%arg0: i32, %arg1: i32) -> (i32, i32, i32) {
    %c0_i32 = arith.constant 0 : i32
    %c0_i32_0 = arith.constant 0 : i32
    %c0_i32_1 = arith.constant 0 : i32
    return %c0_i32, %arg1, %c0_i32_0 : i32, i32, i32
  }
  func.func @transform_1(%arg0: i32, %arg1: i32) -> (i32, i32, i32) {
    %c1_i32 = arith.constant 1 : i32
    %c0_i32 = arith.constant 0 : i32
    %c0_i32_0 = arith.constant 0 : i32
    return %c1_i32, %arg1, %c0_i32 : i32, i32, i32
  }
  func.func @transform_2(%arg0: i32, %arg1: i32) -> (i32, i32) {
    %c0_i32 = arith.constant 0 : i32
    %c0_i32_0 = arith.constant 0 : i32
    %c0_i32_1 = arith.constant 0 : i32
    return %c0_i32, %c0_i32_0 : i32, i32
  }
  func.func @transform_3(%arg0: i32, %arg1: i32) -> (i32, i32, i32) {
    %c0_i32 = arith.constant 0 : i32
    %c0_i32_0 = arith.constant 0 : i32
    %c0_i32_1 = arith.constant 0 : i32
    return %arg0, %c0_i32, %c0_i32_0 : i32, i32, i32
  }
  func.func @transform_4(%arg0: i32, %arg1: i32) -> (i32, i32) {
    %mul3A = arith.constant 10 : i32
    %mul3A_0 = arith.muli %arg0, %mul3A : i32
    %add3A = arith.addi %mul3A_0, %arg1 : i32
    %c0_i32 = arith.constant 0 : i32
    %c0_i32_1 = arith.constant 0 : i32
    return %add3A, %c0_i32 : i32, i32
  }
}

module attributes {stable_mosaic.version = 14 : i64} {
  func.func @body(%arg0: i32, %arg1: memref<1x1000x128xf32, #tpu.memory_space<vmem>>, %arg2: memref<1x1000x128xf32, #tpu.memory_space<vmem>>, %arg3: memref<1x128xf32, #tpu.memory_space<vmem>>, %arg4: memref<128x2xf32, #tpu.memory_space<vmem>>, %arg5: memref<1x2xf32, #tpu.memory_space<vmem>>, %arg6: memref<1000x2xf32, #tpu.memory_space<vmem>>) attributes {dimension_semantics = [#tpu.dimension_semantics<arbitrary>], iteration_bounds = array<i64: 10>, scalar_prefetch = 0 : i64, scratch_operands = 0 : i64, tpu.core_type = #tpu.core_type<tc>, window_params = [{transform_indices = @transform_0, window_bounds = array<i64: 1, 1000, 128>}, {transform_indices = @transform_1, window_bounds = array<i64: 1, 1000, 128>}, {pipeline_mode = #tpu.pipeline_mode<synchronous>, transform_indices = @transform_2, window_bounds = array<i64: 1, 128>}, {pipeline_mode = #tpu.pipeline_mode<synchronous>, transform_indices = @transform_3, window_bounds = array<i64: 128, 2>}, {pipeline_mode = #tpu.pipeline_mode<synchronous>, transform_indices = @transform_4, window_bounds = array<i64: 1, 2>}, {transform_indices = @transform_5, window_bounds = array<i64: 1000, 2>}]} {
    %get3A = arith.constant 0 : index
    %get3A_0 = arith.constant 0 : index
    %get3A_1 = arith.constant 0 : index
    %get3A_2 = vector.load %arg1[%get3A, %get3A_0, %get3A_1] : memref<1x1000x128xf32, #tpu.memory_space<vmem>>, vector<1x1000x128xf32>
    %get3A_3 = vector.shape_cast %get3A_2 : vector<1x1000x128xf32> to vector<1000x128xf32>
    %get3A_4 = arith.constant 0 : index
    %get3A_5 = arith.constant 0 : index
    %get3A_6 = arith.constant 0 : index
    %get3A_7 = vector.load %arg2[%get3A_4, %get3A_5, %get3A_6] : memref<1x1000x128xf32, #tpu.memory_space<vmem>>, vector<1x1000x128xf32>
    %get3A_8 = vector.shape_cast %get3A_7 : vector<1x1000x128xf32> to vector<1000x128xf32>
    %add3A = arith.addf %get3A_3, %get3A_8 : vector<1000x128xf32>
    %get3A_9 = arith.constant 0 : index
    %get3A_10 = arith.constant 0 : index
    %get3A_11 = vector.load %arg3[%get3A_9, %get3A_10] : memref<1x128xf32, #tpu.memory_space<vmem>>, vector<1x128xf32>
    %add3A_12 = vector.broadcast %get3A_11 : vector<1x128xf32> to vector<1000x128xf32>
    %add3A_13 = arith.addf %add3A, %add3A_12 : vector<1000x128xf32>
    %ge3A = arith.constant 0.000000e+00 : f32
    %ge3A_14 = vector.broadcast %ge3A : f32 to vector<1000x128xf32>
    %ge3A_15 = arith.cmpf oge, %add3A_13, %ge3A_14 : vector<1000x128xf32>
    %mul3A = arith.constant 0.00999999977 : f32
    %mul3A_16 = vector.broadcast %mul3A : f32 to vector<1000x128xf32>
    %mul3A_17 = arith.mulf %mul3A_16, %add3A_13 : vector<1000x128xf32>
    %select_n3A = arith.select %ge3A_15, %add3A_13, %mul3A_17 : vector<1000x128xi1>, vector<1000x128xf32>
    %get3A_18 = arith.constant 0 : index
    %get3A_19 = arith.constant 0 : index
    %get3A_20 = vector.load %arg4[%get3A_18, %get3A_19] : memref<128x2xf32, #tpu.memory_space<vmem>>, vector<128x2xf32>
    %dot_general3A = arith.constant dense<0.000000e+00> : vector<1000x2xf32>
    %dot_general3A_21 = tpu.matmul %select_n3A, %get3A_20, %dot_general3A {dimension_numbers = #tpu.dot_dimension_numbers<[1], [0], [0], [1], [0, 0, 1, 1], [], []>, transpose_lhs_hint = false} : vector<1000x128xf32>, vector<128x2xf32>, vector<1000x2xf32> -> vector<1000x2xf32>
    %get3A_22 = arith.constant 0 : index
    %get3A_23 = arith.constant 0 : index
    %get3A_24 = vector.load %arg5[%get3A_22, %get3A_23] : memref<1x2xf32, #tpu.memory_space<vmem>>, vector<1x2xf32>
    %add3A_25 = vector.broadcast %get3A_24 : vector<1x2xf32> to vector<1000x2xf32>
    %add3A_26 = arith.addf %dot_general3A_21, %add3A_25 : vector<1000x2xf32>
    %swap3A = arith.constant 0 : index
    %swap3A_27 = arith.constant 0 : index
    %swap3A_28 = vector.load %arg6[%swap3A, %swap3A_27] : memref<1000x2xf32, #tpu.memory_space<vmem>>, vector<1000x2xf32>
    tpu.vector_store %arg6[%swap3A, %swap3A_27], %add3A_26 {strides = array<i32>} : memref<1000x2xf32, #tpu.memory_space<vmem>>, vector<1000x2xf32>,
    return
  }
  func.func @transform_0(%arg0: i32) -> (i32, i32, i32) {
    %c0_i32 = arith.constant 0 : i32
    %c0_i32_0 = arith.constant 0 : i32
    %c0_i32_1 = arith.constant 0 : i32
    return %c0_i32, %arg0, %c0_i32_0 : i32, i32, i32
  }
  func.func @transform_1(%arg0: i32) -> (i32, i32, i32) {
    %c1_i32 = arith.constant 1 : i32
    %c0_i32 = arith.constant 0 : i32
    %c0_i32_0 = arith.constant 0 : i32
    return %c1_i32, %arg0, %c0_i32 : i32, i32, i32
  }
  func.func @transform_2(%arg0: i32) -> (i32, i32) {
    %c0_i32 = arith.constant 0 : i32
    %c0_i32_0 = arith.constant 0 : i32
    %c0_i32_1 = arith.constant 0 : i32
    return %c0_i32, %c0_i32_0 : i32, i32
  }
  func.func @transform_3(%arg0: i32) -> (i32, i32) {
    %c0_i32 = arith.constant 0 : i32
    %c0_i32_0 = arith.constant 0 : i32
    %c0_i32_1 = arith.constant 0 : i32
    return %c0_i32, %c0_i32_0 : i32, i32
  }
  func.func @transform_4(%arg0: i32) -> (i32, i32) {
    %c0_i32 = arith.constant 0 : i32
    %c0_i32_0 = arith.constant 0 : i32
    %c0_i32_1 = arith.constant 0 : i32
    return %c0_i32, %c0_i32_0 : i32, i32
  }
  func.func @transform_5(%arg0: i32) -> (i32, i32) {
    %c0_i32 = arith.constant 0 : i32
    %c0_i32_0 = arith.constant 0 : i32
    return %arg0, %c0_i32 : i32, i32
  }
}

</mosaic_0001>

<sc_bundles>
// kernel: kernel.11.cloned.1.call-start
scs
__scs_entry_jumppad:
0x0: {  	(pc) =	sbr.rel $0x88, $3  }
0x1: {  	(tag) =	ssettag $0x0;
	lr =	simm.s32 $0x1  }
0x2: {  	[smem:$0x3F96] =	sst lr;
	_ =	strace $0xD0000000  }
0x3: {  	_ = 	snop  }
0x4: {  	_ = 	snop  }
0x5: {  	_ = 	snop  }
0x6: {  	_ = 	snop  }
0x7: {  	_ = 	snop  }
__scs_overlays_trampoline_lowered:
0x8: {  	[smem:$0x3FA5] =	sst s0  }
0x9: {  	[smem:$0x3FA6] =	sst s1  }
0xa: {  	[smem:$0x3FA7] =	sst s2  }
0xb: {  	[smem:$0x3FA8] =	sst s3  }
0xc: {  	[smem:$0x3FA9] =	sst s4  }
0xd: {  	[smem:$0x3FAA] =	sst s5  }
0xe: {  	[smem:$0x3FAB] =	sst s6  }
0xf: {  	[smem:$0x3FAC] =	sst s7  }
0x10: {  	[smem:$0x3FAD] =	sst s8  }
0x11: {  	[smem:$0x3FAE] =	sst s9;
	s0 =	simm.s32 @!p0 $0x0  }
0x12: {  	s1 =	sld [smem:$0x3F94];
	s0 =	simm.s32 @p0 $0x1  }
0x13: {  	[smem:$0x3FAF] =	sst s0;
	s0 =	simm.s32 @!p1 $0x0  }
0x14: {  	s2 =	sld [smem:$0x3F93];
	s0 =	simm.s32 @p1 $0x1  }
0x15: {  	[smem:$0x3FB0] =	sst s0;
	s0 =	simm.s32 @!p2 $0x0  }
0x16: {  	s3 =	sld [smem:$0x3FDB];
	s0 =	simm.s32 @p2 $0x1  }
0x17: {  	s4 =	simm.s32 $0x1BF5;
	[smem:$0x3FB2] =	sst s0  }
0x18: {  	s0 =	sld [smem:$0x3F95];
	_ =	swait.ge [sflag:s4], $0x0  }
0x19: {  	s7 =	sld [smem:$0x3F96]  }
0x1a: {  	s8 =	sadd.s32 $0xFFFFE003, lr  }
0x1b: {  	s9 =	sadd.s32 $0xFFFFFEF7, lr;
	s5 =	simm.s32 $0xFFFFFFFF;
	p2 =	slt.u32 s8, $0xFFFFF086  }
0x1c: {  	p1 =	slt.u32 s9, $0xF7A;
	s5 =	simm.s32 @!p2 $0x0  }
0x1d: {  	s5 =	simm.s32 @p1 $0x1;
	p0 =	seq.s32 s7, s2  }
0x1e: {  	s7 =	smul.u32 @!p0 $0xF7A, s2;
	p2 =	seq.s32 @!p0 s5, $0x0  }
0x1f: {  	s9 =	smul.u32 $0xF7A, s1;
	s8 =	simm.s32 @!p0 $0x1BF5;
	p2 =	por !p2, p0  }
0x20: {  	[sflag:s8] =	ssyncset.s32 @!p0 $0xFFFFF086;
	s6 =	sadd.s32 @!p0 s3, s7;
	s7 =	simm.s32 @!p0 $0x108  }
0x21: {  	s3 =	sadd.s32 s3, s9;
	s6 =	sadd.s32 @!p0 $0x88, s6;
	s7 =	simm.s32 @p2 $0x1082  }
0x22: {  	[simem:s7], [sflag:s8] =	dma.local @!p0 [hbm:s6], $0xF7A  }
0x23: {  	s9 =	sor.u32 $0xD0000000, s2;
	s6 =	simm.s32 $0x108;
	_ =	swait.ge @!p0 [sflag:s8], $0x0  }
0x24: {  	s3 =	sadd.s32 $0x88, s3;
	s6 =	simm.s32 @!p1 $0x1082;
	[sflag:s4] =	ssyncset.s32 $0xFFFFF086  }
0x25: {  	[simem:s6], [sflag:s4] =	dma.local [hbm:s3], $0xF7A  }
0x26: {  	[smem:$0x3F96] =	sst s1;
	(tag) =	ssettag s2;
	_ =	strace s9  }
0x27: {  	s1 =	sld [smem:$0x3FA6]  }
0x28: {  	s2 =	sld [smem:$0x3FA7]  }
0x29: {  	s4 =	sld [smem:$0x3FA9]  }
0x2a: {  	p0 =	seq.s32 s5, $0x0;
	s5 =	sld [smem:$0x3FAA]  }
0x2b: {  	s6 =	sld [smem:$0x3FAB]  }
0x2c: {  	s7 =	sld [smem:$0x3FAC]  }
0x2d: {  	s3 =	simm.s32 $0x108;
	s8 =	sld [smem:$0x3FAD]  }
0x2e: {  	s3 =	simm.s32 @!p0 $0x1082;
	s9 =	sld [smem:$0x3FAE]  }
0x2f: {  	lr =	sadd.s32 s0, s3;
	s0 =	sld [smem:$0x3FA5]  }
0x30: {  	s3 =	sld [smem:$0x3FA8]  }
0x31: {  	[smem:$0x3FB1] =	sst s10  }
0x32: {  	s10 =	sld [smem:$0x3FAF];
	_ =	sdelay $0x3  }
0x33: {  	p0 =	seq.s32 s10, $0x1;
	s10 =	sld [smem:$0x3FB1];
	_ =	sdelay $0x3  }
0x34: {  	[smem:$0x3FB1] =	sst s10  }
0x35: {  	s10 =	sld [smem:$0x3FB0];
	_ =	sdelay $0x3  }
0x36: {  	p1 =	seq.s32 s10, $0x1;
	s10 =	sld [smem:$0x3FB1];
	_ =	sdelay $0x3  }
0x37: {  	[smem:$0x3FB1] =	sst s10  }
0x38: {  	s10 =	sld [smem:$0x3FB2]  }
0x39: {  	_ = 	snop;
	(pc) =	sbr.ind lr, $3  }
0x3a: {  	_ = 	snop  }
0x3b: {  	_ = 	snop  }
0x3c: {  	p2 =	seq.s32 s10, $0x1;
	s10 =	sld [smem:$0x3FB1]  }
0x3d: {  	_ =	shalt  }
0x3e: {  	_ =	shalt  }
0x3f: {  	_ =	shalt  }
0x40: {  	_ =	shalt  }
0x41: {  	_ =	shalt  }
0x42: {  	_ =	shalt  }
0x43: {  	_ =	shalt  }
0x44: {  	_ =	shalt  }
0x45: {  	_ =	shalt  }
0x46: {  	_ =	shalt  }
0x47: {  	_ =	shalt  }
0x48: {  	_ =	shalt  }
0x49: {  	_ =	shalt  }
0x4a: {  	_ =	shalt  }
0x4b: {  	_ =	shalt  }
0x4c: {  	_ =	shalt  }
0x4d: {  	_ =	shalt  }
0x4e: {  	_ =	shalt  }
0x4f: {  	_ =	shalt  }
0x50: {  	_ =	shalt  }
0x51: {  	_ =	shalt  }
0x52: {  	_ =	shalt  }
0x53: {  	_ =	shalt  }
0x54: {  	_ =	shalt  }
0x55: {  	_ =	shalt  }
0x56: {  	_ =	shalt  }
0x57: {  	_ =	shalt  }
0x58: {  	_ =	shalt  }
0x59: {  	_ =	shalt  }
0x5a: {  	_ =	shalt  }
0x5b: {  	_ =	shalt  }
0x5c: {  	_ =	shalt  }
0x5d: {  	_ =	shalt  }
0x5e: {  	_ =	shalt  }
0x5f: {  	_ =	shalt  }
0x60: {  	_ =	shalt  }
0x61: {  	_ =	shalt  }
0x62: {  	_ =	shalt  }
0x63: {  	_ =	shalt  }
0x64: {  	_ =	shalt  }
0x65: {  	_ =	shalt  }
0x66: {  	_ =	shalt  }
0x67: {  	_ =	shalt  }
0x68: {  	_ =	shalt  }
0x69: {  	_ =	shalt  }
0x6a: {  	_ =	shalt  }
0x6b: {  	_ =	shalt  }
0x6c: {  	_ =	shalt  }
0x6d: {  	_ =	shalt  }
0x6e: {  	_ =	shalt  }
0x6f: {  	_ =	shalt  }
0x70: {  	_ =	shalt  }
0x71: {  	_ =	shalt  }
0x72: {  	_ =	shalt  }
0x73: {  	_ =	shalt  }
0x74: {  	_ =	shalt  }
0x75: {  	_ =	shalt  }
0x76: {  	_ =	shalt  }
0x77: {  	_ =	shalt  }
0x78: {  	_ =	shalt  }
0x79: {  	_ =	shalt  }
0x7a: {  	_ =	shalt  }
0x7b: {  	_ =	shalt  }
0x7c: {  	_ =	shalt  }
0x7d: {  	_ =	shalt  }
0x7e: {  	_ =	shalt  }
0x7f: {  	_ =	shalt  }
0x80: {  	_ =	shalt  }
0x81: {  	_ =	shalt  }
0x82: {  	_ =	shalt  }
0x83: {  	_ =	shalt  }
0x84: {  	_ =	shalt  }
0x85: {  	_ =	shalt  }
0x86: {  	_ =	shalt  }
0x87: {  	_ =	shalt  }
.Lfunc_end0:
.L_simem_size_0:
called_computation.1_lowered:
.L_overlay_start_0:
0x88: {  	s2 =	sld [smem:$0x3FD9]  }
0x89: {  	s3 =	sld [smem:$0x3FFE];
	_ =	sdelay $0x1  }
0x8a: {  	s1 =	srdreg.scid  }
0x8b: {  	s0 =	sand.u32 $0x1, s1  }
0x8c: {  	s16 =	sshll.u32 s0, $0xA;
	s2 =	sadd.s32 s3, s2  }
0x8d: {  	s2 =	sadd.s32 s2, s16  }
0x8e: {  	[smem:$0x3FBD] =	sst s2  }
0x8f: {  	_ = 	snop  }
0x90: {  	(tm) =	ssettm $0x1  }
0x91: {  	s17 =	sld [smem:$0x3FFB];
	_ =	sdelay $0x3  }
0x92: {  	_ =	strace s17  }
0x93: {  	s2 =	sld [smem:$0x3FFC];
	_ =	sdelay $0x3  }
0x94: {  	_ =	strace s2  }
0x95: {  	s2 =	sld [smem:$0x3FFD];
	_ =	sdelay $0x3  }
0x96: {  	_ =	strace s2  }
0x97: {  	_ =	strace $0x8FFFFFFF  }
0x98: {  	s18 =	sld [smem:$0x3FDB];
	_ =	sdelay $0x1  }
0x99: {  	s19 =	simm.s32 $_scs_section_size  }
0x9a: {  	s4 =	simm.s32 $_size__tile_overlayer_lowered;
	s5 =	simm.s32 $_tile_overlayer_lowered  }
0x9b: {  	s22 =	simm.s32 $0x1BFF;
	s21 =	sshll.u32 s5, $0x1;
	s2 =	sadd.s32 s19, s18  }
0x9c: {  	s6 =	simm.s32 $0x0;
	s20 =	sshll.u32 s4, $0x1;
	s4 =	sadd.s32 s21, s2  }
0x9d: {  	[timem:s6], [sflag:s22] =	dma.local [hbm:s4], s20  }
0x9e: {  	_ =	swait.ge [sflag:s22], s20  }
0x9f: {  	s3 =	ssub.s32 $0x0, s20;
	[sflag:s22] =	ssyncset.done $0x0  }
0xa0: {  	[sflag:s22] =	ssyncadd.s32 s3;
	_ =	sdelay $0x1  }
0xa1: {  	s23 =	simm.s32 $0x1B8B  }
0xa2: {  	_ =	swait.ge [sflag:s23], $0x1  }
0xa3: {  	[sflag:s23] =	ssyncset.done $0x0  }
0xa4: {  	s25 =	simm.s32 $0x1B8E;
	s24 =	sld [smem:$0x3FFE];
	[sflag:s23] =	ssyncadd.s32 $0xFFFFFFFF  }
0xa5: {  	s26 =	simm.s32 $execute0_lowered;
	[smem:$0x3FD2] =	sst s25  }
0xa6: {  	s4 =	sshll.u32 s26, $0x1;
	_ =	strace $0x80000049;
	[dreg:$0x1] =	wrdreg $0xFFFFFFFF  }
0xa7: {  	s28 =	simm.s32 $_size_execute0_lowered;
	s2 =	sadd.s32 s2, s4;
	[dreg:$0x0] =	wrdreg $0x0  }
0xa8: {  	s4 =	sshll.u32 s28, $0x1;
	[dreg:$0x2] =	wrdreg s2  }
0xa9: {  	[dreg:$0x3] =	wrdreg s4  }
0xaa: {  	[dreg:$0x4] =	wrdreg $0xC0  }
0xab: {  	_ =	task [dreg:s6], $0x5FFFF  }
0xac: {  	[dreg:$0x1] =	wrdreg $0xFFFFFFFF  }
0xad: {  	[dreg:$0x0] =	wrdreg $0x60  }
0xae: {  	[dreg:$0x2] =	wrdreg s24  }
0xaf: {  	[dreg:$0x3] =	wrdreg $0x90000  }
0xb0: {  	[dreg:$0x4] =	wrdreg $0x9  }
0xb1: {  	_ =	task.clear_ibuf [dreg:s6], $0x5FFFF;
	_ =	strace $0x90000049  }
0xb2: {  	s29 =	simm.s32 $0x9;
	_ =	strace $0x8000004B  }
0xb3: {  	_ =	swait.ge [sflag:s29], $0x1  }
0xb4: {  	[sflag:s29] =	ssyncadd.s32 $0xFFFFFFFF  }
0xb5: {  	_ =	strace $0x9000004B  }
0xb6: {  	_ =	sfence  }
0xb7: {  	s30 =	sld [smem:$0x0];
	_ =	sdelay $0x2  }
0xb8: {  	s31 =	sshll.u32 s1, $0xD;
	s1 =	sshrl.u32 s1, $0x2  }
0xb9: {  	s3 =	sand.u32 $0x4000, s31;
	s1 =	sadd.s32 s1, s30  }
0xba: {  	s0 =	sor.u32 s3, s0;
	s1 =	sshll.u32 s1, $0x11  }
0xbb: {  	s0 =	sor.u32 s1, s0  }
0xbc: {  	s0 =	sadd.s32 $0x8F2B, s0  }
0xbd: {  	[sflag:s0] =	ssyncadd.remote.s32 $0x1  }
0xbe: {  	_ =	sfence.sel $0xFFFF  }
0xbf: {  	[dreg:$0x0] =	wrdreg $0xFFFFFFFF;
	(pc) =	sbr.abs _section_cstart, $3  }
0xc0: {  	[dreg:$0x1] =	wrdreg $0xFFFFFFFF  }
0xc1: {  	_ =	task.clear_ibuf [dreg:s6], $0x2FFFF;
	_ =	strace $0x9FFFFFFF  }
0xc2: {  	(tm) =	ssettm $0x7FFFFFFF  }
0xc3: {  	_ =	shalt  }
tec
execute0_lowered:
.L_overlay_start_1:
0x0: {  	(tag) =	ssettag $0x1  }
0x1: {  	s5 =	rddreg [dreg:$0x0]  }
0x2: {  	s2 =	rddreg [dreg:$0x1]  }
0x3: {  	s3 =	simm.s32 $0x0;
	s1 =	stileid.u32;
	s7 =	srdreg.scid  }
0x4: {  	s18 =	simm.s32 $0x1;
	s19 =	simm.s32 $0x5000;
	s20 =	simm.s32 $0x2  }
0x5: {  	[smem:$0x7FF] =	sst s3;
	s10 =	smul.u32 $0x13C00, s1;
	s4 =	sadd.s32 $0x2AE00, s5  }
0x6: {  	s12 =	sadd.s32 $0x16E00, s5;
	s11 =	sadd.s32 $0x2E00, s5;
	s13 =	sand.u32 $0x1, s7  }
0x7: {  	s9 =	smul.u32 $0x4F000, s1;
	s14 =	sadd.s32 $0xEEA00, s5;
	s25 =	sshll.u32 s1, $0x6  }
0x8: {  	s17 =	smul.u32 $0xA00, s1;
	s21 =	sadd.s32 $0x128400, s2;
	p0 =	seq.s32 s1, $0xF  }
0x9: {  	_ =	strace $0x8000004A;
	s7 =	ssub.s32 $0x2, s13;
	s16 =	smul.u32 $0x138800, s13  }
0xa: {  	s8 =	sshll.u32 s13, $0x4;
	s13 =	smul.u32 $0xA000, s13;
	s21 =	sshrl.u32 @p0 s21, $0x3  }
0xb: {  	s6 =	sshrl.u32 s10, $0x3;
	s22 =	sshrl.u32 s7, $0x1;
	s8 =	sor.u32 s1, s8  }
0xc: {  	s23 =	sshrl.u32 s9, $0x2;
	s6 =	sadd.s32 s6, s5;
	s15 =	ssub.s32 s7, s22  }
0xd: {  	s24 =	smul.u32 $0xA00, s8;
	s5 =	sadd.s32 s23, s2;
	s7 =	sor.u32 $0x1C05, s25  }
0xe: {  	s10 =	sadd.s32 s10, s16;
	s16 =	sshrl.u32 s16, $0x3;
	s26 =	sadd.s32 s13, s11  }
0xf: {  	s22 =	simm.s32 $0x0;
	s6 =	sadd.s32 $0xC7200, s6;
	s10 =	sshrl.u32 s10, $0x3  }
0x10: {  	s28 =	sadd.s32 s17, s26;
	s8 =	sadd.s32 s12, s24;
	s9 =	sadd.s32 s11, s24  }
0x11: {  	s10 =	sadd.s32 s14, s10;
	s14 =	sadd.s32 s14, s16;
	s12 =	sadd.s32 s13, s12  }
0x12: {  	s29 =	sadd.s32 $0x80, s28;
	s13 =	sshrl.u32 s5, $0x3;
	s16 =	simm.s32 $0x80  }
0x13: {  	s11 =	sadd.s32 $0x25080, s14;
	s30 =	sadd.s32 s17, s12;
	s12 =	smax.u32 s15, $0x1  }
0x14: {  	[dreg:$0x4] =	wrdreg s29;
	s14 =	simm.s32 $0x5;
	s31 =	sadd.s32 $0x80, s30  }
0x15: {  	s15 =	simm.s32 $0x800;
	s17 =	simm.s32 $0x1000;
	[dreg:$0x3] =	wrdreg s31  }
.LBB2_1:
0x16: {  	[spmem:s13], [sflag:s7] =	dma.local [hbm:s6], $0x2780  }
0x17: {  	_ =	swait.ge [sflag:s14], $0x2780  }
0x18: {  	[sflag:s14] =	ssyncset.done $0x0  }
0x19: {  	[sflag:s14] =	ssyncadd.s32 $0xFFFFD880  }
0x1a: {  	[bflag:$0x0] =	sbarrier.arrive $0xFFFF  }
0x1b: {  	[tilespmem:s3], [sflag:$0x5] =	stream.linear.gather [hbm4b:s8+s3], $0x400, $0x38;
	[tilespmem:$0x1CC00] =	vst v63  }
0x1c: {  	_ =	swait.ge [sflag:s14], $0x400  }
0x1d: {  	[sflag:s14] =	ssyncset.done $0x0  }
0x1e: {  	[sflag:s14] =	ssyncadd.s32 $0xFFFFFC00  }
0x1f: {  	[tilespmem:s15], [sflag:$0x5] =	stream.linear.gather [hbm4b:s9+s3], $0x400, $0x38;
	[tilespmem:$0x1CC00] =	vst v63  }
0x20: {  	_ =	swait.ge [sflag:s14], $0x400  }
0x21: {  	[sflag:s14] =	ssyncset.done $0x0  }
0x22: {  	p1 =	por $0x0, $0x0;
	[sflag:s14] =	ssyncadd.s32 $0xFFFFFC00  }
0x23: {  	[tilespmem:s17], [sflag:$0x1] =	stream.indirect.gather [hbm4b:s4+s16], $0x80, s3, s16, $0xb8;
	[tilespmem:$0x1CC00] =	vst v63  }
0x24: {  	s23 =	sand.u32 @!p1 $0x400, s3;
	s28 =	simm.s32 @!p1 $0x0;
	_ =	swait.ge [sflag:s18], $0x4000  }
0x25: {  	s26 =	sxor.u32 @!p1 $0x400, s23;
	s24 =	rddreg [dreg:$0x3];
	[sflag:s18] =	ssyncset.done $0x0  }
0x26: {  	s25 =	rddreg [dreg:$0x4];
	[sflag:s18] =	ssyncadd.s32 $0xFFFFC000;
	s24 =	sadd.s32 @!p1 $0x0, s24  }
0x27: {  	[tilespmem:s26], [sflag:$0x3] =	stream.linear.gather @!p1 [hbm4b:s24+s28], $0x400, $0x38;
	[tilespmem:$0x1CC00] =	vst v63  }
0x28: {  	s23 =	simm.s32 @p1 $0x400;
	s25 =	sadd.s32 @!p1 $0x0, s25;
	s24 =	sor.u32 @!p1 $0x800, s26  }
0x29: {  	[tilespmem:s24], [sflag:$0x4] =	stream.linear.gather @!p1 [hbm4b:s25+s28], $0x400, $0x38;
	[tilespmem:$0x1CC00] =	vst v63  }
0x2a: {  	s31 =	sor.u32 $0x80, s23  }
0x2b: {  	[tilespmem:s19], [sflag:$0x2] =	stream.indirect.gather [hbm4b:s4+s16], $0x80, s31, s16, $0xb8;
	[tilespmem:$0x1CC00] =	vst v63  }
0x2c: {  	s0 =	sor.u32 $0x800, s23  }
0x2d: {  	[spmem:s2] =	stream.indirect.scatter.add.f32 [tilespmem:s17], [sflag:$0x5], $0x80, s0, s16, $0xb8;
	[tilespmem:$0x1CC00] =	vst v63  }
0x2e: {  	_ =	swait.ge [sflag:s14], $0x4000  }
0x2f: {  	[sflag:s14] =	ssyncset.done $0x0  }
0x30: {  	[sflag:s14] =	ssyncadd.s32 $0xFFFFC000  }
0x31: {  	_ =	swait.ge [sflag:s20], $0x4000  }
0x32: {  	[sflag:s20] =	ssyncset.done $0x0  }
0x33: {  	s25 =	sor.u32 $0x100, s23;
	[sflag:s20] =	ssyncadd.s32 $0xFFFFC000  }
0x34: {  	[tilespmem:s17], [sflag:$0x1] =	stream.indirect.gather [hbm4b:s4+s16], $0x80, s25, s16, $0xb8;
	[tilespmem:$0x1CC00] =	vst v63  }
0x35: {  	s26 =	sor.u32 $0x880, s23  }
0x36: {  	[spmem:s2] =	stream.indirect.scatter.add.f32 [tilespmem:s19], [sflag:$0x5], $0x80, s26, s16, $0xb8;
	[tilespmem:$0x1CC00] =	vst v63  }
0x37: {  	_ =	swait.ge [sflag:s14], $0x4000  }
0x38: {  	[sflag:s14] =	ssyncset.done $0x0  }
0x39: {  	[sflag:s14] =	ssyncadd.s32 $0xFFFFC000  }
0x3a: {  	_ =	swait.ge [sflag:s18], $0x4000  }
0x3b: {  	[sflag:s18] =	ssyncset.done $0x0  }
0x3c: {  	s28 =	sor.u32 $0x180, s23;
	[sflag:s18] =	ssyncadd.s32 $0xFFFFC000  }
0x3d: {  	[tilespmem:s19], [sflag:$0x2] =	stream.indirect.gather [hbm4b:s4+s16], $0x80, s28, s16, $0xb8;
	[tilespmem:$0x1CC00] =	vst v63  }
0x3e: {  	s29 =	sor.u32 $0x900, s23  }
0x3f: {  	[spmem:s2] =	stream.indirect.scatter.add.f32 [tilespmem:s17], [sflag:$0x5], $0x80, s29, s16, $0xb8;
	[tilespmem:$0x1CC00] =	vst v63  }
0x40: {  	_ =	swait.ge [sflag:s14], $0x4000  }
0x41: {  	[sflag:s14] =	ssyncset.done $0x0  }
0x42: {  	[sflag:s14] =	ssyncadd.s32 $0xFFFFC000  }
0x43: {  	_ =	swait.ge [sflag:s20], $0x4000  }
0x44: {  	[sflag:s20] =	ssyncset.done $0x0  }
0x45: {  	s30 =	sor.u32 $0x200, s23;
	[sflag:s20] =	ssyncadd.s32 $0xFFFFC000  }
0x46: {  	[tilespmem:s17], [sflag:$0x1] =	stream.indirect.gather [hbm4b:s4+s16], $0x80, s30, s16, $0xb8;
	[tilespmem:$0x1CC00] =	vst v63  }
0x47: {  	s31 =	sor.u32 $0x980, s23  }
0x48: {  	[spmem:s2] =	stream.indirect.scatter.add.f32 [tilespmem:s19], [sflag:$0x5], $0x80, s31, s16, $0xb8;
	[tilespmem:$0x1CC00] =	vst v63  }
0x49: {  	_ =	swait.ge [sflag:s14], $0x4000  }
0x4a: {  	[sflag:s14] =	ssyncset.done $0x0  }
0x4b: {  	[sflag:s14] =	ssyncadd.s32 $0xFFFFC000  }
0x4c: {  	_ =	swait.ge [sflag:s18], $0x4000  }
0x4d: {  	[sflag:s18] =	ssyncset.done $0x0  }
0x4e: {  	s0 =	sor.u32 $0x280, s23;
	[sflag:s18] =	ssyncadd.s32 $0xFFFFC000  }
0x4f: {  	[tilespmem:s19], [sflag:$0x2] =	stream.indirect.gather [hbm4b:s4+s16], $0x80, s0, s16, $0xb8;
	[tilespmem:$0x1CC00] =	vst v63  }
0x50: {  	s25 =	sor.u32 $0xA00, s23  }
0x51: {  	[spmem:s2] =	stream.indirect.scatter.add.f32 [tilespmem:s17], [sflag:$0x5], $0x80, s25, s16, $0xb8;
	[tilespmem:$0x1CC00] =	vst v63  }
0x52: {  	_ =	swait.ge [sflag:s14], $0x4000  }
0x53: {  	[sflag:s14] =	ssyncset.done $0x0  }
0x54: {  	[sflag:s14] =	ssyncadd.s32 $0xFFFFC000  }
0x55: {  	_ =	swait.ge [sflag:s20], $0x4000  }
0x56: {  	[sflag:s20] =	ssyncset.done $0x0  }
0x57: {  	s26 =	sor.u32 $0x300, s23;
	[sflag:s20] =	ssyncadd.s32 $0xFFFFC000  }
0x58: {  	[tilespmem:s17], [sflag:$0x1] =	stream.indirect.gather [hbm4b:s4+s16], $0x80, s26, s16, $0xb8;
	[tilespmem:$0x1CC00] =	vst v63  }
0x59: {  	s28 =	sor.u32 $0xA80, s23  }
0x5a: {  	[spmem:s2] =	stream.indirect.scatter.add.f32 [tilespmem:s19], [sflag:$0x5], $0x80, s28, s16, $0xb8;
	[tilespmem:$0x1CC00] =	vst v63  }
0x5b: {  	_ =	swait.ge [sflag:s14], $0x4000  }
0x5c: {  	[sflag:s14] =	ssyncset.done $0x0  }
0x5d: {  	[sflag:s14] =	ssyncadd.s32 $0xFFFFC000  }
0x5e: {  	_ =	swait.ge [sflag:s18], $0x4000  }
0x5f: {  	[sflag:s18] =	ssyncset.done $0x0  }
0x60: {  	s29 =	sor.u32 $0x380, s23;
	[sflag:s18] =	ssyncadd.s32 $0xFFFFC000  }
0x61: {  	[tilespmem:s19], [sflag:$0x2] =	stream.indirect.gather [hbm4b:s4+s16], $0x80, s29, s16, $0xb8;
	[tilespmem:$0x1CC00] =	vst v63  }
0x62: {  	s30 =	sor.u32 $0xB00, s23  }
0x63: {  	[spmem:s2] =	stream.indirect.scatter.add.f32 [tilespmem:s17], [sflag:$0x5], $0x80, s30, s16, $0xb8;
	[tilespmem:$0x1CC00] =	vst v63  }
0x64: {  	_ =	swait.ge [sflag:s14], $0x4000  }
0x65: {  	[sflag:s14] =	ssyncset.done $0x0  }
0x66: {  	[sflag:s14] =	ssyncadd.s32 $0xFFFFC000  }
0x67: {  	_ =	swait.ge [sflag:s20], $0x4000  }
0x68: {  	[sflag:s20] =	ssyncset.done $0x0  }
0x69: {  	s25 =	simm.s32 @!p1 $0x3;
	[sflag:s20] =	ssyncadd.s32 $0xFFFFC000  }
0x6a: {  	_ =	swait.ge @!p1 [sflag:s25], $0x400  }
0x6b: {  	[sflag:s25] =	ssyncset.done @!p1 $0x0  }
0x6c: {  	s26 =	simm.s32 @!p1 $0x4;
	[sflag:s25] =	ssyncadd.s32 @!p1 $0xFFFFFC00  }
0x6d: {  	_ =	swait.ge @!p1 [sflag:s26], $0x400  }
0x6e: {  	s23 =	sxor.u32 @!p1 $0x400, s23;
	[sflag:s26] =	ssyncset.done @!p1 $0x0  }
0x6f: {  	s28 =	simm.s32 @!p1 $0x1000;
	s25 =	simm.s32 @!p1 $0x80;
	[sflag:s26] =	ssyncadd.s32 @!p1 $0xFFFFFC00  }
0x70: {  	[tilespmem:s28], [sflag:$0x1] =	stream.indirect.gather @!p1 [hbm4b:s4+s25], $0x80, s23, s25, $0xb8;
	[tilespmem:$0x1CC00] =	vst v63  }
0x71: {  	s31 =	sor.u32 $0x800, s29  }
0x72: {  	[spmem:s2] =	stream.indirect.scatter.add.f32 [tilespmem:s19], [sflag:$0x5], $0x80, s31, s16, $0xb8;
	[tilespmem:$0x1CC00] =	vst v63  }
0x73: {  	s24 =	simm.s32 $0x0;
	s23 =	simm.s32 $0x80;
	_ =	swait.ge [sflag:s14], $0x4000  }
.LBB2_2:
0x74: {  	[sflag:s14] =	ssyncset.done $0x0  }
0x75: {  	s25 =	smov.u32 s23;
	[sflag:s14] =	ssyncadd.s32 $0xFFFFC000  }
0x76: {  	s24 =	sadd.s32 $0x400, s24;
	p2 =	seq.s32 s25, $0x980;
	_ =	swait.ge [sflag:s18], $0x4000  }
0x77: {  	s26 =	sand.u32 @!p2 $0x400, s24;
	s28 =	rddreg [dreg:$0x3]  }
0x78: {  	s31 =	simm.s32 @!p2 $0x0;
	[sflag:s18] =	ssyncset.done $0x0;
	s29 =	rddreg [dreg:$0x4]  }
0x79: {  	s30 =	sxor.u32 @!p2 $0x400, s26;
	[sflag:s18] =	ssyncadd.s32 $0xFFFFC000;
	s28 =	sadd.s32 @!p2 s25, s28  }
0x7a: {  	[tilespmem:s30], [sflag:$0x3] =	stream.linear.gather @!p2 [hbm4b:s28+s31], $0x400, $0x38;
	[tilespmem:$0x1CC00] =	vst v63  }
0x7b: {  	s26 =	simm.s32 @p2 $0x400;
	s0 =	sor.u32 @!p2 $0x800, s30;
	s28 =	sadd.s32 @!p2 s25, s29  }
0x7c: {  	[tilespmem:s0], [sflag:$0x4] =	stream.linear.gather @!p2 [hbm4b:s28+s31], $0x400, $0x38;
	[tilespmem:$0x1CC00] =	vst v63  }
0x7d: {  	s30 =	sor.u32 $0x80, s26  }
0x7e: {  	[tilespmem:s19], [sflag:$0x2] =	stream.indirect.gather [hbm4b:s4+s16], $0x80, s30, s16, $0xb8;
	[tilespmem:$0x1CC00] =	vst v63  }
0x7f: {  	s28 =	sor.u32 $0x800, s26  }
0x80: {  	[spmem:s2] =	stream.indirect.scatter.add.f32 [tilespmem:s17], [sflag:$0x5], $0x80, s28, s16, $0xb8;
	[tilespmem:$0x1CC00] =	vst v63  }
0x81: {  	_ =	swait.ge [sflag:s14], $0x4000  }
0x82: {  	[sflag:s14] =	ssyncset.done $0x0  }
0x83: {  	[sflag:s14] =	ssyncadd.s32 $0xFFFFC000  }
0x84: {  	_ =	swait.ge [sflag:s20], $0x4000  }
0x85: {  	[sflag:s20] =	ssyncset.done $0x0  }
0x86: {  	s30 =	sor.u32 $0x100, s26;
	[sflag:s20] =	ssyncadd.s32 $0xFFFFC000  }
0x87: {  	[tilespmem:s17], [sflag:$0x1] =	stream.indirect.gather [hbm4b:s4+s16], $0x80, s30, s16, $0xb8;
	[tilespmem:$0x1CC00] =	vst v63  }
0x88: {  	s31 =	sor.u32 $0x880, s26  }
0x89: {  	[spmem:s2] =	stream.indirect.scatter.add.f32 [tilespmem:s19], [sflag:$0x5], $0x80, s31, s16, $0xb8;
	[tilespmem:$0x1CC00] =	vst v63  }
0x8a: {  	_ =	swait.ge [sflag:s14], $0x4000  }
0x8b: {  	[sflag:s14] =	ssyncset.done $0x0  }
0x8c: {  	[sflag:s14] =	ssyncadd.s32 $0xFFFFC000  }
0x8d: {  	_ =	swait.ge [sflag:s18], $0x4000  }
0x8e: {  	[sflag:s18] =	ssyncset.done $0x0  }
0x8f: {  	s29 =	sor.u32 $0x180, s26;
	[sflag:s18] =	ssyncadd.s32 $0xFFFFC000  }
0x90: {  	[tilespmem:s19], [sflag:$0x2] =	stream.indirect.gather [hbm4b:s4+s16], $0x80, s29, s16, $0xb8;
	[tilespmem:$0x1CC00] =	vst v63  }
0x91: {  	s30 =	sor.u32 $0x900, s26  }
0x92: {  	[spmem:s2] =	stream.indirect.scatter.add.f32 [tilespmem:s17], [sflag:$0x5], $0x80, s30, s16, $0xb8;
	[tilespmem:$0x1CC00] =	vst v63  }
0x93: {  	_ =	swait.ge [sflag:s14], $0x4000  }
0x94: {  	[sflag:s14] =	ssyncset.done $0x0  }
0x95: {  	[sflag:s14] =	ssyncadd.s32 $0xFFFFC000  }
0x96: {  	_ =	swait.ge [sflag:s20], $0x4000  }
0x97: {  	[sflag:s20] =	ssyncset.done $0x0  }
0x98: {  	s31 =	sor.u32 $0x200, s26;
	[sflag:s20] =	ssyncadd.s32 $0xFFFFC000  }
0x99: {  	[tilespmem:s17], [sflag:$0x1] =	stream.indirect.gather [hbm4b:s4+s16], $0x80, s31, s16, $0xb8;
	[tilespmem:$0x1CC00] =	vst v63  }
0x9a: {  	s29 =	sor.u32 $0x980, s26  }
0x9b: {  	[spmem:s2] =	stream.indirect.scatter.add.f32 [tilespmem:s19], [sflag:$0x5], $0x80, s29, s16, $0xb8;
	[tilespmem:$0x1CC00] =	vst v63  }
0x9c: {  	_ =	swait.ge [sflag:s14], $0x4000  }
0x9d: {  	[sflag:s14] =	ssyncset.done $0x0  }
0x9e: {  	[sflag:s14] =	ssyncadd.s32 $0xFFFFC000  }
0x9f: {  	_ =	swait.ge [sflag:s18], $0x4000  }
0xa0: {  	[sflag:s18] =	ssyncset.done $0x0  }
0xa1: {  	s30 =	sor.u32 $0x280, s26;
	[sflag:s18] =	ssyncadd.s32 $0xFFFFC000  }
0xa2: {  	[tilespmem:s19], [sflag:$0x2] =	stream.indirect.gather [hbm4b:s4+s16], $0x80, s30, s16, $0xb8;
	[tilespmem:$0x1CC00] =	vst v63  }
0xa3: {  	s31 =	sor.u32 $0xA00, s26  }
0xa4: {  	[spmem:s2] =	stream.indirect.scatter.add.f32 [tilespmem:s17], [sflag:$0x5], $0x80, s31, s16, $0xb8;
	[tilespmem:$0x1CC00] =	vst v63  }
0xa5: {  	_ =	swait.ge [sflag:s14], $0x4000  }
0xa6: {  	[sflag:s14] =	ssyncset.done $0x0  }
0xa7: {  	[sflag:s14] =	ssyncadd.s32 $0xFFFFC000  }
0xa8: {  	_ =	swait.ge [sflag:s20], $0x4000  }
0xa9: {  	[sflag:s20] =	ssyncset.done $0x0  }
0xaa: {  	s29 =	sor.u32 $0x300, s26;
	[sflag:s20] =	ssyncadd.s32 $0xFFFFC000  }
0xab: {  	[tilespmem:s17], [sflag:$0x1] =	stream.indirect.gather [hbm4b:s4+s16], $0x80, s29, s16, $0xb8;
	[tilespmem:$0x1CC00] =	vst v63  }
0xac: {  	s30 =	sor.u32 $0xA80, s26  }
0xad: {  	[spmem:s2] =	stream.indirect.scatter.add.f32 [tilespmem:s19], [sflag:$0x5], $0x80, s30, s16, $0xb8;
	[tilespmem:$0x1CC00] =	vst v63  }
0xae: {  	_ =	swait.ge [sflag:s14], $0x4000  }
0xaf: {  	[sflag:s14] =	ssyncset.done $0x0  }
0xb0: {  	[sflag:s14] =	ssyncadd.s32 $0xFFFFC000  }
0xb1: {  	_ =	swait.ge [sflag:s18], $0x4000  }
0xb2: {  	[sflag:s18] =	ssyncset.done $0x0  }
0xb3: {  	s31 =	sor.u32 $0x380, s26;
	[sflag:s18] =	ssyncadd.s32 $0xFFFFC000  }
0xb4: {  	[tilespmem:s19], [sflag:$0x2] =	stream.indirect.gather [hbm4b:s4+s16], $0x80, s31, s16, $0xb8;
	[tilespmem:$0x1CC00] =	vst v63  }
0xb5: {  	s25 =	sxor.u32 @!p2 $0x400, s26;
	s26 =	sor.u32 $0xB00, s26  }
0xb6: {  	[spmem:s2] =	stream.indirect.scatter.add.f32 [tilespmem:s17], [sflag:$0x5], $0x80, s26, s16, $0xb8;
	[tilespmem:$0x1CC00] =	vst v63  }
0xb7: {  	_ =	swait.ge [sflag:s14], $0x4000  }
0xb8: {  	[sflag:s14] =	ssyncset.done $0x0  }
0xb9: {  	[sflag:s14] =	ssyncadd.s32 $0xFFFFC000  }
0xba: {  	_ =	swait.ge [sflag:s20], $0x4000  }
0xbb: {  	[sflag:s20] =	ssyncset.done $0x0  }
0xbc: {  	s26 =	simm.s32 @!p2 $0x3;
	[sflag:s20] =	ssyncadd.s32 $0xFFFFC000  }
0xbd: {  	_ =	swait.ge @!p2 [sflag:s26], $0x400  }
0xbe: {  	[sflag:s26] =	ssyncset.done @!p2 $0x0  }
0xbf: {  	s28 =	simm.s32 @!p2 $0x4;
	[sflag:s26] =	ssyncadd.s32 @!p2 $0xFFFFFC00  }
0xc0: {  	s23 =	sadd.s32 $0x80, s23;
	_ =	swait.ge @!p2 [sflag:s28], $0x400  }
0xc1: {  	p1 =	sne.s32 s23, $0xA00;
	s29 =	simm.s32 @!p2 $0x1000;
	[sflag:s28] =	ssyncset.done @!p2 $0x0  }
.Ltmp0:
0xc2: {  	s26 =	simm.s32 @!p2 $0x80;
	[sflag:s28] =	ssyncadd.s32 @!p2 $0xFFFFFC00;
	(pc) =	sbr.rel @p1 .LBB2_2-.Ltmp0, $4  }
0xc3: {  	[tilespmem:s29], [sflag:$0x1] =	stream.indirect.gather @!p2 [hbm4b:s4+s26], $0x80, s25, s26, $0xb8;
	[tilespmem:$0x1CC00] =	vst v63  }
0xc4: {  	s0 =	sor.u32 $0x800, s31  }
0xc5: {  	[spmem:s2] =	stream.indirect.scatter.add.f32 [tilespmem:s19], [sflag:$0x5], $0x80, s0, s16, $0xb8;
	[tilespmem:$0x1CC00] =	vst v63  }
0xc6: {  	_ =	swait.ge [sflag:s14], $0x4000  }
0xc7: {  	[sflag:s14] =	ssyncset.done $0x0  }
0xc8: {  	[sflag:s14] =	ssyncadd.s32 $0xFFFFC000  }
0xc9: {  	s0 =	simm.s32 @p0 $0x5;
	[bflag:$0x0] =	sbarrier.arrive $0xFFFF  }
0xca: {  	[hbm:s11], [sflag:s7] =	dma.local @p0 [spmem:s21], $0x2080  }
0xcb: {  	_ =	swait.ge @p0 [sflag:s0], $0x2080  }
0xcc: {  	s22 =	sadd.s32 $0x1, s22;
	[sflag:s0] =	ssyncset.done @p0 $0x0  }
0xcd: {  	p1 =	sne.s32 s22, s12;
	[sflag:s0] =	ssyncadd.s32 @p0 $0xFFFFDF80;
	s0 =	sshrl.u32 @!p0 s5, $0x3  }
0xce: {  	[hbm:s10], [sflag:s7] =	dma.local @!p0 [spmem:s0], $0x2780  }
.Ltmp1:
0xcf: {  	_ = 	snop;
	(pc) =	sbr.rel @p1 .LBB2_1-.Ltmp1, $4  }
0xd0: {  	s0 =	simm.s32 @!p0 $0x5  }
0xd1: {  	_ =	swait.ge @!p0 [sflag:s0], $0x2780  }
0xd2: {  	[sflag:s0] =	ssyncset.done @!p0 $0x0  }
0xd3: {  	[sflag:s0] =	ssyncadd.s32 @!p0 $0xFFFFD880  }
0xd4: {  	_ =	sfence.sel $0x180000  }
0xd5: {  	[bflag:$0x0] =	sbarrier.arrive $0xFFFF  }
0xd6: {  	_ =	strace $0x9000004A  }
0xd7: {  	[bflag:$0x2] =	sbarrier.arrive $0xFFFF  }
0xd8: {  	p0 =	sne.s32 s1, $0x0;
	s0 =	rddreg [dreg:$0x2]  }
0xd9: {  	s0 =	sadd.s32 @!p0 $0x100000, s0  }
0xda: {  	[sflag:s0] =	ssyncadd.tile.s32 @!p0 $0x1;
	_ =	shalt  }
.Lfunc_end2:
_tile_overlayer_lowered:
.L_overlay_start_2:
0xdb: {  	(tag) =	ssettag $0x2  }
0xdc: {  	s0 =	rddreg [dreg:$0x0];
	s2 =	stileid.u32  }
0xdd: {  	s1 =	rddreg [dreg:$0x1];
	p0 =	sne.s32 s2, $0x0  }
0xde: {  	s3 =	rddreg [dreg:$0x2];
	[bflag:$0x3] =	sbarrier.arrive $0xFFFF;
	s2 =	simm.s32 @!p0 $0x1C05  }
0xdf: {  	[timem:s3], [sflag:s2] =	dma.local @!p0 [hbm:s0], s1  }
0xe0: {  	s0 =	simm.s32 @!p0 $0x5  }
0xe1: {  	_ =	swait.ge @!p0 [sflag:s0], s1  }
0xe2: {  	s1 =	ssub.s32 @!p0 $0x0, s1;
	[sflag:s0] =	ssyncset.done @!p0 $0x0  }
0xe3: {  	[sflag:s0] =	ssyncadd.s32 @!p0 s1  }
0xe4: {  	[bflag:$0x3] =	sbarrier.arrive $0xFFFF  }
0xe5: {  	_ =	shalt  }

// kernel: kernel.14.cloned.1.call-start
scs
__scs_entry_jumppad:
0x0: {  	(pc) =	sbr.rel $0x88, $3  }
0x1: {  	(tag) =	ssettag $0x0;
	lr =	simm.s32 $0x1  }
0x2: {  	[smem:$0x3F96] =	sst lr;
	_ =	strace $0xD0000000  }
0x3: {  	_ = 	snop  }
0x4: {  	_ = 	snop  }
0x5: {  	_ = 	snop  }
0x6: {  	_ = 	snop  }
0x7: {  	_ = 	snop  }
__scs_overlays_trampoline_lowered:
0x8: {  	[smem:$0x3FA5] =	sst s0  }
0x9: {  	[smem:$0x3FA6] =	sst s1  }
0xa: {  	[smem:$0x3FA7] =	sst s2  }
0xb: {  	[smem:$0x3FA8] =	sst s3  }
0xc: {  	[smem:$0x3FA9] =	sst s4  }
0xd: {  	[smem:$0x3FAA] =	sst s5  }
0xe: {  	[smem:$0x3FAB] =	sst s6  }
0xf: {  	[smem:$0x3FAC] =	sst s7  }
0x10: {  	[smem:$0x3FAD] =	sst s8  }
0x11: {  	[smem:$0x3FAE] =	sst s9;
	s0 =	simm.s32 @!p0 $0x0  }
0x12: {  	s1 =	sld [smem:$0x3F94];
	s0 =	simm.s32 @p0 $0x1  }
0x13: {  	[smem:$0x3FAF] =	sst s0;
	s0 =	simm.s32 @!p1 $0x0  }
0x14: {  	s2 =	sld [smem:$0x3F93];
	s0 =	simm.s32 @p1 $0x1  }
0x15: {  	[smem:$0x3FB0] =	sst s0;
	s0 =	simm.s32 @!p2 $0x0  }
0x16: {  	s3 =	sld [smem:$0x3FDB];
	s0 =	simm.s32 @p2 $0x1  }
0x17: {  	s4 =	simm.s32 $0x1BF5;
	[smem:$0x3FB2] =	sst s0  }
0x18: {  	s0 =	sld [smem:$0x3F95];
	_ =	swait.ge [sflag:s4], $0x0  }
0x19: {  	s7 =	sld [smem:$0x3F96]  }
0x1a: {  	s8 =	sadd.s32 $0xFFFFE003, lr  }
0x1b: {  	s9 =	sadd.s32 $0xFFFFFEF7, lr;
	s5 =	simm.s32 $0xFFFFFFFF;
	p2 =	slt.u32 s8, $0xFFFFF086  }
0x1c: {  	p1 =	slt.u32 s9, $0xF7A;
	s5 =	simm.s32 @!p2 $0x0  }
0x1d: {  	s5 =	simm.s32 @p1 $0x1;
	p0 =	seq.s32 s7, s2  }
0x1e: {  	s7 =	smul.u32 @!p0 $0xF7A, s2;
	p2 =	seq.s32 @!p0 s5, $0x0  }
0x1f: {  	s9 =	smul.u32 $0xF7A, s1;
	s8 =	simm.s32 @!p0 $0x1BF5;
	p2 =	por !p2, p0  }
0x20: {  	[sflag:s8] =	ssyncset.s32 @!p0 $0xFFFFF086;
	s6 =	sadd.s32 @!p0 s3, s7;
	s7 =	simm.s32 @!p0 $0x108  }
0x21: {  	s3 =	sadd.s32 s3, s9;
	s6 =	sadd.s32 @!p0 $0x88, s6;
	s7 =	simm.s32 @p2 $0x1082  }
0x22: {  	[simem:s7], [sflag:s8] =	dma.local @!p0 [hbm:s6], $0xF7A  }
0x23: {  	s9 =	sor.u32 $0xD0000000, s2;
	s6 =	simm.s32 $0x108;
	_ =	swait.ge @!p0 [sflag:s8], $0x0  }
0x24: {  	s3 =	sadd.s32 $0x88, s3;
	s6 =	simm.s32 @!p1 $0x1082;
	[sflag:s4] =	ssyncset.s32 $0xFFFFF086  }
0x25: {  	[simem:s6], [sflag:s4] =	dma.local [hbm:s3], $0xF7A  }
0x26: {  	[smem:$0x3F96] =	sst s1;
	(tag) =	ssettag s2;
	_ =	strace s9  }
0x27: {  	s1 =	sld [smem:$0x3FA6]  }
0x28: {  	s2 =	sld [smem:$0x3FA7]  }
0x29: {  	s4 =	sld [smem:$0x3FA9]  }
0x2a: {  	p0 =	seq.s32 s5, $0x0;
	s5 =	sld [smem:$0x3FAA]  }
0x2b: {  	s6 =	sld [smem:$0x3FAB]  }
0x2c: {  	s7 =	sld [smem:$0x3FAC]  }
0x2d: {  	s3 =	simm.s32 $0x108;
	s8 =	sld [smem:$0x3FAD]  }
0x2e: {  	s3 =	simm.s32 @!p0 $0x1082;
	s9 =	sld [smem:$0x3FAE]  }
0x2f: {  	lr =	sadd.s32 s0, s3;
	s0 =	sld [smem:$0x3FA5]  }
0x30: {  	s3 =	sld [smem:$0x3FA8]  }
0x31: {  	[smem:$0x3FB1] =	sst s10  }
0x32: {  	s10 =	sld [smem:$0x3FAF];
	_ =	sdelay $0x3  }
0x33: {  	p0 =	seq.s32 s10, $0x1;
	s10 =	sld [smem:$0x3FB1];
	_ =	sdelay $0x3  }
0x34: {  	[smem:$0x3FB1] =	sst s10  }
0x35: {  	s10 =	sld [smem:$0x3FB0];
	_ =	sdelay $0x3  }
0x36: {  	p1 =	seq.s32 s10, $0x1;
	s10 =	sld [smem:$0x3FB1];
	_ =	sdelay $0x3  }
0x37: {  	[smem:$0x3FB1] =	sst s10  }
0x38: {  	s10 =	sld [smem:$0x3FB2]  }
0x39: {  	_ = 	snop;
	(pc) =	sbr.ind lr, $3  }
0x3a: {  	_ = 	snop  }
0x3b: {  	_ = 	snop  }
0x3c: {  	p2 =	seq.s32 s10, $0x1;
	s10 =	sld [smem:$0x3FB1]  }
0x3d: {  	_ =	shalt  }
0x3e: {  	_ =	shalt  }
0x3f: {  	_ =	shalt  }
0x40: {  	_ =	shalt  }
0x41: {  	_ =	shalt  }
0x42: {  	_ =	shalt  }
0x43: {  	_ =	shalt  }
0x44: {  	_ =	shalt  }
0x45: {  	_ =	shalt  }
0x46: {  	_ =	shalt  }
0x47: {  	_ =	shalt  }
0x48: {  	_ =	shalt  }
0x49: {  	_ =	shalt  }
0x4a: {  	_ =	shalt  }
0x4b: {  	_ =	shalt  }
0x4c: {  	_ =	shalt  }
0x4d: {  	_ =	shalt  }
0x4e: {  	_ =	shalt  }
0x4f: {  	_ =	shalt  }
0x50: {  	_ =	shalt  }
0x51: {  	_ =	shalt  }
0x52: {  	_ =	shalt  }
0x53: {  	_ =	shalt  }
0x54: {  	_ =	shalt  }
0x55: {  	_ =	shalt  }
0x56: {  	_ =	shalt  }
0x57: {  	_ =	shalt  }
0x58: {  	_ =	shalt  }
0x59: {  	_ =	shalt  }
0x5a: {  	_ =	shalt  }
0x5b: {  	_ =	shalt  }
0x5c: {  	_ =	shalt  }
0x5d: {  	_ =	shalt  }
0x5e: {  	_ =	shalt  }
0x5f: {  	_ =	shalt  }
0x60: {  	_ =	shalt  }
0x61: {  	_ =	shalt  }
0x62: {  	_ =	shalt  }
0x63: {  	_ =	shalt  }
0x64: {  	_ =	shalt  }
0x65: {  	_ =	shalt  }
0x66: {  	_ =	shalt  }
0x67: {  	_ =	shalt  }
0x68: {  	_ =	shalt  }
0x69: {  	_ =	shalt  }
0x6a: {  	_ =	shalt  }
0x6b: {  	_ =	shalt  }
0x6c: {  	_ =	shalt  }
0x6d: {  	_ =	shalt  }
0x6e: {  	_ =	shalt  }
0x6f: {  	_ =	shalt  }
0x70: {  	_ =	shalt  }
0x71: {  	_ =	shalt  }
0x72: {  	_ =	shalt  }
0x73: {  	_ =	shalt  }
0x74: {  	_ =	shalt  }
0x75: {  	_ =	shalt  }
0x76: {  	_ =	shalt  }
0x77: {  	_ =	shalt  }
0x78: {  	_ =	shalt  }
0x79: {  	_ =	shalt  }
0x7a: {  	_ =	shalt  }
0x7b: {  	_ =	shalt  }
0x7c: {  	_ =	shalt  }
0x7d: {  	_ =	shalt  }
0x7e: {  	_ =	shalt  }
0x7f: {  	_ =	shalt  }
0x80: {  	_ =	shalt  }
0x81: {  	_ =	shalt  }
0x82: {  	_ =	shalt  }
0x83: {  	_ =	shalt  }
0x84: {  	_ =	shalt  }
0x85: {  	_ =	shalt  }
0x86: {  	_ =	shalt  }
0x87: {  	_ =	shalt  }
.Lfunc_end0:
.L_simem_size_0:
called_computation.2_lowered:
.L_overlay_start_0:
0x88: {  	s2 =	sld [smem:$0x3FD9]  }
0x89: {  	s3 =	sld [smem:$0x3FFE];
	_ =	sdelay $0x1  }
0x8a: {  	s1 =	srdreg.scid  }
0x8b: {  	s0 =	sand.u32 $0x1, s1  }
0x8c: {  	s17 =	sshll.u32 s0, $0xA;
	s2 =	sadd.s32 s3, s2  }
0x8d: {  	s2 =	sadd.s32 s2, s17  }
0x8e: {  	[smem:$0x3FBD] =	sst s2  }
0x8f: {  	_ = 	snop  }
0x90: {  	s2 =	sld [smem:$0x3FD0];
	(tm) =	ssettm $0x1  }
0x91: {  	s18 =	sld [smem:$0x3FFB];
	_ =	sdelay $0x3  }
0x92: {  	_ =	strace s18  }
0x93: {  	s3 =	sld [smem:$0x3FFC];
	_ =	sdelay $0x3  }
0x94: {  	_ =	strace s3  }
0x95: {  	s3 =	sld [smem:$0x3FFD];
	_ =	sdelay $0x3  }
0x96: {  	_ =	strace s3  }
0x97: {  	_ =	strace $0x8FFFFFFF  }
0x98: {  	s19 =	sld [smem:$0x3FDB];
	_ =	sdelay $0x1  }
0x99: {  	s4 =	simm.s32 $_scs_section_size  }
0x9a: {  	s5 =	simm.s32 $_size__tile_overlayer_lowered;
	s6 =	simm.s32 $_tile_overlayer_lowered  }
0x9b: {  	s22 =	simm.s32 $0x1BFF;
	s21 =	sshll.u32 s6, $0x1;
	s3 =	sadd.s32 s4, s19  }
0x9c: {  	s7 =	simm.s32 $0x0;
	s20 =	sshll.u32 s5, $0x1;
	s5 =	sadd.s32 s21, s3  }
0x9d: {  	[timem:s7], [sflag:s22] =	dma.local [hbm:s5], s20  }
0x9e: {  	_ =	swait.ge [sflag:s22], s20  }
0x9f: {  	s4 =	ssub.s32 $0x0, s20;
	[sflag:s22] =	ssyncset.done $0x0  }
0xa0: {  	[sflag:s22] =	ssyncadd.s32 s4;
	_ =	sdelay $0x1  }
0xa1: {  	s23 =	simm.s32 $0x1B8B  }
0xa2: {  	_ =	swait.ge [sflag:s23], $0x1  }
0xa3: {  	[sflag:s23] =	ssyncset.done $0x0  }
0xa4: {  	s25 =	simm.s32 $0x1B8E;
	s24 =	sld [smem:$0x3FFE];
	[sflag:s23] =	ssyncadd.s32 $0xFFFFFFFF  }
0xa5: {  	s26 =	simm.s32 $execute0_lowered;
	[smem:$0x3FD2] =	sst s25  }
0xa6: {  	s5 =	sshll.u32 s26, $0x1;
	_ =	strace $0x8000004C;
	[dreg:$0x1] =	wrdreg $0xFFFFFFFF  }
0xa7: {  	s28 =	simm.s32 $_size_execute0_lowered;
	s3 =	sadd.s32 s3, s5;
	[dreg:$0x0] =	wrdreg $0x0  }
0xa8: {  	s5 =	sshll.u32 s28, $0x1;
	[dreg:$0x2] =	wrdreg s3  }
0xa9: {  	[dreg:$0x3] =	wrdreg s5  }
0xaa: {  	[dreg:$0x4] =	wrdreg $0xC0  }
0xab: {  	_ =	task [dreg:s7], $0x5FFFF  }
0xac: {  	[dreg:$0x1] =	wrdreg $0xFFFFFFFF  }
0xad: {  	[dreg:$0x0] =	wrdreg $0x60  }
0xae: {  	[dreg:$0x2] =	wrdreg s2  }
0xaf: {  	[dreg:$0x3] =	wrdreg s24  }
0xb0: {  	[dreg:$0x4] =	wrdreg $0x9  }
0xb1: {  	_ =	task.clear_ibuf [dreg:s7], $0x5FFFF;
	_ =	strace $0x9000004C  }
0xb2: {  	s29 =	simm.s32 $0x9;
	_ =	strace $0x8000004E  }
0xb3: {  	_ =	swait.ge [sflag:s29], $0x1  }
0xb4: {  	[sflag:s29] =	ssyncadd.s32 $0xFFFFFFFF  }
0xb5: {  	_ =	strace $0x9000004E  }
0xb6: {  	_ =	sfence  }
0xb7: {  	s30 =	sld [smem:$0x0];
	_ =	sdelay $0x2  }
0xb8: {  	s31 =	sshll.u32 s1, $0xD;
	s1 =	sshrl.u32 s1, $0x2  }
0xb9: {  	s3 =	sand.u32 $0x4000, s31;
	s1 =	sadd.s32 s1, s30  }
0xba: {  	s0 =	sor.u32 s3, s0;
	s1 =	sshll.u32 s1, $0x11  }
0xbb: {  	s0 =	sor.u32 s1, s0  }
0xbc: {  	s0 =	sadd.s32 $0x8F2B, s0  }
0xbd: {  	[sflag:s0] =	ssyncadd.remote.s32 $0x1  }
0xbe: {  	_ =	sfence.sel $0xFFFF  }
0xbf: {  	[dreg:$0x0] =	wrdreg $0xFFFFFFFF;
	(pc) =	sbr.abs _section_cstart, $3  }
0xc0: {  	[dreg:$0x1] =	wrdreg $0xFFFFFFFF  }
0xc1: {  	_ =	task.clear_ibuf [dreg:s7], $0x2FFFF;
	_ =	strace $0x9FFFFFFF  }
0xc2: {  	(tm) =	ssettm $0x7FFFFFFF  }
0xc3: {  	_ =	shalt  }
tec
execute0_lowered:
.L_overlay_start_1:
0x0: {  	(tag) =	ssettag $0x1  }
0x1: {  	s0 =	srdreg.scid;
	s2 =	rddreg [dreg:$0x0]  }
0x2: {  	s5 =	rddreg [dreg:$0x1];
	s4 =	sand.u32 $0x1, s0  }
0x3: {  	s3 =	simm.s32 $0x0;
	s0 =	stileid.u32;
	s1 =	sshll.u32 s4, $0x4  }
0x4: {  	s8 =	simm.s32 $0x1;
	s9 =	simm.s32 $0x4E80;
	s1 =	sor.u32 s0, s1  }
0x5: {  	s10 =	simm.s32 $0xB280;
	s11 =	simm.s32 $0x11680;
	s6 =	smul.u32 $0xC80, s1  }
0x6: {  	s12 =	simm.s32 $0x0;
	[smem:$0x7FF] =	sst s3;
	s31 =	ssub.s32 $0x2, s4  }
0x7: {  	s7 =	sshrl.u32 s31, $0x1;
	s1 =	rddreg [dreg:$0x2];
	s6 =	sadd.s32 s6, s5  }
0x8: {  	_ =	strace $0x8000004D;
	s7 =	ssub.s32 s31, s7;
	s4 =	sadd.s32 $0x13CC00, s6  }
0x9: {  	s7 =	smax.u32 s7, $0x1;
	s5 =	sadd.s32 $0x155C00, s6;
	s6 =	sadd.s32 $0x2E00, s6  }
.LBB2_1:
0xa: {  	[tilespmem:s3], [sflag:$0x1] =	stream.linear.gather [hbm4b:s2+s3], $0x4E80, $0x38;
	[tilespmem:$0x17A80] =	vst v63  }
0xb: {  	_ =	swait.ge [sflag:s8], $0x4E80  }
0xc: {  	[sflag:s8] =	ssyncset.done $0x0  }
0xd: {  	[sflag:s8] =	ssyncadd.s32 $0xFFFFB180  }
0xe: {  	[tilespmem:s9], [sflag:$0x1] =	stream.linear.gather [hbm4b:s4+s3], $0x6200, $0x38;
	[tilespmem:$0x17A80] =	vst v63  }
0xf: {  	_ =	swait.ge [sflag:s8], $0x6200  }
0x10: {  	[sflag:s8] =	ssyncset.done $0x0  }
0x11: {  	[sflag:s8] =	ssyncadd.s32 $0xFFFF9E00  }
0x12: {  	[tilespmem:s10], [sflag:$0x1] =	stream.linear.gather [hbm4b:s5+s3], $0x6200, $0x38;
	[tilespmem:$0x17A80] =	vst v63  }
0x13: {  	_ =	swait.ge [sflag:s8], $0x6200  }
0x14: {  	[sflag:s8] =	ssyncset.done $0x0  }
0x15: {  	s13 =	simm.s32 $0x0;
	[sflag:s8] =	ssyncadd.s32 $0xFFFF9E00  }
0x16: {  	v0 =	vld [tilespmem:s13+$0xB280]  }
0x17: {  	v1 =	vld [tilespmem:s13+$0x4E80];
	_ =	sdelay $0x4  }
0x18: {  	v0 =	vshll.u32 v0, $0x1;
	v1 =	vshll.u32 v1, $0x1  }
0x19: {  	v0 =	vor.u32 $0x1, v0;
	_ =	sdelay $0x3  }
0x1a: {  	v1 =	vld.idx.msk [tilespmem:v1+s3+$0x0], $0xffff  }
0x1b: {  	v0 =	vld.idx.msk [tilespmem:v0+s3+$0x0], $0xffff;
	_ =	sdelay $0x4  }
0x1c: {  	v0 =	vadd.f32 v0, v1;
	_ =	sdelay $0x1  }
0x1d: {  	v0 =	vsub.f32 $0.0e+00, v0;
	_ =	sdelay $0x1  }
0x1e: {  	v0 =	vmul.f32 $1.442695020e+00, v0;
	_ =	sdelay $0x1  }
0x1f: {  	(erf) = vpow2.f32 v0;
	_ =	sdelay $0x8  }
0x20: {  	v0 =	vpop (erf)  }
0x21: {  	v1 =	vadd.f32 $1.000000000e+00, v0  }
0x22: {  	s15 =	simm.s32 $0x80  }
0x23: {  	s14 =	simm.s32 $0x400;
	v0 =	vld [tilespmem:s15+$0xB280];
	(erf) = vrcp.f32 v1  }
.LBB2_2:
0x24: {  	p0 =	sne.s32 s14, $0x18600  }
0x25: {  	v1 =	vld [tilespmem:s15+$0x4E80];
	_ =	sdelay $0x2  }
0x26: {  	v0 =	vshll.u32 v0, $0x1  }
0x27: {  	v0 =	vor.u32 $0x1, v0  }
0x28: {  	v1 =	vshll.u32 v1, $0x1;
	_ =	sdelay $0x1  }
0x29: {  	v2 =	vpop (erf)  }
0x2a: {  	[tilespmem:s13+$0x11680] =	vst v2;
	s13 =	smov.u32 s15  }
0x2b: {  	v0 =	vld.idx.msk [tilespmem:v0+s3+$0x0], $0xffff  }
0x2c: {  	v1 =	vld.idx.msk [tilespmem:v1+s3+$0x0], $0xffff;
	_ =	sdelay $0x5  }
0x2d: {  	v0 =	vadd.f32 v0, v1;
	_ =	sdelay $0x1  }
0x2e: {  	v0 =	vsub.f32 $0.0e+00, v0;
	_ =	sdelay $0x1  }
0x2f: {  	v0 =	vmul.f32 $1.442695020e+00, v0;
	_ =	sdelay $0x1  }
0x30: {  	(erf) = vpow2.f32 v0;
	_ =	sdelay $0x7  }
.Ltmp0:
0x31: {  	(pc) =	sbr.rel @p0 .LBB2_2-.Ltmp0, $4  }
0x32: {  	v0 =	vpop (erf)  }
0x33: {  	v1 =	vadd.f32 $1.000000000e+00, v0  }
0x34: {  	s15 =	sshra.s32 s14, $0x2  }
0x35: {  	s14 =	sadd.s32 $0x200, s14;
	v0 =	vld [tilespmem:s15+$0xB280];
	(erf) = vrcp.f32 v1  }
0x36: {  	_ = 	snop  }
0x37: {  	v1 =	vld [tilespmem:s15+$0x4E80];
	_ =	sdelay $0x2  }
0x38: {  	v0 =	vshll.u32 v0, $0x1  }
0x39: {  	v0 =	vor.u32 $0x1, v0  }
0x3a: {  	v1 =	vshll.u32 v1, $0x1;
	_ =	sdelay $0x1  }
0x3b: {  	v2 =	vpop (erf)  }
0x3c: {  	[tilespmem:s13+$0x11680] =	vst v2  }
0x3d: {  	v0 =	vld.idx.msk [tilespmem:v0+s3+$0x0], $0xffff  }
0x3e: {  	v1 =	vld.idx.msk [tilespmem:v1+s3+$0x0], $0xffff;
	_ =	sdelay $0x4  }
0x3f: {  	v0 =	vadd.f32 v0, v1;
	_ =	sdelay $0x1  }
0x40: {  	v0 =	vsub.f32 $0.0e+00, v0;
	_ =	sdelay $0x1  }
0x41: {  	v0 =	vmul.f32 $1.442695020e+00, v0;
	_ =	sdelay $0x1  }
0x42: {  	(erf) = vpow2.f32 v0;
	_ =	sdelay $0x8  }
0x43: {  	v0 =	vpop (erf)  }
0x44: {  	v0 =	vadd.f32 $1.000000000e+00, v0;
	_ =	sdelay $0x1  }
0x45: {  	(erf) = vrcp.f32 v0;
	_ =	sdelay $0x7  }
0x46: {  	s12 =	sadd.s32 $0x1, s12  }
0x47: {  	p0 =	sne.s32 s12, s7;
	v0 =	vpop (erf)  }
.Ltmp1:
0x48: {  	[tilespmem:s15+$0x11680] =	vst v0;
	(pc) =	sbr.rel @p0 .LBB2_1-.Ltmp1, $4  }
0x49: {  	[hbm4b:s6+s3] =	stream.linear.scatter [tilespmem:s11], [sflag:$0x1], $0x6200, $0x38;
	[tilespmem:$0x17A80] =	vst v63  }
0x4a: {  	_ =	swait.ge [sflag:s8], $0x6200  }
0x4b: {  	[sflag:s8] =	ssyncset.done $0x0  }
0x4c: {  	[sflag:s8] =	ssyncadd.s32 $0xFFFF9E00  }
0x4d: {  	_ =	sfence.sel $0x180000  }
0x4e: {  	[bflag:$0x0] =	sbarrier.arrive $0xFFFF  }
0x4f: {  	p0 =	sne.s32 s0, $0x0;
	_ =	strace $0x9000004D  }
0x50: {  	s0 =	sadd.s32 @!p0 $0x100000, s1;
	[bflag:$0x2] =	sbarrier.arrive $0xFFFF  }
0x51: {  	[sflag:s0] =	ssyncadd.tile.s32 @!p0 $0x1;
	_ =	shalt  }
.Lfunc_end2:
_tile_overlayer_lowered:
.L_overlay_start_2:
0x52: {  	(tag) =	ssettag $0x2  }
0x53: {  	s0 =	rddreg [dreg:$0x0];
	s2 =	stileid.u32  }
0x54: {  	s1 =	rddreg [dreg:$0x1];
	p0 =	sne.s32 s2, $0x0  }
0x55: {  	s3 =	rddreg [dreg:$0x2];
	[bflag:$0x3] =	sbarrier.arrive $0xFFFF;
	s2 =	simm.s32 @!p0 $0x1C01  }
0x56: {  	[timem:s3], [sflag:s2] =	dma.local @!p0 [hbm:s0], s1  }
0x57: {  	s0 =	simm.s32 @!p0 $0x1  }
0x58: {  	_ =	swait.ge @!p0 [sflag:s0], s1  }
0x59: {  	s1 =	ssub.s32 @!p0 $0x0, s1;
	[sflag:s0] =	ssyncset.done @!p0 $0x0  }
0x5a: {  	[sflag:s0] =	ssyncadd.s32 @!p0 s1  }
0x5b: {  	[bflag:$0x3] =	sbarrier.arrive $0xFFFF  }
0x5c: {  	_ =	shalt  }

// kernel: kernel.8.cloned.1.call-start
scs
__scs_entry_jumppad:
0x0: {  	(pc) =	sbr.rel $0x88, $3  }
0x1: {  	(tag) =	ssettag $0x0;
	lr =	simm.s32 $0x1  }
0x2: {  	[smem:$0x3F96] =	sst lr;
	_ =	strace $0xD0000000  }
0x3: {  	_ = 	snop  }
0x4: {  	_ = 	snop  }
0x5: {  	_ = 	snop  }
0x6: {  	_ = 	snop  }
0x7: {  	_ = 	snop  }
__scs_overlays_trampoline_lowered:
0x8: {  	[smem:$0x3FA5] =	sst s0  }
0x9: {  	[smem:$0x3FA6] =	sst s1  }
0xa: {  	[smem:$0x3FA7] =	sst s2  }
0xb: {  	[smem:$0x3FA8] =	sst s3  }
0xc: {  	[smem:$0x3FA9] =	sst s4  }
0xd: {  	[smem:$0x3FAA] =	sst s5  }
0xe: {  	[smem:$0x3FAB] =	sst s6  }
0xf: {  	[smem:$0x3FAC] =	sst s7  }
0x10: {  	[smem:$0x3FAD] =	sst s8  }
0x11: {  	[smem:$0x3FAE] =	sst s9;
	s0 =	simm.s32 @!p0 $0x0  }
0x12: {  	s1 =	sld [smem:$0x3F94];
	s0 =	simm.s32 @p0 $0x1  }
0x13: {  	[smem:$0x3FAF] =	sst s0;
	s0 =	simm.s32 @!p1 $0x0  }
0x14: {  	s2 =	sld [smem:$0x3F93];
	s0 =	simm.s32 @p1 $0x1  }
0x15: {  	[smem:$0x3FB0] =	sst s0;
	s0 =	simm.s32 @!p2 $0x0  }
0x16: {  	s3 =	sld [smem:$0x3FDB];
	s0 =	simm.s32 @p2 $0x1  }
0x17: {  	s4 =	simm.s32 $0x1BF5;
	[smem:$0x3FB2] =	sst s0  }
0x18: {  	s0 =	sld [smem:$0x3F95];
	_ =	swait.ge [sflag:s4], $0x0  }
0x19: {  	s7 =	sld [smem:$0x3F96]  }
0x1a: {  	s8 =	sadd.s32 $0xFFFFE003, lr  }
0x1b: {  	s9 =	sadd.s32 $0xFFFFFEF7, lr;
	s5 =	simm.s32 $0xFFFFFFFF;
	p2 =	slt.u32 s8, $0xFFFFF086  }
0x1c: {  	p1 =	slt.u32 s9, $0xF7A;
	s5 =	simm.s32 @!p2 $0x0  }
0x1d: {  	s5 =	simm.s32 @p1 $0x1;
	p0 =	seq.s32 s7, s2  }
0x1e: {  	s7 =	smul.u32 @!p0 $0xF7A, s2;
	p2 =	seq.s32 @!p0 s5, $0x0  }
0x1f: {  	s9 =	smul.u32 $0xF7A, s1;
	s8 =	simm.s32 @!p0 $0x1BF5;
	p2 =	por !p2, p0  }
0x20: {  	[sflag:s8] =	ssyncset.s32 @!p0 $0xFFFFF086;
	s6 =	sadd.s32 @!p0 s3, s7;
	s7 =	simm.s32 @!p0 $0x108  }
0x21: {  	s3 =	sadd.s32 s3, s9;
	s6 =	sadd.s32 @!p0 $0x88, s6;
	s7 =	simm.s32 @p2 $0x1082  }
0x22: {  	[simem:s7], [sflag:s8] =	dma.local @!p0 [hbm:s6], $0xF7A  }
0x23: {  	s9 =	sor.u32 $0xD0000000, s2;
	s6 =	simm.s32 $0x108;
	_ =	swait.ge @!p0 [sflag:s8], $0x0  }
0x24: {  	s3 =	sadd.s32 $0x88, s3;
	s6 =	simm.s32 @!p1 $0x1082;
	[sflag:s4] =	ssyncset.s32 $0xFFFFF086  }
0x25: {  	[simem:s6], [sflag:s4] =	dma.local [hbm:s3], $0xF7A  }
0x26: {  	[smem:$0x3F96] =	sst s1;
	(tag) =	ssettag s2;
	_ =	strace s9  }
0x27: {  	s1 =	sld [smem:$0x3FA6]  }
0x28: {  	s2 =	sld [smem:$0x3FA7]  }
0x29: {  	s4 =	sld [smem:$0x3FA9]  }
0x2a: {  	p0 =	seq.s32 s5, $0x0;
	s5 =	sld [smem:$0x3FAA]  }
0x2b: {  	s6 =	sld [smem:$0x3FAB]  }
0x2c: {  	s7 =	sld [smem:$0x3FAC]  }
0x2d: {  	s3 =	simm.s32 $0x108;
	s8 =	sld [smem:$0x3FAD]  }
0x2e: {  	s3 =	simm.s32 @!p0 $0x1082;
	s9 =	sld [smem:$0x3FAE]  }
0x2f: {  	lr =	sadd.s32 s0, s3;
	s0 =	sld [smem:$0x3FA5]  }
0x30: {  	s3 =	sld [smem:$0x3FA8]  }
0x31: {  	[smem:$0x3FB1] =	sst s10  }
0x32: {  	s10 =	sld [smem:$0x3FAF];
	_ =	sdelay $0x3  }
0x33: {  	p0 =	seq.s32 s10, $0x1;
	s10 =	sld [smem:$0x3FB1];
	_ =	sdelay $0x3  }
0x34: {  	[smem:$0x3FB1] =	sst s10  }
0x35: {  	s10 =	sld [smem:$0x3FB0];
	_ =	sdelay $0x3  }
0x36: {  	p1 =	seq.s32 s10, $0x1;
	s10 =	sld [smem:$0x3FB1];
	_ =	sdelay $0x3  }
0x37: {  	[smem:$0x3FB1] =	sst s10  }
0x38: {  	s10 =	sld [smem:$0x3FB2]  }
0x39: {  	_ = 	snop;
	(pc) =	sbr.ind lr, $3  }
0x3a: {  	_ = 	snop  }
0x3b: {  	_ = 	snop  }
0x3c: {  	p2 =	seq.s32 s10, $0x1;
	s10 =	sld [smem:$0x3FB1]  }
0x3d: {  	_ =	shalt  }
0x3e: {  	_ =	shalt  }
0x3f: {  	_ =	shalt  }
0x40: {  	_ =	shalt  }
0x41: {  	_ =	shalt  }
0x42: {  	_ =	shalt  }
0x43: {  	_ =	shalt  }
0x44: {  	_ =	shalt  }
0x45: {  	_ =	shalt  }
0x46: {  	_ =	shalt  }
0x47: {  	_ =	shalt  }
0x48: {  	_ =	shalt  }
0x49: {  	_ =	shalt  }
0x4a: {  	_ =	shalt  }
0x4b: {  	_ =	shalt  }
0x4c: {  	_ =	shalt  }
0x4d: {  	_ =	shalt  }
0x4e: {  	_ =	shalt  }
0x4f: {  	_ =	shalt  }
0x50: {  	_ =	shalt  }
0x51: {  	_ =	shalt  }
0x52: {  	_ =	shalt  }
0x53: {  	_ =	shalt  }
0x54: {  	_ =	shalt  }
0x55: {  	_ =	shalt  }
0x56: {  	_ =	shalt  }
0x57: {  	_ =	shalt  }
0x58: {  	_ =	shalt  }
0x59: {  	_ =	shalt  }
0x5a: {  	_ =	shalt  }
0x5b: {  	_ =	shalt  }
0x5c: {  	_ =	shalt  }
0x5d: {  	_ =	shalt  }
0x5e: {  	_ =	shalt  }
0x5f: {  	_ =	shalt  }
0x60: {  	_ =	shalt  }
0x61: {  	_ =	shalt  }
0x62: {  	_ =	shalt  }
0x63: {  	_ =	shalt  }
0x64: {  	_ =	shalt  }
0x65: {  	_ =	shalt  }
0x66: {  	_ =	shalt  }
0x67: {  	_ =	shalt  }
0x68: {  	_ =	shalt  }
0x69: {  	_ =	shalt  }
0x6a: {  	_ =	shalt  }
0x6b: {  	_ =	shalt  }
0x6c: {  	_ =	shalt  }
0x6d: {  	_ =	shalt  }
0x6e: {  	_ =	shalt  }
0x6f: {  	_ =	shalt  }
0x70: {  	_ =	shalt  }
0x71: {  	_ =	shalt  }
0x72: {  	_ =	shalt  }
0x73: {  	_ =	shalt  }
0x74: {  	_ =	shalt  }
0x75: {  	_ =	shalt  }
0x76: {  	_ =	shalt  }
0x77: {  	_ =	shalt  }
0x78: {  	_ =	shalt  }
0x79: {  	_ =	shalt  }
0x7a: {  	_ =	shalt  }
0x7b: {  	_ =	shalt  }
0x7c: {  	_ =	shalt  }
0x7d: {  	_ =	shalt  }
0x7e: {  	_ =	shalt  }
0x7f: {  	_ =	shalt  }
0x80: {  	_ =	shalt  }
0x81: {  	_ =	shalt  }
0x82: {  	_ =	shalt  }
0x83: {  	_ =	shalt  }
0x84: {  	_ =	shalt  }
0x85: {  	_ =	shalt  }
0x86: {  	_ =	shalt  }
0x87: {  	_ =	shalt  }
.Lfunc_end0:
.L_simem_size_0:
called_computation_lowered:
.L_overlay_start_0:
0x88: {  	s2 =	sld [smem:$0x3FD9]  }
0x89: {  	s3 =	sld [smem:$0x3FFE];
	_ =	sdelay $0x1  }
0x8a: {  	s1 =	srdreg.scid  }
0x8b: {  	s0 =	sand.u32 $0x1, s1  }
0x8c: {  	s16 =	sshll.u32 s0, $0xA;
	s2 =	sadd.s32 s3, s2  }
0x8d: {  	s2 =	sadd.s32 s2, s16  }
0x8e: {  	[smem:$0x3FBD] =	sst s2  }
0x8f: {  	_ = 	snop  }
0x90: {  	(tm) =	ssettm $0x1  }
0x91: {  	s17 =	sld [smem:$0x3FFB];
	_ =	sdelay $0x3  }
0x92: {  	_ =	strace s17  }
0x93: {  	s2 =	sld [smem:$0x3FFC];
	_ =	sdelay $0x3  }
0x94: {  	_ =	strace s2  }
0x95: {  	s2 =	sld [smem:$0x3FFD];
	_ =	sdelay $0x3  }
0x96: {  	_ =	strace s2  }
0x97: {  	_ =	strace $0x8FFFFFFF  }
0x98: {  	s18 =	sld [smem:$0x3FDB];
	_ =	sdelay $0x1  }
0x99: {  	s19 =	simm.s32 $_scs_section_size  }
0x9a: {  	s4 =	simm.s32 $_size__tile_overlayer_lowered;
	s5 =	simm.s32 $_tile_overlayer_lowered  }
0x9b: {  	s22 =	simm.s32 $0x1BFF;
	s21 =	sshll.u32 s5, $0x1;
	s2 =	sadd.s32 s19, s18  }
0x9c: {  	s6 =	simm.s32 $0x0;
	s20 =	sshll.u32 s4, $0x1;
	s4 =	sadd.s32 s21, s2  }
0x9d: {  	[timem:s6], [sflag:s22] =	dma.local [hbm:s4], s20  }
0x9e: {  	_ =	swait.ge [sflag:s22], s20  }
0x9f: {  	s3 =	ssub.s32 $0x0, s20;
	[sflag:s22] =	ssyncset.done $0x0  }
0xa0: {  	[sflag:s22] =	ssyncadd.s32 s3;
	_ =	sdelay $0x1  }
0xa1: {  	s23 =	simm.s32 $0x1B8B  }
0xa2: {  	_ =	swait.ge [sflag:s23], $0x1  }
0xa3: {  	[sflag:s23] =	ssyncset.done $0x0  }
0xa4: {  	s25 =	simm.s32 $0x1B8E;
	s24 =	sld [smem:$0x3FFE];
	[sflag:s23] =	ssyncadd.s32 $0xFFFFFFFF  }
0xa5: {  	s26 =	simm.s32 $execute0_lowered;
	[smem:$0x3FD2] =	sst s25  }
0xa6: {  	s4 =	sshll.u32 s26, $0x1;
	_ =	strace $0x80000046;
	[dreg:$0x1] =	wrdreg $0xFFFFFFFF  }
0xa7: {  	s28 =	simm.s32 $_size_execute0_lowered;
	s2 =	sadd.s32 s2, s4;
	[dreg:$0x0] =	wrdreg $0x0  }
0xa8: {  	s4 =	sshll.u32 s28, $0x1;
	[dreg:$0x2] =	wrdreg s2  }
0xa9: {  	[dreg:$0x3] =	wrdreg s4  }
0xaa: {  	[dreg:$0x4] =	wrdreg $0xC0  }
0xab: {  	_ =	task [dreg:s6], $0x5FFFF  }
0xac: {  	[dreg:$0x1] =	wrdreg $0xFFFFFFFF  }
0xad: {  	[dreg:$0x0] =	wrdreg $0x60  }
0xae: {  	[dreg:$0x2] =	wrdreg s24  }
0xaf: {  	[dreg:$0x3] =	wrdreg $0x90000  }
0xb0: {  	[dreg:$0x4] =	wrdreg $0x9  }
0xb1: {  	_ =	task.clear_ibuf [dreg:s6], $0x5FFFF;
	_ =	strace $0x90000046  }
0xb2: {  	s29 =	simm.s32 $0x9;
	_ =	strace $0x80000048  }
0xb3: {  	_ =	swait.ge [sflag:s29], $0x1  }
0xb4: {  	[sflag:s29] =	ssyncadd.s32 $0xFFFFFFFF  }
0xb5: {  	_ =	strace $0x90000048  }
0xb6: {  	_ =	sfence  }
0xb7: {  	s30 =	sld [smem:$0x0];
	_ =	sdelay $0x2  }
0xb8: {  	s31 =	sshll.u32 s1, $0xD;
	s1 =	sshrl.u32 s1, $0x2  }
0xb9: {  	s3 =	sand.u32 $0x4000, s31;
	s1 =	sadd.s32 s1, s30  }
0xba: {  	s0 =	sor.u32 s3, s0;
	s1 =	sshll.u32 s1, $0x11  }
0xbb: {  	s0 =	sor.u32 s1, s0  }
0xbc: {  	s0 =	sadd.s32 $0x8F2B, s0  }
0xbd: {  	[sflag:s0] =	ssyncadd.remote.s32 $0x1  }
0xbe: {  	_ =	sfence.sel $0xFFFF  }
0xbf: {  	[dreg:$0x0] =	wrdreg $0xFFFFFFFF;
	(pc) =	sbr.abs _section_cstart, $3  }
0xc0: {  	[dreg:$0x1] =	wrdreg $0xFFFFFFFF  }
0xc1: {  	_ =	task.clear_ibuf [dreg:s6], $0x2FFFF;
	_ =	strace $0x9FFFFFFF  }
0xc2: {  	(tm) =	ssettm $0x7FFFFFFF  }
0xc3: {  	_ =	shalt  }
tec
execute0_lowered:
.L_overlay_start_1:
0x0: {  	(tag) =	ssettag $0x1  }
0x1: {  	s5 =	rddreg [dreg:$0x0]  }
0x2: {  	s2 =	rddreg [dreg:$0x1]  }
0x3: {  	s3 =	simm.s32 $0x0;
	s1 =	stileid.u32;
	s7 =	srdreg.scid  }
0x4: {  	s18 =	simm.s32 $0x1;
	s19 =	simm.s32 $0x5000;
	s20 =	simm.s32 $0x2  }
0x5: {  	[smem:$0x7FF] =	sst s3;
	s10 =	smul.u32 $0x13C00, s1;
	s4 =	sadd.s32 $0x2AE00, s5  }
0x6: {  	s12 =	sadd.s32 $0x16E00, s5;
	s11 =	sadd.s32 $0x2E00, s5;
	s13 =	sand.u32 $0x1, s7  }
0x7: {  	s9 =	smul.u32 $0x4F000, s1;
	s14 =	sadd.s32 $0xEEA00, s5;
	s25 =	sshll.u32 s1, $0x6  }
0x8: {  	s17 =	smul.u32 $0xA00, s1;
	s21 =	sadd.s32 $0x128400, s2;
	p0 =	seq.s32 s1, $0xF  }
0x9: {  	_ =	strace $0x80000047;
	s7 =	ssub.s32 $0x2, s13;
	s16 =	smul.u32 $0x138800, s13  }
0xa: {  	s8 =	sshll.u32 s13, $0x4;
	s13 =	smul.u32 $0xA000, s13;
	s21 =	sshrl.u32 @p0 s21, $0x3  }
0xb: {  	s6 =	sshrl.u32 s10, $0x3;
	s22 =	sshrl.u32 s7, $0x1;
	s8 =	sor.u32 s1, s8  }
0xc: {  	s23 =	sshrl.u32 s9, $0x2;
	s6 =	sadd.s32 s6, s5;
	s15 =	ssub.s32 s7, s22  }
0xd: {  	s24 =	smul.u32 $0xA00, s8;
	s5 =	sadd.s32 s23, s2;
	s7 =	sor.u32 $0x1C05, s25  }
0xe: {  	s10 =	sadd.s32 s10, s16;
	s16 =	sshrl.u32 s16, $0x3;
	s26 =	sadd.s32 s13, s11  }
0xf: {  	s22 =	simm.s32 $0x0;
	s6 =	sadd.s32 $0xC7200, s6;
	s10 =	sshrl.u32 s10, $0x3  }
0x10: {  	s28 =	sadd.s32 s17, s26;
	s8 =	sadd.s32 s12, s24;
	s9 =	sadd.s32 s11, s24  }
0x11: {  	s10 =	sadd.s32 s14, s10;
	s14 =	sadd.s32 s14, s16;
	s12 =	sadd.s32 s13, s12  }
0x12: {  	s29 =	sadd.s32 $0x80, s28;
	s13 =	sshrl.u32 s5, $0x3;
	s16 =	simm.s32 $0x80  }
0x13: {  	s11 =	sadd.s32 $0x25080, s14;
	s30 =	sadd.s32 s17, s12;
	s12 =	smax.u32 s15, $0x1  }
0x14: {  	[dreg:$0x4] =	wrdreg s29;
	s14 =	simm.s32 $0x5;
	s31 =	sadd.s32 $0x80, s30  }
0x15: {  	s15 =	simm.s32 $0x800;
	s17 =	simm.s32 $0x1000;
	[dreg:$0x3] =	wrdreg s31  }
.LBB2_1:
0x16: {  	[spmem:s13], [sflag:s7] =	dma.local [hbm:s6], $0x2780  }
0x17: {  	_ =	swait.ge [sflag:s14], $0x2780  }
0x18: {  	[sflag:s14] =	ssyncset.done $0x0  }
0x19: {  	[sflag:s14] =	ssyncadd.s32 $0xFFFFD880  }
0x1a: {  	[bflag:$0x0] =	sbarrier.arrive $0xFFFF  }
0x1b: {  	[tilespmem:s3], [sflag:$0x5] =	stream.linear.gather [hbm4b:s8+s3], $0x400, $0x38;
	[tilespmem:$0x1CC00] =	vst v63  }
0x1c: {  	_ =	swait.ge [sflag:s14], $0x400  }
0x1d: {  	[sflag:s14] =	ssyncset.done $0x0  }
0x1e: {  	[sflag:s14] =	ssyncadd.s32 $0xFFFFFC00  }
0x1f: {  	[tilespmem:s15], [sflag:$0x5] =	stream.linear.gather [hbm4b:s9+s3], $0x400, $0x38;
	[tilespmem:$0x1CC00] =	vst v63  }
0x20: {  	_ =	swait.ge [sflag:s14], $0x400  }
0x21: {  	[sflag:s14] =	ssyncset.done $0x0  }
0x22: {  	p1 =	por $0x0, $0x0;
	[sflag:s14] =	ssyncadd.s32 $0xFFFFFC00  }
0x23: {  	[tilespmem:s17], [sflag:$0x1] =	stream.indirect.gather [hbm4b:s4+s16], $0x80, s3, s16, $0xb8;
	[tilespmem:$0x1CC00] =	vst v63  }
0x24: {  	s23 =	sand.u32 @!p1 $0x400, s3;
	s28 =	simm.s32 @!p1 $0x0;
	_ =	swait.ge [sflag:s18], $0x4000  }
0x25: {  	s26 =	sxor.u32 @!p1 $0x400, s23;
	s24 =	rddreg [dreg:$0x3];
	[sflag:s18] =	ssyncset.done $0x0  }
0x26: {  	s25 =	rddreg [dreg:$0x4];
	[sflag:s18] =	ssyncadd.s32 $0xFFFFC000;
	s24 =	sadd.s32 @!p1 $0x0, s24  }
0x27: {  	[tilespmem:s26], [sflag:$0x3] =	stream.linear.gather @!p1 [hbm4b:s24+s28], $0x400, $0x38;
	[tilespmem:$0x1CC00] =	vst v63  }
0x28: {  	s23 =	simm.s32 @p1 $0x400;
	s25 =	sadd.s32 @!p1 $0x0, s25;
	s24 =	sor.u32 @!p1 $0x800, s26  }
0x29: {  	[tilespmem:s24], [sflag:$0x4] =	stream.linear.gather @!p1 [hbm4b:s25+s28], $0x400, $0x38;
	[tilespmem:$0x1CC00] =	vst v63  }
0x2a: {  	s31 =	sor.u32 $0x80, s23  }
0x2b: {  	[tilespmem:s19], [sflag:$0x2] =	stream.indirect.gather [hbm4b:s4+s16], $0x80, s31, s16, $0xb8;
	[tilespmem:$0x1CC00] =	vst v63  }
0x2c: {  	s0 =	sor.u32 $0x800, s23  }
0x2d: {  	[spmem:s2] =	stream.indirect.scatter.add.f32 [tilespmem:s17], [sflag:$0x5], $0x80, s0, s16, $0xb8;
	[tilespmem:$0x1CC00] =	vst v63  }
0x2e: {  	_ =	swait.ge [sflag:s14], $0x4000  }
0x2f: {  	[sflag:s14] =	ssyncset.done $0x0  }
0x30: {  	[sflag:s14] =	ssyncadd.s32 $0xFFFFC000  }
0x31: {  	_ =	swait.ge [sflag:s20], $0x4000  }
0x32: {  	[sflag:s20] =	ssyncset.done $0x0  }
0x33: {  	s25 =	sor.u32 $0x100, s23;
	[sflag:s20] =	ssyncadd.s32 $0xFFFFC000  }
0x34: {  	[tilespmem:s17], [sflag:$0x1] =	stream.indirect.gather [hbm4b:s4+s16], $0x80, s25, s16, $0xb8;
	[tilespmem:$0x1CC00] =	vst v63  }
0x35: {  	s26 =	sor.u32 $0x880, s23  }
0x36: {  	[spmem:s2] =	stream.indirect.scatter.add.f32 [tilespmem:s19], [sflag:$0x5], $0x80, s26, s16, $0xb8;
	[tilespmem:$0x1CC00] =	vst v63  }
0x37: {  	_ =	swait.ge [sflag:s14], $0x4000  }
0x38: {  	[sflag:s14] =	ssyncset.done $0x0  }
0x39: {  	[sflag:s14] =	ssyncadd.s32 $0xFFFFC000  }
0x3a: {  	_ =	swait.ge [sflag:s18], $0x4000  }
0x3b: {  	[sflag:s18] =	ssyncset.done $0x0  }
0x3c: {  	s28 =	sor.u32 $0x180, s23;
	[sflag:s18] =	ssyncadd.s32 $0xFFFFC000  }
0x3d: {  	[tilespmem:s19], [sflag:$0x2] =	stream.indirect.gather [hbm4b:s4+s16], $0x80, s28, s16, $0xb8;
	[tilespmem:$0x1CC00] =	vst v63  }
0x3e: {  	s29 =	sor.u32 $0x900, s23  }
0x3f: {  	[spmem:s2] =	stream.indirect.scatter.add.f32 [tilespmem:s17], [sflag:$0x5], $0x80, s29, s16, $0xb8;
	[tilespmem:$0x1CC00] =	vst v63  }
0x40: {  	_ =	swait.ge [sflag:s14], $0x4000  }
0x41: {  	[sflag:s14] =	ssyncset.done $0x0  }
0x42: {  	[sflag:s14] =	ssyncadd.s32 $0xFFFFC000  }
0x43: {  	_ =	swait.ge [sflag:s20], $0x4000  }
0x44: {  	[sflag:s20] =	ssyncset.done $0x0  }
0x45: {  	s30 =	sor.u32 $0x200, s23;
	[sflag:s20] =	ssyncadd.s32 $0xFFFFC000  }
0x46: {  	[tilespmem:s17], [sflag:$0x1] =	stream.indirect.gather [hbm4b:s4+s16], $0x80, s30, s16, $0xb8;
	[tilespmem:$0x1CC00] =	vst v63  }
0x47: {  	s31 =	sor.u32 $0x980, s23  }
0x48: {  	[spmem:s2] =	stream.indirect.scatter.add.f32 [tilespmem:s19], [sflag:$0x5], $0x80, s31, s16, $0xb8;
	[tilespmem:$0x1CC00] =	vst v63  }
0x49: {  	_ =	swait.ge [sflag:s14], $0x4000  }
0x4a: {  	[sflag:s14] =	ssyncset.done $0x0  }
0x4b: {  	[sflag:s14] =	ssyncadd.s32 $0xFFFFC000  }
0x4c: {  	_ =	swait.ge [sflag:s18], $0x4000  }
0x4d: {  	[sflag:s18] =	ssyncset.done $0x0  }
0x4e: {  	s0 =	sor.u32 $0x280, s23;
	[sflag:s18] =	ssyncadd.s32 $0xFFFFC000  }
0x4f: {  	[tilespmem:s19], [sflag:$0x2] =	stream.indirect.gather [hbm4b:s4+s16], $0x80, s0, s16, $0xb8;
	[tilespmem:$0x1CC00] =	vst v63  }
0x50: {  	s25 =	sor.u32 $0xA00, s23  }
0x51: {  	[spmem:s2] =	stream.indirect.scatter.add.f32 [tilespmem:s17], [sflag:$0x5], $0x80, s25, s16, $0xb8;
	[tilespmem:$0x1CC00] =	vst v63  }
0x52: {  	_ =	swait.ge [sflag:s14], $0x4000  }
0x53: {  	[sflag:s14] =	ssyncset.done $0x0  }
0x54: {  	[sflag:s14] =	ssyncadd.s32 $0xFFFFC000  }
0x55: {  	_ =	swait.ge [sflag:s20], $0x4000  }
0x56: {  	[sflag:s20] =	ssyncset.done $0x0  }
0x57: {  	s26 =	sor.u32 $0x300, s23;
	[sflag:s20] =	ssyncadd.s32 $0xFFFFC000  }
0x58: {  	[tilespmem:s17], [sflag:$0x1] =	stream.indirect.gather [hbm4b:s4+s16], $0x80, s26, s16, $0xb8;
	[tilespmem:$0x1CC00] =	vst v63  }
0x59: {  	s28 =	sor.u32 $0xA80, s23  }
0x5a: {  	[spmem:s2] =	stream.indirect.scatter.add.f32 [tilespmem:s19], [sflag:$0x5], $0x80, s28, s16, $0xb8;
	[tilespmem:$0x1CC00] =	vst v63  }
0x5b: {  	_ =	swait.ge [sflag:s14], $0x4000  }
0x5c: {  	[sflag:s14] =	ssyncset.done $0x0  }
0x5d: {  	[sflag:s14] =	ssyncadd.s32 $0xFFFFC000  }
0x5e: {  	_ =	swait.ge [sflag:s18], $0x4000  }
0x5f: {  	[sflag:s18] =	ssyncset.done $0x0  }
0x60: {  	s29 =	sor.u32 $0x380, s23;
	[sflag:s18] =	ssyncadd.s32 $0xFFFFC000  }
0x61: {  	[tilespmem:s19], [sflag:$0x2] =	stream.indirect.gather [hbm4b:s4+s16], $0x80, s29, s16, $0xb8;
	[tilespmem:$0x1CC00] =	vst v63  }
0x62: {  	s30 =	sor.u32 $0xB00, s23  }
0x63: {  	[spmem:s2] =	stream.indirect.scatter.add.f32 [tilespmem:s17], [sflag:$0x5], $0x80, s30, s16, $0xb8;
	[tilespmem:$0x1CC00] =	vst v63  }
0x64: {  	_ =	swait.ge [sflag:s14], $0x4000  }
0x65: {  	[sflag:s14] =	ssyncset.done $0x0  }
0x66: {  	[sflag:s14] =	ssyncadd.s32 $0xFFFFC000  }
0x67: {  	_ =	swait.ge [sflag:s20], $0x4000  }
0x68: {  	[sflag:s20] =	ssyncset.done $0x0  }
0x69: {  	s25 =	simm.s32 @!p1 $0x3;
	[sflag:s20] =	ssyncadd.s32 $0xFFFFC000  }
0x6a: {  	_ =	swait.ge @!p1 [sflag:s25], $0x400  }
0x6b: {  	[sflag:s25] =	ssyncset.done @!p1 $0x0  }
0x6c: {  	s26 =	simm.s32 @!p1 $0x4;
	[sflag:s25] =	ssyncadd.s32 @!p1 $0xFFFFFC00  }
0x6d: {  	_ =	swait.ge @!p1 [sflag:s26], $0x400  }
0x6e: {  	s23 =	sxor.u32 @!p1 $0x400, s23;
	[sflag:s26] =	ssyncset.done @!p1 $0x0  }
0x6f: {  	s28 =	simm.s32 @!p1 $0x1000;
	s25 =	simm.s32 @!p1 $0x80;
	[sflag:s26] =	ssyncadd.s32 @!p1 $0xFFFFFC00  }
0x70: {  	[tilespmem:s28], [sflag:$0x1] =	stream.indirect.gather @!p1 [hbm4b:s4+s25], $0x80, s23, s25, $0xb8;
	[tilespmem:$0x1CC00] =	vst v63  }
0x71: {  	s31 =	sor.u32 $0x800, s29  }
0x72: {  	[spmem:s2] =	stream.indirect.scatter.add.f32 [tilespmem:s19], [sflag:$0x5], $0x80, s31, s16, $0xb8;
	[tilespmem:$0x1CC00] =	vst v63  }
0x73: {  	s24 =	simm.s32 $0x0;
	s23 =	simm.s32 $0x80;
	_ =	swait.ge [sflag:s14], $0x4000  }
.LBB2_2:
0x74: {  	[sflag:s14] =	ssyncset.done $0x0  }
0x75: {  	s25 =	smov.u32 s23;
	[sflag:s14] =	ssyncadd.s32 $0xFFFFC000  }
0x76: {  	s24 =	sadd.s32 $0x400, s24;
	p2 =	seq.s32 s25, $0x980;
	_ =	swait.ge [sflag:s18], $0x4000  }
0x77: {  	s26 =	sand.u32 @!p2 $0x400, s24;
	s28 =	rddreg [dreg:$0x3]  }
0x78: {  	s31 =	simm.s32 @!p2 $0x0;
	[sflag:s18] =	ssyncset.done $0x0;
	s29 =	rddreg [dreg:$0x4]  }
0x79: {  	s30 =	sxor.u32 @!p2 $0x400, s26;
	[sflag:s18] =	ssyncadd.s32 $0xFFFFC000;
	s28 =	sadd.s32 @!p2 s25, s28  }
0x7a: {  	[tilespmem:s30], [sflag:$0x3] =	stream.linear.gather @!p2 [hbm4b:s28+s31], $0x400, $0x38;
	[tilespmem:$0x1CC00] =	vst v63  }
0x7b: {  	s26 =	simm.s32 @p2 $0x400;
	s0 =	sor.u32 @!p2 $0x800, s30;
	s28 =	sadd.s32 @!p2 s25, s29  }
0x7c: {  	[tilespmem:s0], [sflag:$0x4] =	stream.linear.gather @!p2 [hbm4b:s28+s31], $0x400, $0x38;
	[tilespmem:$0x1CC00] =	vst v63  }
0x7d: {  	s30 =	sor.u32 $0x80, s26  }
0x7e: {  	[tilespmem:s19], [sflag:$0x2] =	stream.indirect.gather [hbm4b:s4+s16], $0x80, s30, s16, $0xb8;
	[tilespmem:$0x1CC00] =	vst v63  }
0x7f: {  	s28 =	sor.u32 $0x800, s26  }
0x80: {  	[spmem:s2] =	stream.indirect.scatter.add.f32 [tilespmem:s17], [sflag:$0x5], $0x80, s28, s16, $0xb8;
	[tilespmem:$0x1CC00] =	vst v63  }
0x81: {  	_ =	swait.ge [sflag:s14], $0x4000  }
0x82: {  	[sflag:s14] =	ssyncset.done $0x0  }
0x83: {  	[sflag:s14] =	ssyncadd.s32 $0xFFFFC000  }
0x84: {  	_ =	swait.ge [sflag:s20], $0x4000  }
0x85: {  	[sflag:s20] =	ssyncset.done $0x0  }
0x86: {  	s30 =	sor.u32 $0x100, s26;
	[sflag:s20] =	ssyncadd.s32 $0xFFFFC000  }
0x87: {  	[tilespmem:s17], [sflag:$0x1] =	stream.indirect.gather [hbm4b:s4+s16], $0x80, s30, s16, $0xb8;
	[tilespmem:$0x1CC00] =	vst v63  }
0x88: {  	s31 =	sor.u32 $0x880, s26  }
0x89: {  	[spmem:s2] =	stream.indirect.scatter.add.f32 [tilespmem:s19], [sflag:$0x5], $0x80, s31, s16, $0xb8;
	[tilespmem:$0x1CC00] =	vst v63  }
0x8a: {  	_ =	swait.ge [sflag:s14], $0x4000  }
0x8b: {  	[sflag:s14] =	ssyncset.done $0x0  }
0x8c: {  	[sflag:s14] =	ssyncadd.s32 $0xFFFFC000  }
0x8d: {  	_ =	swait.ge [sflag:s18], $0x4000  }
0x8e: {  	[sflag:s18] =	ssyncset.done $0x0  }
0x8f: {  	s29 =	sor.u32 $0x180, s26;
	[sflag:s18] =	ssyncadd.s32 $0xFFFFC000  }
0x90: {  	[tilespmem:s19], [sflag:$0x2] =	stream.indirect.gather [hbm4b:s4+s16], $0x80, s29, s16, $0xb8;
	[tilespmem:$0x1CC00] =	vst v63  }
0x91: {  	s30 =	sor.u32 $0x900, s26  }
0x92: {  	[spmem:s2] =	stream.indirect.scatter.add.f32 [tilespmem:s17], [sflag:$0x5], $0x80, s30, s16, $0xb8;
	[tilespmem:$0x1CC00] =	vst v63  }
0x93: {  	_ =	swait.ge [sflag:s14], $0x4000  }
0x94: {  	[sflag:s14] =	ssyncset.done $0x0  }
0x95: {  	[sflag:s14] =	ssyncadd.s32 $0xFFFFC000  }
0x96: {  	_ =	swait.ge [sflag:s20], $0x4000  }
0x97: {  	[sflag:s20] =	ssyncset.done $0x0  }
0x98: {  	s31 =	sor.u32 $0x200, s26;
	[sflag:s20] =	ssyncadd.s32 $0xFFFFC000  }
0x99: {  	[tilespmem:s17], [sflag:$0x1] =	stream.indirect.gather [hbm4b:s4+s16], $0x80, s31, s16, $0xb8;
	[tilespmem:$0x1CC00] =	vst v63  }
0x9a: {  	s29 =	sor.u32 $0x980, s26  }
0x9b: {  	[spmem:s2] =	stream.indirect.scatter.add.f32 [tilespmem:s19], [sflag:$0x5], $0x80, s29, s16, $0xb8;
	[tilespmem:$0x1CC00] =	vst v63  }
0x9c: {  	_ =	swait.ge [sflag:s14], $0x4000  }
0x9d: {  	[sflag:s14] =	ssyncset.done $0x0  }
0x9e: {  	[sflag:s14] =	ssyncadd.s32 $0xFFFFC000  }
0x9f: {  	_ =	swait.ge [sflag:s18], $0x4000  }
0xa0: {  	[sflag:s18] =	ssyncset.done $0x0  }
0xa1: {  	s30 =	sor.u32 $0x280, s26;
	[sflag:s18] =	ssyncadd.s32 $0xFFFFC000  }
0xa2: {  	[tilespmem:s19], [sflag:$0x2] =	stream.indirect.gather [hbm4b:s4+s16], $0x80, s30, s16, $0xb8;
	[tilespmem:$0x1CC00] =	vst v63  }
0xa3: {  	s31 =	sor.u32 $0xA00, s26  }
0xa4: {  	[spmem:s2] =	stream.indirect.scatter.add.f32 [tilespmem:s17], [sflag:$0x5], $0x80, s31, s16, $0xb8;
	[tilespmem:$0x1CC00] =	vst v63  }
0xa5: {  	_ =	swait.ge [sflag:s14], $0x4000  }
0xa6: {  	[sflag:s14] =	ssyncset.done $0x0  }
0xa7: {  	[sflag:s14] =	ssyncadd.s32 $0xFFFFC000  }
0xa8: {  	_ =	swait.ge [sflag:s20], $0x4000  }
0xa9: {  	[sflag:s20] =	ssyncset.done $0x0  }
0xaa: {  	s29 =	sor.u32 $0x300, s26;
	[sflag:s20] =	ssyncadd.s32 $0xFFFFC000  }
0xab: {  	[tilespmem:s17], [sflag:$0x1] =	stream.indirect.gather [hbm4b:s4+s16], $0x80, s29, s16, $0xb8;
	[tilespmem:$0x1CC00] =	vst v63  }
0xac: {  	s30 =	sor.u32 $0xA80, s26  }
0xad: {  	[spmem:s2] =	stream.indirect.scatter.add.f32 [tilespmem:s19], [sflag:$0x5], $0x80, s30, s16, $0xb8;
	[tilespmem:$0x1CC00] =	vst v63  }
0xae: {  	_ =	swait.ge [sflag:s14], $0x4000  }
0xaf: {  	[sflag:s14] =	ssyncset.done $0x0  }
0xb0: {  	[sflag:s14] =	ssyncadd.s32 $0xFFFFC000  }
0xb1: {  	_ =	swait.ge [sflag:s18], $0x4000  }
0xb2: {  	[sflag:s18] =	ssyncset.done $0x0  }
0xb3: {  	s31 =	sor.u32 $0x380, s26;
	[sflag:s18] =	ssyncadd.s32 $0xFFFFC000  }
0xb4: {  	[tilespmem:s19], [sflag:$0x2] =	stream.indirect.gather [hbm4b:s4+s16], $0x80, s31, s16, $0xb8;
	[tilespmem:$0x1CC00] =	vst v63  }
0xb5: {  	s25 =	sxor.u32 @!p2 $0x400, s26;
	s26 =	sor.u32 $0xB00, s26  }
0xb6: {  	[spmem:s2] =	stream.indirect.scatter.add.f32 [tilespmem:s17], [sflag:$0x5], $0x80, s26, s16, $0xb8;
	[tilespmem:$0x1CC00] =	vst v63  }
0xb7: {  	_ =	swait.ge [sflag:s14], $0x4000  }
0xb8: {  	[sflag:s14] =	ssyncset.done $0x0  }
0xb9: {  	[sflag:s14] =	ssyncadd.s32 $0xFFFFC000  }
0xba: {  	_ =	swait.ge [sflag:s20], $0x4000  }
0xbb: {  	[sflag:s20] =	ssyncset.done $0x0  }
0xbc: {  	s26 =	simm.s32 @!p2 $0x3;
	[sflag:s20] =	ssyncadd.s32 $0xFFFFC000  }
0xbd: {  	_ =	swait.ge @!p2 [sflag:s26], $0x400  }
0xbe: {  	[sflag:s26] =	ssyncset.done @!p2 $0x0  }
0xbf: {  	s28 =	simm.s32 @!p2 $0x4;
	[sflag:s26] =	ssyncadd.s32 @!p2 $0xFFFFFC00  }
0xc0: {  	s23 =	sadd.s32 $0x80, s23;
	_ =	swait.ge @!p2 [sflag:s28], $0x400  }
0xc1: {  	p1 =	sne.s32 s23, $0xA00;
	s29 =	simm.s32 @!p2 $0x1000;
	[sflag:s28] =	ssyncset.done @!p2 $0x0  }
.Ltmp0:
0xc2: {  	s26 =	simm.s32 @!p2 $0x80;
	[sflag:s28] =	ssyncadd.s32 @!p2 $0xFFFFFC00;
	(pc) =	sbr.rel @p1 .LBB2_2-.Ltmp0, $4  }
0xc3: {  	[tilespmem:s29], [sflag:$0x1] =	stream.indirect.gather @!p2 [hbm4b:s4+s26], $0x80, s25, s26, $0xb8;
	[tilespmem:$0x1CC00] =	vst v63  }
0xc4: {  	s0 =	sor.u32 $0x800, s31  }
0xc5: {  	[spmem:s2] =	stream.indirect.scatter.add.f32 [tilespmem:s19], [sflag:$0x5], $0x80, s0, s16, $0xb8;
	[tilespmem:$0x1CC00] =	vst v63  }
0xc6: {  	_ =	swait.ge [sflag:s14], $0x4000  }
0xc7: {  	[sflag:s14] =	ssyncset.done $0x0  }
0xc8: {  	[sflag:s14] =	ssyncadd.s32 $0xFFFFC000  }
0xc9: {  	s0 =	simm.s32 @p0 $0x5;
	[bflag:$0x0] =	sbarrier.arrive $0xFFFF  }
0xca: {  	[hbm:s11], [sflag:s7] =	dma.local @p0 [spmem:s21], $0x2080  }
0xcb: {  	_ =	swait.ge @p0 [sflag:s0], $0x2080  }
0xcc: {  	s22 =	sadd.s32 $0x1, s22;
	[sflag:s0] =	ssyncset.done @p0 $0x0  }
0xcd: {  	p1 =	sne.s32 s22, s12;
	[sflag:s0] =	ssyncadd.s32 @p0 $0xFFFFDF80;
	s0 =	sshrl.u32 @!p0 s5, $0x3  }
0xce: {  	[hbm:s10], [sflag:s7] =	dma.local @!p0 [spmem:s0], $0x2780  }
.Ltmp1:
0xcf: {  	_ = 	snop;
	(pc) =	sbr.rel @p1 .LBB2_1-.Ltmp1, $4  }
0xd0: {  	s0 =	simm.s32 @!p0 $0x5  }
0xd1: {  	_ =	swait.ge @!p0 [sflag:s0], $0x2780  }
0xd2: {  	[sflag:s0] =	ssyncset.done @!p0 $0x0  }
0xd3: {  	[sflag:s0] =	ssyncadd.s32 @!p0 $0xFFFFD880  }
0xd4: {  	_ =	sfence.sel $0x180000  }
0xd5: {  	[bflag:$0x0] =	sbarrier.arrive $0xFFFF  }
0xd6: {  	_ =	strace $0x90000047  }
0xd7: {  	[bflag:$0x2] =	sbarrier.arrive $0xFFFF  }
0xd8: {  	p0 =	sne.s32 s1, $0x0;
	s0 =	rddreg [dreg:$0x2]  }
0xd9: {  	s0 =	sadd.s32 @!p0 $0x100000, s0  }
0xda: {  	[sflag:s0] =	ssyncadd.tile.s32 @!p0 $0x1;
	_ =	shalt  }
.Lfunc_end2:
_tile_overlayer_lowered:
.L_overlay_start_2:
0xdb: {  	(tag) =	ssettag $0x2  }
0xdc: {  	s0 =	rddreg [dreg:$0x0];
	s2 =	stileid.u32  }
0xdd: {  	s1 =	rddreg [dreg:$0x1];
	p0 =	sne.s32 s2, $0x0  }
0xde: {  	s3 =	rddreg [dreg:$0x2];
	[bflag:$0x3] =	sbarrier.arrive $0xFFFF;
	s2 =	simm.s32 @!p0 $0x1C05  }
0xdf: {  	[timem:s3], [sflag:s2] =	dma.local @!p0 [hbm:s0], s1  }
0xe0: {  	s0 =	simm.s32 @!p0 $0x5  }
0xe1: {  	_ =	swait.ge @!p0 [sflag:s0], s1  }
0xe2: {  	s1 =	ssub.s32 @!p0 $0x0, s1;
	[sflag:s0] =	ssyncset.done @!p0 $0x0  }
0xe3: {  	[sflag:s0] =	ssyncadd.s32 @!p0 s1  }
0xe4: {  	[bflag:$0x3] =	sbarrier.arrive $0xFFFF  }
0xe5: {  	_ =	shalt  }

</sc_bundles>
